<compile_context>
chip_gen: v7x
topology: tpu7x:2x2x1
jax: 0.10.2.dev20260603
libtpu: 0.0.44.dev20260713+nightly
codegen_flags: <defaults>
</compile_context>

<pallas_src>
import functools

import jax
import jax.numpy as jnp
from jax import lax
from jax.experimental import pallas as pl
from jax.experimental.pallas import tpu as pltpu
from jax.experimental.pallas import tpu_sc as plsc

N = 50000
D = 592
LANES = 16
NC = 2
NS = 16

CB = 1664
NTAIL = 80
TAIL0 = N - NTAIL
UNITS = D // 8
TROWS = D // 2
NIN = 2

_mesh = plsc.VectorSubcoreMesh(core_axis_name="c", subcore_axis_name="s")


def _seg_of_unit(u):
    if isinstance(u, int):
        return int(u >= 16) + int(u >= 40) + int(u >= 60)
    return (
        (u >= 16).astype(jnp.int32)
        + (u >= 40).astype(jnp.int32)
        + (u >= 60).astype(jnp.int32)
    )


@functools.partial(
    pl.kernel,
    mesh=_mesh,
    out_type=jax.ShapeDtypeStruct((D, N), jnp.float32),
    scratch_types=[
        pltpu.VMEM((NIN, 8, CB), jnp.float32),
        pltpu.VMEM((2, 8, CB), jnp.float32),
        pltpu.VMEM((4, CB), jnp.float32),
        pltpu.VMEM((152, NTAIL), jnp.float32),
        pltpu.VMEM((4, NTAIL), jnp.float32),
        pltpu.SemaphoreType.DMA,
        pltpu.SemaphoreType.DMA,
        pltpu.SemaphoreType.DMA,
        pltpu.SemaphoreType.DMA,
    ],
    compiler_params=pltpu.CompilerParams(use_tc_tiling_on_sc=True),
)
def _irrepwise_sc_t(xt_hbm, wt_hbm, out_hbm, xb, ob, wv, tb, twv,
                    sx0, sx1, so0, so1):
    wid = lax.axis_index("s") * NC + lax.axis_index("c")
    cbase = pl.multiple_of(jnp.minimum(wid, 29) * CB, 128)

    sx = (sx0, sx1)
    so = (so0, so1)

    def start_in(u, b):
        j0 = pl.multiple_of(u * 8, 8)
        pltpu.async_copy(
            xt_hbm.at[pl.ds(j0, 8), pl.ds(cbase, CB)], xb.at[b], sx[b]
        )

    def wait_in(b):
        pltpu.make_async_copy(
            xt_hbm.at[pl.ds(0, 8), pl.ds(cbase, CB)], xb.at[b], sx[b]
        ).wait()

    def start_out(u, b):
        j0 = pl.multiple_of(u * 8, 8)
        pltpu.async_copy(
            ob.at[b], out_hbm.at[pl.ds(j0, 8), pl.ds(cbase, CB)], so[b]
        )

    def wait_out(b):
        pltpu.make_async_copy(
            ob.at[b], out_hbm.at[pl.ds(0, 8), pl.ds(cbase, CB)], so[b]
        ).wait()

    def compute(u, bi, bo):
        s = _seg_of_unit(u)

        @pl.loop(0, CB // LANES)
        def _chunk(k):
            c = k * LANES
            wk = wv[s, pl.ds(c, LANES)]
            for r in range(8):
                ob[bo, r, pl.ds(c, LANES)] = xb[bi, r, pl.ds(c, LANES)] * wk

    def step(u, bi, bo, prefetch, first_out):
        wait_in(bi)
        if not first_out:
            wait_out(bo)
        compute(u, bi, bo)
        if prefetch:
            start_in(u + NIN, bi)
        start_out(u, bo)

    @pl.when(wid < 30)
    def _main():
        pltpu.sync_copy(wt_hbm.at[:, pl.ds(cbase, CB)], wv)

        for u in range(NIN):
            start_in(u, u)

        step(0, 0, 0, True, True)
        step(1, 1, 1, True, True)

        @pl.loop(1, UNITS // 2 - 1)
        def _pair(i):
            for b in (0, 1):
                u = 2 * i + b
                step(u, b, b, True, False)

        step(UNITS - 2, 0, 0, False, False)
        step(UNITS - 1, 1, 1, False, False)

        wait_out(0)
        wait_out(1)

    @pl.when(wid >= 30)
    def _tail():
        row0 = pl.multiple_of((wid - 30) * TROWS, 8)
        pltpu.sync_copy(wt_hbm.at[:, pl.ds(TAIL0, NTAIL)], twv)
        for off, rows in ((0, 144), (144, 152)):
            r0 = row0 + off
            u0 = (wid - 30) * (TROWS // 8) + off // 8
            tbs = tb.at[pl.ds(0, rows)]
            pltpu.sync_copy(
                xt_hbm.at[pl.ds(r0, rows), pl.ds(TAIL0, NTAIL)], tbs
            )

            @pl.loop(0, rows // 8)
            def _u(u):
                s = _seg_of_unit(u0 + u)
                j0 = u * 8
                for k in range(NTAIL // LANES):
                    c = k * LANES
                    wk = twv[s, pl.ds(c, LANES)]
                    for r in range(8):
                        tb[j0 + r, pl.ds(c, LANES)] = (
                            tb[j0 + r, pl.ds(c, LANES)] * wk
                        )

            pltpu.sync_copy(
                tbs, out_hbm.at[pl.ds(r0, rows), pl.ds(TAIL0, NTAIL)]
            )


@jax.jit
def kernel(x, w):
    return _irrepwise_sc_t(x.T, w.T).T

# --- scband reference (transcript-rebuilt; emitter-appended) ---
"""Pipeline reference for scband-irrepwise-apply-scalar-68384469287017 (READ-ONLY COPY).

The authoritative reference and input builder live on the scoring server;
editing this copy changes nothing except your own understanding.
"""

import jax, jax.numpy as jnp
import numpy as np

# irreps = 128x0e + 64x1e + 32x2e + 16x3e  -> entries (mul, l)
_ENTRIES = [(128, 0), (64, 1), (32, 2), (16, 3)]


def _scatter_indices():
    # one index per scalar channel: channel j of the full feature vector maps to
    # the irrep-entry i that owns it (same as get_irrepwise_scatter_indices)
    idx = []
    for i, (mul, l) in enumerate(_ENTRIES):
        idx.extend([i] * (mul * (2 * l + 1)))
    return jnp.asarray(np.array(idx, dtype=np.int32))


def setup_inputs(seed: int = 0) -> dict:
    key = jax.random.key(seed)
    k1, k2 = jax.random.split(key)
    N = 50000
    input_dim = sum(mul * (2 * l + 1) for mul, l in _ENTRIES)  # 592
    scalar_dim = len(_ENTRIES)  # 4
    x = jax.random.normal(k1, (N, input_dim), dtype=jnp.float32)
    w = jax.random.normal(k2, (N, scalar_dim), dtype=jnp.float32)
    return {"x": x, "w": w}


def reference(x, w):
    # IrrepwiseApplyScalar.forward with ops = torch.mul:
    #   w = index_select(w, dim=-1, index=scatter_indices); return x * w
    si = _scatter_indices()
    w_full = jnp.take(w, si, axis=-1)  # gather: [N, 4] -> [N, 592]
    return x * w_full

if __name__ == "__main__":
    import jax
    _d = setup_inputs()
    print(jax.jit(kernel)(*tuple(_d.values())))

</pallas_src>

<mosaic_0001>
#map = affine_map<(d0, d1) -> (0, 0)>
module attributes {stable_mosaic.version = 14 : i64} {
  func.func @_irrepwise_sc_t(%arg0: i32, %arg1: i32, %arg2: memref<592x50000xf32, #tpu.memory_space<hbm>>, %arg3: memref<4x50000xf32, #tpu.memory_space<hbm>>, %arg4: memref<592x50000xf32, #tpu.memory_space<hbm>>, %arg5: memref<2x8x1664xf32, #tpu.memory_space<vmem>>, %arg6: memref<2x8x1664xf32, #tpu.memory_space<vmem>>, %arg7: memref<4x1664xf32, #tpu.memory_space<vmem>>, %arg8: memref<152x80xf32, #tpu.memory_space<vmem>>, %arg9: memref<4x80xf32, #tpu.memory_space<vmem>>, %arg10: memref<!tpu.dma_semaphore, #tpu.memory_space<semaphore_mem>>, %arg11: memref<!tpu.dma_semaphore, #tpu.memory_space<semaphore_mem>>, %arg12: memref<!tpu.dma_semaphore, #tpu.memory_space<semaphore_mem>>, %arg13: memref<!tpu.dma_semaphore, #tpu.memory_space<semaphore_mem>>) attributes {dimension_semantics = [#tpu.dimension_semantics<core_parallel>, #tpu.dimension_semantics<subcore_parallel>], iteration_bounds = array<i64: 2, 16>, scalar_prefetch = 0 : i64, scratch_operands = 9 : i64, tpu.core_type = #tpu.core_type<sc_vector_subcore>, window_params = [{transform_indices = #map}, {transform_indices = #map}, {transform_indices = #map}]} {
    %mul3A = arith.constant 2 : i32
    %mul3A_0 = arith.muli %arg1, %mul3A : i32
    %add3A = arith.addi %mul3A_0, %arg0 : i32
    %min3A = arith.constant 29 : i32
    %min3A_1 = arith.minsi %add3A, %min3A : i32
    %mul3A_2 = arith.constant 1664 : i32
    %mul3A_3 = arith.muli %min3A_1, %mul3A_2 : i32
    %multiple_of3A = tpu.assume_multiple %mul3A_3, 128 : i32
    %lt3A = arith.constant 30 : i32
    %lt3A_4 = arith.cmpi slt, %add3A, %lt3A : i32
    %convert_element_type3A = arith.extui %lt3A_4 : i1 to i32
    %cond3A = arith.constant 0 : i32
    %cond3A_5 = arith.cmpi ne, %convert_element_type3A, %cond3A : i32
    scf.if %cond3A_5 {
      "tpu.region"() ({
        %run_scoped3A = tpu.sem_alloc : memref<!tpu.dma_semaphore, #tpu.memory_space<semaphore_mem>>
        %dma_start3A_240 = arith.constant 0 : i32
        %dma_start3A_241 = tpu.memref_slice %arg3[%dma_start3A_240, %multiple_of3A] : memref<4x50000xf32, #tpu.memory_space<hbm>> -> memref<4x1664xf32, #tpu.memory_space<hbm>>
        %dma_start3A_242 = arith.constant 0 : i32
        %dma_start3A_243 = tpu.memref_slice %arg3[%dma_start3A_242, %multiple_of3A] : memref<4x50000xf32, #tpu.memory_space<hbm>> -> memref<4x1664xf32, #tpu.memory_space<hbm>>
        tpu.enqueue_dma source(%dma_start3A_243 : memref<4x1664xf32, #tpu.memory_space<hbm>>) target(%arg7 : memref<4x1664xf32, #tpu.memory_space<vmem>>) target_semaphore(%run_scoped3A : memref<!tpu.dma_semaphore, #tpu.memory_space<semaphore_mem>>)
        %dma_wait3A_244 = arith.constant 0 : i32
        %dma_wait3A_245 = tpu.memref_slice %arg3[%dma_wait3A_244, %multiple_of3A] : memref<4x50000xf32, #tpu.memory_space<hbm>> -> memref<4x1664xf32, #tpu.memory_space<hbm>>
        %dma_wait3A_246 = arith.constant 0 : i32
        %dma_wait3A_247 = tpu.memref_slice %arg3[%dma_wait3A_246, %multiple_of3A] : memref<4x50000xf32, #tpu.memory_space<hbm>> -> memref<4x1664xf32, #tpu.memory_space<hbm>>
        tpu.wait_dma2 semaphore(%run_scoped3A : memref<!tpu.dma_semaphore, #tpu.memory_space<semaphore_mem>>) src(%dma_wait3A_247 : memref<4x1664xf32, #tpu.memory_space<hbm>>) dst(%arg7 : memref<4x1664xf32, #tpu.memory_space<vmem>>)
        tpu.yield
      }) : () -> ()
      %multiple_of3A_10 = arith.constant 0 : i32
      %multiple_of3A_11 = tpu.assume_multiple %multiple_of3A_10, 8 : i32
      %dma_start3A = arith.constant 0 : i32
      %dma_start3A_12 = arith.constant 0 : i32
      %dma_start3A_13 = arith.constant 0 : i32
      %dma_start3A_14 = tpu.memref_slice %arg5[%dma_start3A, %dma_start3A_12, %dma_start3A_13] : memref<2x8x1664xf32, #tpu.memory_space<vmem>> -> memref<1x8x1664xf32, #tpu.memory_space<vmem>>
      %dma_start3A_15 = tpu.memref_squeeze %dma_start3A_14 : memref<1x8x1664xf32, #tpu.memory_space<vmem>> -> memref<8x1664xf32, #tpu.memory_space<vmem>>
      %dma_start3A_16 = tpu.memref_slice %arg2[%multiple_of3A_11, %multiple_of3A] : memref<592x50000xf32, #tpu.memory_space<hbm>> -> memref<8x1664xf32, #tpu.memory_space<hbm>>
      %dma_start3A_17 = arith.constant 0 : i32
      %dma_start3A_18 = arith.constant 0 : i32
      %dma_start3A_19 = tpu.memref_slice %arg5[%dma_start3A, %dma_start3A_17, %dma_start3A_18] : memref<2x8x1664xf32, #tpu.memory_space<vmem>> -> memref<1x8x1664xf32, #tpu.memory_space<vmem>>
      %dma_start3A_20 = tpu.memref_squeeze %dma_start3A_19 : memref<1x8x1664xf32, #tpu.memory_space<vmem>> -> memref<8x1664xf32, #tpu.memory_space<vmem>>
      %dma_start3A_21 = tpu.memref_slice %arg2[%multiple_of3A_11, %multiple_of3A] : memref<592x50000xf32, #tpu.memory_space<hbm>> -> memref<8x1664xf32, #tpu.memory_space<hbm>>
      tpu.enqueue_dma source(%dma_start3A_21 : memref<8x1664xf32, #tpu.memory_space<hbm>>) target(%dma_start3A_20 : memref<8x1664xf32, #tpu.memory_space<vmem>>) target_semaphore(%arg10 : memref<!tpu.dma_semaphore, #tpu.memory_space<semaphore_mem>>)
      %multiple_of3A_22 = arith.constant 8 : i32
      %multiple_of3A_23 = tpu.assume_multiple %multiple_of3A_22, 8 : i32
      %dma_start3A_24 = arith.constant 1 : i32
      %dma_start3A_25 = arith.constant 0 : i32
      %dma_start3A_26 = arith.constant 0 : i32
      %dma_start3A_27 = tpu.memref_slice %arg5[%dma_start3A_24, %dma_start3A_25, %dma_start3A_26] : memref<2x8x1664xf32, #tpu.memory_space<vmem>> -> memref<1x8x1664xf32, #tpu.memory_space<vmem>>
      %dma_start3A_28 = tpu.memref_squeeze %dma_start3A_27 : memref<1x8x1664xf32, #tpu.memory_space<vmem>> -> memref<8x1664xf32, #tpu.memory_space<vmem>>
      %dma_start3A_29 = tpu.memref_slice %arg2[%multiple_of3A_23, %multiple_of3A] : memref<592x50000xf32, #tpu.memory_space<hbm>> -> memref<8x1664xf32, #tpu.memory_space<hbm>>
      %dma_start3A_30 = arith.constant 0 : i32
      %dma_start3A_31 = arith.constant 0 : i32
      %dma_start3A_32 = tpu.memref_slice %arg5[%dma_start3A_24, %dma_start3A_30, %dma_start3A_31] : memref<2x8x1664xf32, #tpu.memory_space<vmem>> -> memref<1x8x1664xf32, #tpu.memory_space<vmem>>
      %dma_start3A_33 = tpu.memref_squeeze %dma_start3A_32 : memref<1x8x1664xf32, #tpu.memory_space<vmem>> -> memref<8x1664xf32, #tpu.memory_space<vmem>>
      %dma_start3A_34 = tpu.memref_slice %arg2[%multiple_of3A_23, %multiple_of3A] : memref<592x50000xf32, #tpu.memory_space<hbm>> -> memref<8x1664xf32, #tpu.memory_space<hbm>>
      tpu.enqueue_dma source(%dma_start3A_34 : memref<8x1664xf32, #tpu.memory_space<hbm>>) target(%dma_start3A_33 : memref<8x1664xf32, #tpu.memory_space<vmem>>) target_semaphore(%arg11 : memref<!tpu.dma_semaphore, #tpu.memory_space<semaphore_mem>>)
      %dma_wait3A = arith.constant 0 : i32
      %dma_wait3A_35 = arith.constant 0 : i32
      %dma_wait3A_36 = arith.constant 0 : i32
      %dma_wait3A_37 = tpu.memref_slice %arg5[%dma_wait3A, %dma_wait3A_35, %dma_wait3A_36] : memref<2x8x1664xf32, #tpu.memory_space<vmem>> -> memref<1x8x1664xf32, #tpu.memory_space<vmem>>
      %dma_wait3A_38 = tpu.memref_squeeze %dma_wait3A_37 : memref<1x8x1664xf32, #tpu.memory_space<vmem>> -> memref<8x1664xf32, #tpu.memory_space<vmem>>
      %dma_wait3A_39 = arith.constant 0 : i32
      %dma_wait3A_40 = tpu.memref_slice %arg2[%dma_wait3A_39, %multiple_of3A] : memref<592x50000xf32, #tpu.memory_space<hbm>> -> memref<8x1664xf32, #tpu.memory_space<hbm>>
      %dma_wait3A_41 = arith.constant 0 : i32
      %dma_wait3A_42 = arith.constant 0 : i32
      %dma_wait3A_43 = tpu.memref_slice %arg5[%dma_wait3A, %dma_wait3A_41, %dma_wait3A_42] : memref<2x8x1664xf32, #tpu.memory_space<vmem>> -> memref<1x8x1664xf32, #tpu.memory_space<vmem>>
      %dma_wait3A_44 = tpu.memref_squeeze %dma_wait3A_43 : memref<1x8x1664xf32, #tpu.memory_space<vmem>> -> memref<8x1664xf32, #tpu.memory_space<vmem>>
      %dma_wait3A_45 = arith.constant 0 : i32
      %dma_wait3A_46 = tpu.memref_slice %arg2[%dma_wait3A_45, %multiple_of3A] : memref<592x50000xf32, #tpu.memory_space<hbm>> -> memref<8x1664xf32, #tpu.memory_space<hbm>>
      tpu.wait_dma2 semaphore(%arg10 : memref<!tpu.dma_semaphore, #tpu.memory_space<semaphore_mem>>) src(%dma_wait3A_46 : memref<8x1664xf32, #tpu.memory_space<hbm>>) dst(%dma_wait3A_44 : memref<8x1664xf32, #tpu.memory_space<vmem>>)
      %scan3A = arith.constant 0 : i32
      %scan3A_47 = arith.constant 104 : i32
      %scan3A_48 = arith.addi %scan3A, %scan3A_47 : i32
      %scan3A_49 = arith.constant 1 : i32
      scf.for %scan3A_240 = %scan3A to %scan3A_48 step %scan3A_49  : i32 {
        %mul3A_241 = arith.constant 1 : i32
        %mul3A_242 = arith.muli %scan3A_240, %mul3A_241 : i32
        %add3A_243 = arith.constant 0 : i32
        %add3A_244 = arith.addi %add3A_243, %mul3A_242 : i32
        %mul3A_245 = arith.constant 16 : i32
        %mul3A_246 = arith.muli %add3A_244, %mul3A_245 : i32
        %get3A = arith.constant 0 : i32
        %get3A_247 = arith.index_cast %get3A : i32 to index
        %get3A_248 = arith.index_cast %mul3A_246 : i32 to index
        %get3A_249 = tpu.vector_load %arg7[%get3A_247, %get3A_248] {strides = array<i32>} : memref<4x1664xf32, #tpu.memory_space<vmem>>, vector<1x16xf32>,
        %get3A_250 = vector.shape_cast %get3A_249 : vector<1x16xf32> to vector<16xf32>
        %get3A_251 = arith.constant 0 : i32
        %get3A_252 = arith.constant 0 : i32
        %get3A_253 = arith.index_cast %get3A_251 : i32 to index
        %get3A_254 = arith.index_cast %get3A_252 : i32 to index
        %get3A_255 = arith.index_cast %mul3A_246 : i32 to index
        %get3A_256 = tpu.vector_load %arg5[%get3A_253, %get3A_254, %get3A_255] {strides = array<i32>} : memref<2x8x1664xf32, #tpu.memory_space<vmem>>, vector<1x1x16xf32>,
        %get3A_257 = vector.shape_cast %get3A_256 : vector<1x1x16xf32> to vector<16xf32>
        %mul3A_258 = arith.mulf %get3A_257, %get3A_250 : vector<16xf32>
        %swap3A = arith.constant 0 : i32
        %swap3A_259 = arith.constant 0 : i32
        %swap3A_260 = arith.index_cast %swap3A : i32 to index
        %swap3A_261 = arith.index_cast %swap3A_259 : i32 to index
        %swap3A_262 = arith.index_cast %mul3A_246 : i32 to index
        %swap3A_263 = tpu.vector_load %arg6[%swap3A_260, %swap3A_261, %swap3A_262] {strides = array<i32>} : memref<2x8x1664xf32, #tpu.memory_space<vmem>>, vector<1x1x16xf32>,
        %swap3A_264 = vector.shape_cast %swap3A_263 : vector<1x1x16xf32> to vector<16xf32>
        %swap3A_265 = vector.shape_cast %mul3A_258 : vector<16xf32> to vector<1x1x16xf32>
        tpu.vector_store %arg6[%swap3A_260, %swap3A_261, %swap3A_262], %swap3A_265 {strides = array<i32>} : memref<2x8x1664xf32, #tpu.memory_space<vmem>>, vector<1x1x16xf32>,
        %get3A_266 = arith.constant 0 : i32
        %get3A_267 = arith.constant 1 : i32
        %get3A_268 = arith.index_cast %get3A_266 : i32 to index
        %get3A_269 = arith.index_cast %get3A_267 : i32 to index
        %get3A_270 = arith.index_cast %mul3A_246 : i32 to index
        %get3A_271 = tpu.vector_load %arg5[%get3A_268, %get3A_269, %get3A_270] {strides = array<i32>} : memref<2x8x1664xf32, #tpu.memory_space<vmem>>, vector<1x1x16xf32>,
        %get3A_272 = vector.shape_cast %get3A_271 : vector<1x1x16xf32> to vector<16xf32>
        %mul3A_273 = arith.mulf %get3A_272, %get3A_250 : vector<16xf32>
        %swap3A_274 = arith.constant 0 : i32
        %swap3A_275 = arith.constant 1 : i32
        %swap3A_276 = arith.index_cast %swap3A_274 : i32 to index
        %swap3A_277 = arith.index_cast %swap3A_275 : i32 to index
        %swap3A_278 = arith.index_cast %mul3A_246 : i32 to index
        %swap3A_279 = tpu.vector_load %arg6[%swap3A_276, %swap3A_277, %swap3A_278] {strides = array<i32>} : memref<2x8x1664xf32, #tpu.memory_space<vmem>>, vector<1x1x16xf32>,
        %swap3A_280 = vector.shape_cast %swap3A_279 : vector<1x1x16xf32> to vector<16xf32>
        %swap3A_281 = vector.shape_cast %mul3A_273 : vector<16xf32> to vector<1x1x16xf32>
        tpu.vector_store %arg6[%swap3A_276, %swap3A_277, %swap3A_278], %swap3A_281 {strides = array<i32>} : memref<2x8x1664xf32, #tpu.memory_space<vmem>>, vector<1x1x16xf32>,
        %get3A_282 = arith.constant 0 : i32
        %get3A_283 = arith.constant 2 : i32
        %get3A_284 = arith.index_cast %get3A_282 : i32 to index
        %get3A_285 = arith.index_cast %get3A_283 : i32 to index
        %get3A_286 = arith.index_cast %mul3A_246 : i32 to index
        %get3A_287 = tpu.vector_load %arg5[%get3A_284, %get3A_285, %get3A_286] {strides = array<i32>} : memref<2x8x1664xf32, #tpu.memory_space<vmem>>, vector<1x1x16xf32>,
        %get3A_288 = vector.shape_cast %get3A_287 : vector<1x1x16xf32> to vector<16xf32>
        %mul3A_289 = arith.mulf %get3A_288, %get3A_250 : vector<16xf32>
        %swap3A_290 = arith.constant 0 : i32
        %swap3A_291 = arith.constant 2 : i32
        %swap3A_292 = arith.index_cast %swap3A_290 : i32 to index
        %swap3A_293 = arith.index_cast %swap3A_291 : i32 to index
        %swap3A_294 = arith.index_cast %mul3A_246 : i32 to index
        %swap3A_295 = tpu.vector_load %arg6[%swap3A_292, %swap3A_293, %swap3A_294] {strides = array<i32>} : memref<2x8x1664xf32, #tpu.memory_space<vmem>>, vector<1x1x16xf32>,
        %swap3A_296 = vector.shape_cast %swap3A_295 : vector<1x1x16xf32> to vector<16xf32>
        %swap3A_297 = vector.shape_cast %mul3A_289 : vector<16xf32> to vector<1x1x16xf32>
        tpu.vector_store %arg6[%swap3A_292, %swap3A_293, %swap3A_294], %swap3A_297 {strides = array<i32>} : memref<2x8x1664xf32, #tpu.memory_space<vmem>>, vector<1x1x16xf32>,
        %get3A_298 = arith.constant 0 : i32
        %get3A_299 = arith.constant 3 : i32
        %get3A_300 = arith.index_cast %get3A_298 : i32 to index
        %get3A_301 = arith.index_cast %get3A_299 : i32 to index
        %get3A_302 = arith.index_cast %mul3A_246 : i32 to index
        %get3A_303 = tpu.vector_load %arg5[%get3A_300, %get3A_301, %get3A_302] {strides = array<i32>} : memref<2x8x1664xf32, #tpu.memory_space<vmem>>, vector<1x1x16xf32>,
        %get3A_304 = vector.shape_cast %get3A_303 : vector<1x1x16xf32> to vector<16xf32>
        %mul3A_305 = arith.mulf %get3A_304, %get3A_250 : vector<16xf32>
        %swap3A_306 = arith.constant 0 : i32
        %swap3A_307 = arith.constant 3 : i32
        %swap3A_308 = arith.index_cast %swap3A_306 : i32 to index
        %swap3A_309 = arith.index_cast %swap3A_307 : i32 to index
        %swap3A_310 = arith.index_cast %mul3A_246 : i32 to index
        %swap3A_311 = tpu.vector_load %arg6[%swap3A_308, %swap3A_309, %swap3A_310] {strides = array<i32>} : memref<2x8x1664xf32, #tpu.memory_space<vmem>>, vector<1x1x16xf32>,
        %swap3A_312 = vector.shape_cast %swap3A_311 : vector<1x1x16xf32> to vector<16xf32>
        %swap3A_313 = vector.shape_cast %mul3A_305 : vector<16xf32> to vector<1x1x16xf32>
        tpu.vector_store %arg6[%swap3A_308, %swap3A_309, %swap3A_310], %swap3A_313 {strides = array<i32>} : memref<2x8x1664xf32, #tpu.memory_space<vmem>>, vector<1x1x16xf32>,
        %get3A_314 = arith.constant 0 : i32
        %get3A_315 = arith.constant 4 : i32
        %get3A_316 = arith.index_cast %get3A_314 : i32 to index
        %get3A_317 = arith.index_cast %get3A_315 : i32 to index
        %get3A_318 = arith.index_cast %mul3A_246 : i32 to index
        %get3A_319 = tpu.vector_load %arg5[%get3A_316, %get3A_317, %get3A_318] {strides = array<i32>} : memref<2x8x1664xf32, #tpu.memory_space<vmem>>, vector<1x1x16xf32>,
        %get3A_320 = vector.shape_cast %get3A_319 : vector<1x1x16xf32> to vector<16xf32>
        %mul3A_321 = arith.mulf %get3A_320, %get3A_250 : vector<16xf32>
        %swap3A_322 = arith.constant 0 : i32
        %swap3A_323 = arith.constant 4 : i32
        %swap3A_324 = arith.index_cast %swap3A_322 : i32 to index
        %swap3A_325 = arith.index_cast %swap3A_323 : i32 to index
        %swap3A_326 = arith.index_cast %mul3A_246 : i32 to index
        %swap3A_327 = tpu.vector_load %arg6[%swap3A_324, %swap3A_325, %swap3A_326] {strides = array<i32>} : memref<2x8x1664xf32, #tpu.memory_space<vmem>>, vector<1x1x16xf32>,
        %swap3A_328 = vector.shape_cast %swap3A_327 : vector<1x1x16xf32> to vector<16xf32>
        %swap3A_329 = vector.shape_cast %mul3A_321 : vector<16xf32> to vector<1x1x16xf32>
        tpu.vector_store %arg6[%swap3A_324, %swap3A_325, %swap3A_326], %swap3A_329 {strides = array<i32>} : memref<2x8x1664xf32, #tpu.memory_space<vmem>>, vector<1x1x16xf32>,
        %get3A_330 = arith.constant 0 : i32
        %get3A_331 = arith.constant 5 : i32
        %get3A_332 = arith.index_cast %get3A_330 : i32 to index
        %get3A_333 = arith.index_cast %get3A_331 : i32 to index
        %get3A_334 = arith.index_cast %mul3A_246 : i32 to index
        %get3A_335 = tpu.vector_load %arg5[%get3A_332, %get3A_333, %get3A_334] {strides = array<i32>} : memref<2x8x1664xf32, #tpu.memory_space<vmem>>, vector<1x1x16xf32>,
        %get3A_336 = vector.shape_cast %get3A_335 : vector<1x1x16xf32> to vector<16xf32>
        %mul3A_337 = arith.mulf %get3A_336, %get3A_250 : vector<16xf32>
        %swap3A_338 = arith.constant 0 : i32
        %swap3A_339 = arith.constant 5 : i32
        %swap3A_340 = arith.index_cast %swap3A_338 : i32 to index
        %swap3A_341 = arith.index_cast %swap3A_339 : i32 to index
        %swap3A_342 = arith.index_cast %mul3A_246 : i32 to index
        %swap3A_343 = tpu.vector_load %arg6[%swap3A_340, %swap3A_341, %swap3A_342] {strides = array<i32>} : memref<2x8x1664xf32, #tpu.memory_space<vmem>>, vector<1x1x16xf32>,
        %swap3A_344 = vector.shape_cast %swap3A_343 : vector<1x1x16xf32> to vector<16xf32>
        %swap3A_345 = vector.shape_cast %mul3A_337 : vector<16xf32> to vector<1x1x16xf32>
        tpu.vector_store %arg6[%swap3A_340, %swap3A_341, %swap3A_342], %swap3A_345 {strides = array<i32>} : memref<2x8x1664xf32, #tpu.memory_space<vmem>>, vector<1x1x16xf32>,
        %get3A_346 = arith.constant 0 : i32
        %get3A_347 = arith.constant 6 : i32
        %get3A_348 = arith.index_cast %get3A_346 : i32 to index
        %get3A_349 = arith.index_cast %get3A_347 : i32 to index
        %get3A_350 = arith.index_cast %mul3A_246 : i32 to index
        %get3A_351 = tpu.vector_load %arg5[%get3A_348, %get3A_349, %get3A_350] {strides = array<i32>} : memref<2x8x1664xf32, #tpu.memory_space<vmem>>, vector<1x1x16xf32>,
        %get3A_352 = vector.shape_cast %get3A_351 : vector<1x1x16xf32> to vector<16xf32>
        %mul3A_353 = arith.mulf %get3A_352, %get3A_250 : vector<16xf32>
        %swap3A_354 = arith.constant 0 : i32
        %swap3A_355 = arith.constant 6 : i32
        %swap3A_356 = arith.index_cast %swap3A_354 : i32 to index
        %swap3A_357 = arith.index_cast %swap3A_355 : i32 to index
        %swap3A_358 = arith.index_cast %mul3A_246 : i32 to index
        %swap3A_359 = tpu.vector_load %arg6[%swap3A_356, %swap3A_357, %swap3A_358] {strides = array<i32>} : memref<2x8x1664xf32, #tpu.memory_space<vmem>>, vector<1x1x16xf32>,
        %swap3A_360 = vector.shape_cast %swap3A_359 : vector<1x1x16xf32> to vector<16xf32>
        %swap3A_361 = vector.shape_cast %mul3A_353 : vector<16xf32> to vector<1x1x16xf32>
        tpu.vector_store %arg6[%swap3A_356, %swap3A_357, %swap3A_358], %swap3A_361 {strides = array<i32>} : memref<2x8x1664xf32, #tpu.memory_space<vmem>>, vector<1x1x16xf32>,
        %get3A_362 = arith.constant 0 : i32
        %get3A_363 = arith.constant 7 : i32
        %get3A_364 = arith.index_cast %get3A_362 : i32 to index
        %get3A_365 = arith.index_cast %get3A_363 : i32 to index
        %get3A_366 = arith.index_cast %mul3A_246 : i32 to index
        %get3A_367 = tpu.vector_load %arg5[%get3A_364, %get3A_365, %get3A_366] {strides = array<i32>} : memref<2x8x1664xf32, #tpu.memory_space<vmem>>, vector<1x1x16xf32>,
        %get3A_368 = vector.shape_cast %get3A_367 : vector<1x1x16xf32> to vector<16xf32>
        %mul3A_369 = arith.mulf %get3A_368, %get3A_250 : vector<16xf32>
        %swap3A_370 = arith.constant 0 : i32
        %swap3A_371 = arith.constant 7 : i32
        %swap3A_372 = arith.index_cast %swap3A_370 : i32 to index
        %swap3A_373 = arith.index_cast %swap3A_371 : i32 to index
        %swap3A_374 = arith.index_cast %mul3A_246 : i32 to index
        %swap3A_375 = tpu.vector_load %arg6[%swap3A_372, %swap3A_373, %swap3A_374] {strides = array<i32>} : memref<2x8x1664xf32, #tpu.memory_space<vmem>>, vector<1x1x16xf32>,
        %swap3A_376 = vector.shape_cast %swap3A_375 : vector<1x1x16xf32> to vector<16xf32>
        %swap3A_377 = vector.shape_cast %mul3A_369 : vector<16xf32> to vector<1x1x16xf32>
        tpu.vector_store %arg6[%swap3A_372, %swap3A_373, %swap3A_374], %swap3A_377 {strides = array<i32>} : memref<2x8x1664xf32, #tpu.memory_space<vmem>>, vector<1x1x16xf32>,
      }
      %scan3A_50 = arith.constant 104 : i32
      %multiple_of3A_51 = arith.constant 16 : i32
      %multiple_of3A_52 = tpu.assume_multiple %multiple_of3A_51, 8 : i32
      %dma_start3A_53 = arith.constant 0 : i32
      %dma_start3A_54 = arith.constant 0 : i32
      %dma_start3A_55 = arith.constant 0 : i32
      %dma_start3A_56 = tpu.memref_slice %arg5[%dma_start3A_53, %dma_start3A_54, %dma_start3A_55] : memref<2x8x1664xf32, #tpu.memory_space<vmem>> -> memref<1x8x1664xf32, #tpu.memory_space<vmem>>
      %dma_start3A_57 = tpu.memref_squeeze %dma_start3A_56 : memref<1x8x1664xf32, #tpu.memory_space<vmem>> -> memref<8x1664xf32, #tpu.memory_space<vmem>>
      %dma_start3A_58 = tpu.memref_slice %arg2[%multiple_of3A_52, %multiple_of3A] : memref<592x50000xf32, #tpu.memory_space<hbm>> -> memref<8x1664xf32, #tpu.memory_space<hbm>>
      %dma_start3A_59 = arith.constant 0 : i32
      %dma_start3A_60 = arith.constant 0 : i32
      %dma_start3A_61 = tpu.memref_slice %arg5[%dma_start3A_53, %dma_start3A_59, %dma_start3A_60] : memref<2x8x1664xf32, #tpu.memory_space<vmem>> -> memref<1x8x1664xf32, #tpu.memory_space<vmem>>
      %dma_start3A_62 = tpu.memref_squeeze %dma_start3A_61 : memref<1x8x1664xf32, #tpu.memory_space<vmem>> -> memref<8x1664xf32, #tpu.memory_space<vmem>>
      %dma_start3A_63 = tpu.memref_slice %arg2[%multiple_of3A_52, %multiple_of3A] : memref<592x50000xf32, #tpu.memory_space<hbm>> -> memref<8x1664xf32, #tpu.memory_space<hbm>>
      tpu.enqueue_dma source(%dma_start3A_63 : memref<8x1664xf32, #tpu.memory_space<hbm>>) target(%dma_start3A_62 : memref<8x1664xf32, #tpu.memory_space<vmem>>) target_semaphore(%arg10 : memref<!tpu.dma_semaphore, #tpu.memory_space<semaphore_mem>>)
      %multiple_of3A_64 = arith.constant 0 : i32
      %multiple_of3A_65 = tpu.assume_multiple %multiple_of3A_64, 8 : i32
      %dma_start3A_66 = arith.constant 0 : i32
      %dma_start3A_67 = arith.constant 0 : i32
      %dma_start3A_68 = arith.constant 0 : i32
      %dma_start3A_69 = tpu.memref_slice %arg6[%dma_start3A_66, %dma_start3A_67, %dma_start3A_68] : memref<2x8x1664xf32, #tpu.memory_space<vmem>> -> memref<1x8x1664xf32, #tpu.memory_space<vmem>>
      %dma_start3A_70 = tpu.memref_squeeze %dma_start3A_69 : memref<1x8x1664xf32, #tpu.memory_space<vmem>> -> memref<8x1664xf32, #tpu.memory_space<vmem>>
      %dma_start3A_71 = tpu.memref_slice %arg4[%multiple_of3A_65, %multiple_of3A] : memref<592x50000xf32, #tpu.memory_space<hbm>> -> memref<8x1664xf32, #tpu.memory_space<hbm>>
      %dma_start3A_72 = tpu.memref_slice %arg4[%multiple_of3A_65, %multiple_of3A] : memref<592x50000xf32, #tpu.memory_space<hbm>> -> memref<8x1664xf32, #tpu.memory_space<hbm>>
      %dma_start3A_73 = arith.constant 0 : i32
      %dma_start3A_74 = arith.constant 0 : i32
      %dma_start3A_75 = tpu.memref_slice %arg6[%dma_start3A_66, %dma_start3A_73, %dma_start3A_74] : memref<2x8x1664xf32, #tpu.memory_space<vmem>> -> memref<1x8x1664xf32, #tpu.memory_space<vmem>>
      %dma_start3A_76 = tpu.memref_squeeze %dma_start3A_75 : memref<1x8x1664xf32, #tpu.memory_space<vmem>> -> memref<8x1664xf32, #tpu.memory_space<vmem>>
      tpu.enqueue_dma source(%dma_start3A_76 : memref<8x1664xf32, #tpu.memory_space<vmem>>) target(%dma_start3A_72 : memref<8x1664xf32, #tpu.memory_space<hbm>>) target_semaphore(%arg12 : memref<!tpu.dma_semaphore, #tpu.memory_space<semaphore_mem>>)
      %dma_wait3A_77 = arith.constant 1 : i32
      %dma_wait3A_78 = arith.constant 0 : i32
      %dma_wait3A_79 = arith.constant 0 : i32
      %dma_wait3A_80 = tpu.memref_slice %arg5[%dma_wait3A_77, %dma_wait3A_78, %dma_wait3A_79] : memref<2x8x1664xf32, #tpu.memory_space<vmem>> -> memref<1x8x1664xf32, #tpu.memory_space<vmem>>
      %dma_wait3A_81 = tpu.memref_squeeze %dma_wait3A_80 : memref<1x8x1664xf32, #tpu.memory_space<vmem>> -> memref<8x1664xf32, #tpu.memory_space<vmem>>
      %dma_wait3A_82 = arith.constant 0 : i32
      %dma_wait3A_83 = tpu.memref_slice %arg2[%dma_wait3A_82, %multiple_of3A] : memref<592x50000xf32, #tpu.memory_space<hbm>> -> memref<8x1664xf32, #tpu.memory_space<hbm>>
      %dma_wait3A_84 = arith.constant 0 : i32
      %dma_wait3A_85 = arith.constant 0 : i32
      %dma_wait3A_86 = tpu.memref_slice %arg5[%dma_wait3A_77, %dma_wait3A_84, %dma_wait3A_85] : memref<2x8x1664xf32, #tpu.memory_space<vmem>> -> memref<1x8x1664xf32, #tpu.memory_space<vmem>>
      %dma_wait3A_87 = tpu.memref_squeeze %dma_wait3A_86 : memref<1x8x1664xf32, #tpu.memory_space<vmem>> -> memref<8x1664xf32, #tpu.memory_space<vmem>>
      %dma_wait3A_88 = arith.constant 0 : i32
      %dma_wait3A_89 = tpu.memref_slice %arg2[%dma_wait3A_88, %multiple_of3A] : memref<592x50000xf32, #tpu.memory_space<hbm>> -> memref<8x1664xf32, #tpu.memory_space<hbm>>
      tpu.wait_dma2 semaphore(%arg11 : memref<!tpu.dma_semaphore, #tpu.memory_space<semaphore_mem>>) src(%dma_wait3A_89 : memref<8x1664xf32, #tpu.memory_space<hbm>>) dst(%dma_wait3A_87 : memref<8x1664xf32, #tpu.memory_space<vmem>>)
      %scan3A_90 = arith.constant 0 : i32
      %scan3A_91 = arith.constant 104 : i32
      %scan3A_92 = arith.addi %scan3A_90, %scan3A_91 : i32
      %scan3A_93 = arith.constant 1 : i32
      scf.for %scan3A_240 = %scan3A_90 to %scan3A_92 step %scan3A_93  : i32 {
        %mul3A_241 = arith.constant 1 : i32
        %mul3A_242 = arith.muli %scan3A_240, %mul3A_241 : i32
        %add3A_243 = arith.constant 0 : i32
        %add3A_244 = arith.addi %add3A_243, %mul3A_242 : i32
        %mul3A_245 = arith.constant 16 : i32
        %mul3A_246 = arith.muli %add3A_244, %mul3A_245 : i32
        %get3A = arith.constant 0 : i32
        %get3A_247 = arith.index_cast %get3A : i32 to index
        %get3A_248 = arith.index_cast %mul3A_246 : i32 to index
        %get3A_249 = tpu.vector_load %arg7[%get3A_247, %get3A_248] {strides = array<i32>} : memref<4x1664xf32, #tpu.memory_space<vmem>>, vector<1x16xf32>,
        %get3A_250 = vector.shape_cast %get3A_249 : vector<1x16xf32> to vector<16xf32>
        %get3A_251 = arith.constant 1 : i32
        %get3A_252 = arith.constant 0 : i32
        %get3A_253 = arith.index_cast %get3A_251 : i32 to index
        %get3A_254 = arith.index_cast %get3A_252 : i32 to index
        %get3A_255 = arith.index_cast %mul3A_246 : i32 to index
        %get3A_256 = tpu.vector_load %arg5[%get3A_253, %get3A_254, %get3A_255] {strides = array<i32>} : memref<2x8x1664xf32, #tpu.memory_space<vmem>>, vector<1x1x16xf32>,
        %get3A_257 = vector.shape_cast %get3A_256 : vector<1x1x16xf32> to vector<16xf32>
        %mul3A_258 = arith.mulf %get3A_257, %get3A_250 : vector<16xf32>
        %swap3A = arith.constant 1 : i32
        %swap3A_259 = arith.constant 0 : i32
        %swap3A_260 = arith.index_cast %swap3A : i32 to index
        %swap3A_261 = arith.index_cast %swap3A_259 : i32 to index
        %swap3A_262 = arith.index_cast %mul3A_246 : i32 to index
        %swap3A_263 = tpu.vector_load %arg6[%swap3A_260, %swap3A_261, %swap3A_262] {strides = array<i32>} : memref<2x8x1664xf32, #tpu.memory_space<vmem>>, vector<1x1x16xf32>,
        %swap3A_264 = vector.shape_cast %swap3A_263 : vector<1x1x16xf32> to vector<16xf32>
        %swap3A_265 = vector.shape_cast %mul3A_258 : vector<16xf32> to vector<1x1x16xf32>
        tpu.vector_store %arg6[%swap3A_260, %swap3A_261, %swap3A_262], %swap3A_265 {strides = array<i32>} : memref<2x8x1664xf32, #tpu.memory_space<vmem>>, vector<1x1x16xf32>,
        %get3A_266 = arith.constant 1 : i32
        %get3A_267 = arith.constant 1 : i32
        %get3A_268 = arith.index_cast %get3A_266 : i32 to index
        %get3A_269 = arith.index_cast %get3A_267 : i32 to index
        %get3A_270 = arith.index_cast %mul3A_246 : i32 to index
        %get3A_271 = tpu.vector_load %arg5[%get3A_268, %get3A_269, %get3A_270] {strides = array<i32>} : memref<2x8x1664xf32, #tpu.memory_space<vmem>>, vector<1x1x16xf32>,
        %get3A_272 = vector.shape_cast %get3A_271 : vector<1x1x16xf32> to vector<16xf32>
        %mul3A_273 = arith.mulf %get3A_272, %get3A_250 : vector<16xf32>
        %swap3A_274 = arith.constant 1 : i32
        %swap3A_275 = arith.constant 1 : i32
        %swap3A_276 = arith.index_cast %swap3A_274 : i32 to index
        %swap3A_277 = arith.index_cast %swap3A_275 : i32 to index
        %swap3A_278 = arith.index_cast %mul3A_246 : i32 to index
        %swap3A_279 = tpu.vector_load %arg6[%swap3A_276, %swap3A_277, %swap3A_278] {strides = array<i32>} : memref<2x8x1664xf32, #tpu.memory_space<vmem>>, vector<1x1x16xf32>,
        %swap3A_280 = vector.shape_cast %swap3A_279 : vector<1x1x16xf32> to vector<16xf32>
        %swap3A_281 = vector.shape_cast %mul3A_273 : vector<16xf32> to vector<1x1x16xf32>
        tpu.vector_store %arg6[%swap3A_276, %swap3A_277, %swap3A_278], %swap3A_281 {strides = array<i32>} : memref<2x8x1664xf32, #tpu.memory_space<vmem>>, vector<1x1x16xf32>,
        %get3A_282 = arith.constant 1 : i32
        %get3A_283 = arith.constant 2 : i32
        %get3A_284 = arith.index_cast %get3A_282 : i32 to index
        %get3A_285 = arith.index_cast %get3A_283 : i32 to index
        %get3A_286 = arith.index_cast %mul3A_246 : i32 to index
        %get3A_287 = tpu.vector_load %arg5[%get3A_284, %get3A_285, %get3A_286] {strides = array<i32>} : memref<2x8x1664xf32, #tpu.memory_space<vmem>>, vector<1x1x16xf32>,
        %get3A_288 = vector.shape_cast %get3A_287 : vector<1x1x16xf32> to vector<16xf32>
        %mul3A_289 = arith.mulf %get3A_288, %get3A_250 : vector<16xf32>
        %swap3A_290 = arith.constant 1 : i32
        %swap3A_291 = arith.constant 2 : i32
        %swap3A_292 = arith.index_cast %swap3A_290 : i32 to index
        %swap3A_293 = arith.index_cast %swap3A_291 : i32 to index
        %swap3A_294 = arith.index_cast %mul3A_246 : i32 to index
        %swap3A_295 = tpu.vector_load %arg6[%swap3A_292, %swap3A_293, %swap3A_294] {strides = array<i32>} : memref<2x8x1664xf32, #tpu.memory_space<vmem>>, vector<1x1x16xf32>,
        %swap3A_296 = vector.shape_cast %swap3A_295 : vector<1x1x16xf32> to vector<16xf32>
        %swap3A_297 = vector.shape_cast %mul3A_289 : vector<16xf32> to vector<1x1x16xf32>
        tpu.vector_store %arg6[%swap3A_292, %swap3A_293, %swap3A_294], %swap3A_297 {strides = array<i32>} : memref<2x8x1664xf32, #tpu.memory_space<vmem>>, vector<1x1x16xf32>,
        %get3A_298 = arith.constant 1 : i32
        %get3A_299 = arith.constant 3 : i32
        %get3A_300 = arith.index_cast %get3A_298 : i32 to index
        %get3A_301 = arith.index_cast %get3A_299 : i32 to index
        %get3A_302 = arith.index_cast %mul3A_246 : i32 to index
        %get3A_303 = tpu.vector_load %arg5[%get3A_300, %get3A_301, %get3A_302] {strides = array<i32>} : memref<2x8x1664xf32, #tpu.memory_space<vmem>>, vector<1x1x16xf32>,
        %get3A_304 = vector.shape_cast %get3A_303 : vector<1x1x16xf32> to vector<16xf32>
        %mul3A_305 = arith.mulf %get3A_304, %get3A_250 : vector<16xf32>
        %swap3A_306 = arith.constant 1 : i32
        %swap3A_307 = arith.constant 3 : i32
        %swap3A_308 = arith.index_cast %swap3A_306 : i32 to index
        %swap3A_309 = arith.index_cast %swap3A_307 : i32 to index
        %swap3A_310 = arith.index_cast %mul3A_246 : i32 to index
        %swap3A_311 = tpu.vector_load %arg6[%swap3A_308, %swap3A_309, %swap3A_310] {strides = array<i32>} : memref<2x8x1664xf32, #tpu.memory_space<vmem>>, vector<1x1x16xf32>,
        %swap3A_312 = vector.shape_cast %swap3A_311 : vector<1x1x16xf32> to vector<16xf32>
        %swap3A_313 = vector.shape_cast %mul3A_305 : vector<16xf32> to vector<1x1x16xf32>
        tpu.vector_store %arg6[%swap3A_308, %swap3A_309, %swap3A_310], %swap3A_313 {strides = array<i32>} : memref<2x8x1664xf32, #tpu.memory_space<vmem>>, vector<1x1x16xf32>,
        %get3A_314 = arith.constant 1 : i32
        %get3A_315 = arith.constant 4 : i32
        %get3A_316 = arith.index_cast %get3A_314 : i32 to index
        %get3A_317 = arith.index_cast %get3A_315 : i32 to index
        %get3A_318 = arith.index_cast %mul3A_246 : i32 to index
        %get3A_319 = tpu.vector_load %arg5[%get3A_316, %get3A_317, %get3A_318] {strides = array<i32>} : memref<2x8x1664xf32, #tpu.memory_space<vmem>>, vector<1x1x16xf32>,
        %get3A_320 = vector.shape_cast %get3A_319 : vector<1x1x16xf32> to vector<16xf32>
        %mul3A_321 = arith.mulf %get3A_320, %get3A_250 : vector<16xf32>
        %swap3A_322 = arith.constant 1 : i32
        %swap3A_323 = arith.constant 4 : i32
        %swap3A_324 = arith.index_cast %swap3A_322 : i32 to index
        %swap3A_325 = arith.index_cast %swap3A_323 : i32 to index
        %swap3A_326 = arith.index_cast %mul3A_246 : i32 to index
        %swap3A_327 = tpu.vector_load %arg6[%swap3A_324, %swap3A_325, %swap3A_326] {strides = array<i32>} : memref<2x8x1664xf32, #tpu.memory_space<vmem>>, vector<1x1x16xf32>,
        %swap3A_328 = vector.shape_cast %swap3A_327 : vector<1x1x16xf32> to vector<16xf32>
        %swap3A_329 = vector.shape_cast %mul3A_321 : vector<16xf32> to vector<1x1x16xf32>
        tpu.vector_store %arg6[%swap3A_324, %swap3A_325, %swap3A_326], %swap3A_329 {strides = array<i32>} : memref<2x8x1664xf32, #tpu.memory_space<vmem>>, vector<1x1x16xf32>,
        %get3A_330 = arith.constant 1 : i32
        %get3A_331 = arith.constant 5 : i32
        %get3A_332 = arith.index_cast %get3A_330 : i32 to index
        %get3A_333 = arith.index_cast %get3A_331 : i32 to index
        %get3A_334 = arith.index_cast %mul3A_246 : i32 to index
        %get3A_335 = tpu.vector_load %arg5[%get3A_332, %get3A_333, %get3A_334] {strides = array<i32>} : memref<2x8x1664xf32, #tpu.memory_space<vmem>>, vector<1x1x16xf32>,
        %get3A_336 = vector.shape_cast %get3A_335 : vector<1x1x16xf32> to vector<16xf32>
        %mul3A_337 = arith.mulf %get3A_336, %get3A_250 : vector<16xf32>
        %swap3A_338 = arith.constant 1 : i32
        %swap3A_339 = arith.constant 5 : i32
        %swap3A_340 = arith.index_cast %swap3A_338 : i32 to index
        %swap3A_341 = arith.index_cast %swap3A_339 : i32 to index
        %swap3A_342 = arith.index_cast %mul3A_246 : i32 to index
        %swap3A_343 = tpu.vector_load %arg6[%swap3A_340, %swap3A_341, %swap3A_342] {strides = array<i32>} : memref<2x8x1664xf32, #tpu.memory_space<vmem>>, vector<1x1x16xf32>,
        %swap3A_344 = vector.shape_cast %swap3A_343 : vector<1x1x16xf32> to vector<16xf32>
        %swap3A_345 = vector.shape_cast %mul3A_337 : vector<16xf32> to vector<1x1x16xf32>
        tpu.vector_store %arg6[%swap3A_340, %swap3A_341, %swap3A_342], %swap3A_345 {strides = array<i32>} : memref<2x8x1664xf32, #tpu.memory_space<vmem>>, vector<1x1x16xf32>,
        %get3A_346 = arith.constant 1 : i32
        %get3A_347 = arith.constant 6 : i32
        %get3A_348 = arith.index_cast %get3A_346 : i32 to index
        %get3A_349 = arith.index_cast %get3A_347 : i32 to index
        %get3A_350 = arith.index_cast %mul3A_246 : i32 to index
        %get3A_351 = tpu.vector_load %arg5[%get3A_348, %get3A_349, %get3A_350] {strides = array<i32>} : memref<2x8x1664xf32, #tpu.memory_space<vmem>>, vector<1x1x16xf32>,
        %get3A_352 = vector.shape_cast %get3A_351 : vector<1x1x16xf32> to vector<16xf32>
        %mul3A_353 = arith.mulf %get3A_352, %get3A_250 : vector<16xf32>
        %swap3A_354 = arith.constant 1 : i32
        %swap3A_355 = arith.constant 6 : i32
        %swap3A_356 = arith.index_cast %swap3A_354 : i32 to index
        %swap3A_357 = arith.index_cast %swap3A_355 : i32 to index
        %swap3A_358 = arith.index_cast %mul3A_246 : i32 to index
        %swap3A_359 = tpu.vector_load %arg6[%swap3A_356, %swap3A_357, %swap3A_358] {strides = array<i32>} : memref<2x8x1664xf32, #tpu.memory_space<vmem>>, vector<1x1x16xf32>,
        %swap3A_360 = vector.shape_cast %swap3A_359 : vector<1x1x16xf32> to vector<16xf32>
        %swap3A_361 = vector.shape_cast %mul3A_353 : vector<16xf32> to vector<1x1x16xf32>
        tpu.vector_store %arg6[%swap3A_356, %swap3A_357, %swap3A_358], %swap3A_361 {strides = array<i32>} : memref<2x8x1664xf32, #tpu.memory_space<vmem>>, vector<1x1x16xf32>,
        %get3A_362 = arith.constant 1 : i32
        %get3A_363 = arith.constant 7 : i32
        %get3A_364 = arith.index_cast %get3A_362 : i32 to index
        %get3A_365 = arith.index_cast %get3A_363 : i32 to index
        %get3A_366 = arith.index_cast %mul3A_246 : i32 to index
        %get3A_367 = tpu.vector_load %arg5[%get3A_364, %get3A_365, %get3A_366] {strides = array<i32>} : memref<2x8x1664xf32, #tpu.memory_space<vmem>>, vector<1x1x16xf32>,
        %get3A_368 = vector.shape_cast %get3A_367 : vector<1x1x16xf32> to vector<16xf32>
        %mul3A_369 = arith.mulf %get3A_368, %get3A_250 : vector<16xf32>
        %swap3A_370 = arith.constant 1 : i32
        %swap3A_371 = arith.constant 7 : i32
        %swap3A_372 = arith.index_cast %swap3A_370 : i32 to index
        %swap3A_373 = arith.index_cast %swap3A_371 : i32 to index
        %swap3A_374 = arith.index_cast %mul3A_246 : i32 to index
        %swap3A_375 = tpu.vector_load %arg6[%swap3A_372, %swap3A_373, %swap3A_374] {strides = array<i32>} : memref<2x8x1664xf32, #tpu.memory_space<vmem>>, vector<1x1x16xf32>,
        %swap3A_376 = vector.shape_cast %swap3A_375 : vector<1x1x16xf32> to vector<16xf32>
        %swap3A_377 = vector.shape_cast %mul3A_369 : vector<16xf32> to vector<1x1x16xf32>
        tpu.vector_store %arg6[%swap3A_372, %swap3A_373, %swap3A_374], %swap3A_377 {strides = array<i32>} : memref<2x8x1664xf32, #tpu.memory_space<vmem>>, vector<1x1x16xf32>,
      }
      %scan3A_94 = arith.constant 104 : i32
      %multiple_of3A_95 = arith.constant 24 : i32
      %multiple_of3A_96 = tpu.assume_multiple %multiple_of3A_95, 8 : i32
      %dma_start3A_97 = arith.constant 1 : i32
      %dma_start3A_98 = arith.constant 0 : i32
      %dma_start3A_99 = arith.constant 0 : i32
      %dma_start3A_100 = tpu.memref_slice %arg5[%dma_start3A_97, %dma_start3A_98, %dma_start3A_99] : memref<2x8x1664xf32, #tpu.memory_space<vmem>> -> memref<1x8x1664xf32, #tpu.memory_space<vmem>>
      %dma_start3A_101 = tpu.memref_squeeze %dma_start3A_100 : memref<1x8x1664xf32, #tpu.memory_space<vmem>> -> memref<8x1664xf32, #tpu.memory_space<vmem>>
      %dma_start3A_102 = tpu.memref_slice %arg2[%multiple_of3A_96, %multiple_of3A] : memref<592x50000xf32, #tpu.memory_space<hbm>> -> memref<8x1664xf32, #tpu.memory_space<hbm>>
      %dma_start3A_103 = arith.constant 0 : i32
      %dma_start3A_104 = arith.constant 0 : i32
      %dma_start3A_105 = tpu.memref_slice %arg5[%dma_start3A_97, %dma_start3A_103, %dma_start3A_104] : memref<2x8x1664xf32, #tpu.memory_space<vmem>> -> memref<1x8x1664xf32, #tpu.memory_space<vmem>>
      %dma_start3A_106 = tpu.memref_squeeze %dma_start3A_105 : memref<1x8x1664xf32, #tpu.memory_space<vmem>> -> memref<8x1664xf32, #tpu.memory_space<vmem>>
      %dma_start3A_107 = tpu.memref_slice %arg2[%multiple_of3A_96, %multiple_of3A] : memref<592x50000xf32, #tpu.memory_space<hbm>> -> memref<8x1664xf32, #tpu.memory_space<hbm>>
      tpu.enqueue_dma source(%dma_start3A_107 : memref<8x1664xf32, #tpu.memory_space<hbm>>) target(%dma_start3A_106 : memref<8x1664xf32, #tpu.memory_space<vmem>>) target_semaphore(%arg11 : memref<!tpu.dma_semaphore, #tpu.memory_space<semaphore_mem>>)
      %multiple_of3A_108 = arith.constant 8 : i32
      %multiple_of3A_109 = tpu.assume_multiple %multiple_of3A_108, 8 : i32
      %dma_start3A_110 = arith.constant 1 : i32
      %dma_start3A_111 = arith.constant 0 : i32
      %dma_start3A_112 = arith.constant 0 : i32
      %dma_start3A_113 = tpu.memref_slice %arg6[%dma_start3A_110, %dma_start3A_111, %dma_start3A_112] : memref<2x8x1664xf32, #tpu.memory_space<vmem>> -> memref<1x8x1664xf32, #tpu.memory_space<vmem>>
      %dma_start3A_114 = tpu.memref_squeeze %dma_start3A_113 : memref<1x8x1664xf32, #tpu.memory_space<vmem>> -> memref<8x1664xf32, #tpu.memory_space<vmem>>
      %dma_start3A_115 = tpu.memref_slice %arg4[%multiple_of3A_109, %multiple_of3A] : memref<592x50000xf32, #tpu.memory_space<hbm>> -> memref<8x1664xf32, #tpu.memory_space<hbm>>
      %dma_start3A_116 = tpu.memref_slice %arg4[%multiple_of3A_109, %multiple_of3A] : memref<592x50000xf32, #tpu.memory_space<hbm>> -> memref<8x1664xf32, #tpu.memory_space<hbm>>
      %dma_start3A_117 = arith.constant 0 : i32
      %dma_start3A_118 = arith.constant 0 : i32
      %dma_start3A_119 = tpu.memref_slice %arg6[%dma_start3A_110, %dma_start3A_117, %dma_start3A_118] : memref<2x8x1664xf32, #tpu.memory_space<vmem>> -> memref<1x8x1664xf32, #tpu.memory_space<vmem>>
      %dma_start3A_120 = tpu.memref_squeeze %dma_start3A_119 : memref<1x8x1664xf32, #tpu.memory_space<vmem>> -> memref<8x1664xf32, #tpu.memory_space<vmem>>
      tpu.enqueue_dma source(%dma_start3A_120 : memref<8x1664xf32, #tpu.memory_space<vmem>>) target(%dma_start3A_116 : memref<8x1664xf32, #tpu.memory_space<hbm>>) target_semaphore(%arg13 : memref<!tpu.dma_semaphore, #tpu.memory_space<semaphore_mem>>)
      %scan3A_121 = arith.constant 0 : i32
      %scan3A_122 = arith.constant 35 : i32
      %scan3A_123 = arith.addi %scan3A_121, %scan3A_122 : i32
      %scan3A_124 = arith.constant 1 : i32
      scf.for %scan3A_240 = %scan3A_121 to %scan3A_123 step %scan3A_124  : i32 {
        %mul3A_241 = arith.constant 1 : i32
        %mul3A_242 = arith.muli %scan3A_240, %mul3A_241 : i32
        %add3A_243 = arith.constant 1 : i32
        %add3A_244 = arith.addi %add3A_243, %mul3A_242 : i32
        %mul3A_245 = arith.constant 2 : i32
        %mul3A_246 = arith.muli %mul3A_245, %add3A_244 : i32
        %add3A_247 = arith.constant 0 : i32
        %add3A_248 = arith.addi %mul3A_246, %add3A_247 : i32
        %dma_wait3A_249 = arith.constant 0 : i32
        %dma_wait3A_250 = arith.constant 0 : i32
        %dma_wait3A_251 = arith.constant 0 : i32
        %dma_wait3A_252 = tpu.memref_slice %arg5[%dma_wait3A_249, %dma_wait3A_250, %dma_wait3A_251] : memref<2x8x1664xf32, #tpu.memory_space<vmem>> -> memref<1x8x1664xf32, #tpu.memory_space<vmem>>
        %dma_wait3A_253 = tpu.memref_squeeze %dma_wait3A_252 : memref<1x8x1664xf32, #tpu.memory_space<vmem>> -> memref<8x1664xf32, #tpu.memory_space<vmem>>
        %dma_wait3A_254 = arith.constant 0 : i32
        %dma_wait3A_255 = tpu.memref_slice %arg2[%dma_wait3A_254, %multiple_of3A] : memref<592x50000xf32, #tpu.memory_space<hbm>> -> memref<8x1664xf32, #tpu.memory_space<hbm>>
        %dma_wait3A_256 = arith.constant 0 : i32
        %dma_wait3A_257 = arith.constant 0 : i32
        %dma_wait3A_258 = tpu.memref_slice %arg5[%dma_wait3A_249, %dma_wait3A_256, %dma_wait3A_257] : memref<2x8x1664xf32, #tpu.memory_space<vmem>> -> memref<1x8x1664xf32, #tpu.memory_space<vmem>>
        %dma_wait3A_259 = tpu.memref_squeeze %dma_wait3A_258 : memref<1x8x1664xf32, #tpu.memory_space<vmem>> -> memref<8x1664xf32, #tpu.memory_space<vmem>>
        %dma_wait3A_260 = arith.constant 0 : i32
        %dma_wait3A_261 = tpu.memref_slice %arg2[%dma_wait3A_260, %multiple_of3A] : memref<592x50000xf32, #tpu.memory_space<hbm>> -> memref<8x1664xf32, #tpu.memory_space<hbm>>
        tpu.wait_dma2 semaphore(%arg10 : memref<!tpu.dma_semaphore, #tpu.memory_space<semaphore_mem>>) src(%dma_wait3A_261 : memref<8x1664xf32, #tpu.memory_space<hbm>>) dst(%dma_wait3A_259 : memref<8x1664xf32, #tpu.memory_space<vmem>>)
        %dma_wait3A_262 = arith.constant 0 : i32
        %dma_wait3A_263 = arith.constant 0 : i32
        %dma_wait3A_264 = arith.constant 0 : i32
        %dma_wait3A_265 = tpu.memref_slice %arg6[%dma_wait3A_262, %dma_wait3A_263, %dma_wait3A_264] : memref<2x8x1664xf32, #tpu.memory_space<vmem>> -> memref<1x8x1664xf32, #tpu.memory_space<vmem>>
        %dma_wait3A_266 = tpu.memref_squeeze %dma_wait3A_265 : memref<1x8x1664xf32, #tpu.memory_space<vmem>> -> memref<8x1664xf32, #tpu.memory_space<vmem>>
        %dma_wait3A_267 = arith.constant 0 : i32
        %dma_wait3A_268 = tpu.memref_slice %arg4[%dma_wait3A_267, %multiple_of3A] : memref<592x50000xf32, #tpu.memory_space<hbm>> -> memref<8x1664xf32, #tpu.memory_space<hbm>>
        %dma_wait3A_269 = arith.constant 0 : i32
        %dma_wait3A_270 = tpu.memref_slice %arg4[%dma_wait3A_269, %multiple_of3A] : memref<592x50000xf32, #tpu.memory_space<hbm>> -> memref<8x1664xf32, #tpu.memory_space<hbm>>
        %dma_wait3A_271 = arith.constant 0 : i32
        %dma_wait3A_272 = arith.constant 0 : i32
        %dma_wait3A_273 = tpu.memref_slice %arg6[%dma_wait3A_262, %dma_wait3A_271, %dma_wait3A_272] : memref<2x8x1664xf32, #tpu.memory_space<vmem>> -> memref<1x8x1664xf32, #tpu.memory_space<vmem>>
        %dma_wait3A_274 = tpu.memref_squeeze %dma_wait3A_273 : memref<1x8x1664xf32, #tpu.memory_space<vmem>> -> memref<8x1664xf32, #tpu.memory_space<vmem>>
        tpu.wait_dma2 semaphore(%arg12 : memref<!tpu.dma_semaphore, #tpu.memory_space<semaphore_mem>>) src(%dma_wait3A_274 : memref<8x1664xf32, #tpu.memory_space<vmem>>) dst(%dma_wait3A_270 : memref<8x1664xf32, #tpu.memory_space<hbm>>)
        %ge3A_275 = arith.constant 16 : i32
        %ge3A_276 = arith.cmpi sge, %add3A_248, %ge3A_275 : i32
        %convert_element_type3A_277 = arith.extui %ge3A_276 : i1 to i32
        %ge3A_278 = arith.constant 40 : i32
        %ge3A_279 = arith.cmpi sge, %add3A_248, %ge3A_278 : i32
        %convert_element_type3A_280 = arith.extui %ge3A_279 : i1 to i32
        %add3A_281 = arith.addi %convert_element_type3A_277, %convert_element_type3A_280 : i32
        %ge3A_282 = arith.constant 60 : i32
        %ge3A_283 = arith.cmpi sge, %add3A_248, %ge3A_282 : i32
        %convert_element_type3A_284 = arith.extui %ge3A_283 : i1 to i32
        %add3A_285 = arith.addi %add3A_281, %convert_element_type3A_284 : i32
        %scan3A_286 = arith.constant 0 : i32
        %scan3A_287 = arith.constant 104 : i32
        %scan3A_288 = arith.addi %scan3A_286, %scan3A_287 : i32
        %scan3A_289 = arith.constant 1 : i32
        scf.for %scan3A_397 = %scan3A_286 to %scan3A_288 step %scan3A_289  : i32 {
          %mul3A_398 = arith.constant 1 : i32
          %mul3A_399 = arith.muli %scan3A_397, %mul3A_398 : i32
          %add3A_400 = arith.constant 0 : i32
          %add3A_401 = arith.addi %add3A_400, %mul3A_399 : i32
          %mul3A_402 = arith.constant 16 : i32
          %mul3A_403 = arith.muli %add3A_401, %mul3A_402 : i32
          %get3A = arith.index_cast %add3A_285 : i32 to index
          %get3A_404 = arith.index_cast %mul3A_403 : i32 to index
          %get3A_405 = tpu.vector_load %arg7[%get3A, %get3A_404] {strides = array<i32>} : memref<4x1664xf32, #tpu.memory_space<vmem>>, vector<1x16xf32>,
          %get3A_406 = vector.shape_cast %get3A_405 : vector<1x16xf32> to vector<16xf32>
          %get3A_407 = arith.constant 0 : i32
          %get3A_408 = arith.constant 0 : i32
          %get3A_409 = arith.index_cast %get3A_407 : i32 to index
          %get3A_410 = arith.index_cast %get3A_408 : i32 to index
          %get3A_411 = arith.index_cast %mul3A_403 : i32 to index
          %get3A_412 = tpu.vector_load %arg5[%get3A_409, %get3A_410, %get3A_411] {strides = array<i32>} : memref<2x8x1664xf32, #tpu.memory_space<vmem>>, vector<1x1x16xf32>,
          %get3A_413 = vector.shape_cast %get3A_412 : vector<1x1x16xf32> to vector<16xf32>
          %mul3A_414 = arith.mulf %get3A_413, %get3A_406 : vector<16xf32>
          %swap3A = arith.constant 0 : i32
          %swap3A_415 = arith.constant 0 : i32
          %swap3A_416 = arith.index_cast %swap3A : i32 to index
          %swap3A_417 = arith.index_cast %swap3A_415 : i32 to index
          %swap3A_418 = arith.index_cast %mul3A_403 : i32 to index
          %swap3A_419 = tpu.vector_load %arg6[%swap3A_416, %swap3A_417, %swap3A_418] {strides = array<i32>} : memref<2x8x1664xf32, #tpu.memory_space<vmem>>, vector<1x1x16xf32>,
          %swap3A_420 = vector.shape_cast %swap3A_419 : vector<1x1x16xf32> to vector<16xf32>
          %swap3A_421 = vector.shape_cast %mul3A_414 : vector<16xf32> to vector<1x1x16xf32>
          tpu.vector_store %arg6[%swap3A_416, %swap3A_417, %swap3A_418], %swap3A_421 {strides = array<i32>} : memref<2x8x1664xf32, #tpu.memory_space<vmem>>, vector<1x1x16xf32>,
          %get3A_422 = arith.constant 0 : i32
          %get3A_423 = arith.constant 1 : i32
          %get3A_424 = arith.index_cast %get3A_422 : i32 to index
          %get3A_425 = arith.index_cast %get3A_423 : i32 to index
          %get3A_426 = arith.index_cast %mul3A_403 : i32 to index
          %get3A_427 = tpu.vector_load %arg5[%get3A_424, %get3A_425, %get3A_426] {strides = array<i32>} : memref<2x8x1664xf32, #tpu.memory_space<vmem>>, vector<1x1x16xf32>,
          %get3A_428 = vector.shape_cast %get3A_427 : vector<1x1x16xf32> to vector<16xf32>
          %mul3A_429 = arith.mulf %get3A_428, %get3A_406 : vector<16xf32>
          %swap3A_430 = arith.constant 0 : i32
          %swap3A_431 = arith.constant 1 : i32
          %swap3A_432 = arith.index_cast %swap3A_430 : i32 to index
          %swap3A_433 = arith.index_cast %swap3A_431 : i32 to index
          %swap3A_434 = arith.index_cast %mul3A_403 : i32 to index
          %swap3A_435 = tpu.vector_load %arg6[%swap3A_432, %swap3A_433, %swap3A_434] {strides = array<i32>} : memref<2x8x1664xf32, #tpu.memory_space<vmem>>, vector<1x1x16xf32>,
          %swap3A_436 = vector.shape_cast %swap3A_435 : vector<1x1x16xf32> to vector<16xf32>
          %swap3A_437 = vector.shape_cast %mul3A_429 : vector<16xf32> to vector<1x1x16xf32>
          tpu.vector_store %arg6[%swap3A_432, %swap3A_433, %swap3A_434], %swap3A_437 {strides = array<i32>} : memref<2x8x1664xf32, #tpu.memory_space<vmem>>, vector<1x1x16xf32>,
          %get3A_438 = arith.constant 0 : i32
          %get3A_439 = arith.constant 2 : i32
          %get3A_440 = arith.index_cast %get3A_438 : i32 to index
          %get3A_441 = arith.index_cast %get3A_439 : i32 to index
          %get3A_442 = arith.index_cast %mul3A_403 : i32 to index
          %get3A_443 = tpu.vector_load %arg5[%get3A_440, %get3A_441, %get3A_442] {strides = array<i32>} : memref<2x8x1664xf32, #tpu.memory_space<vmem>>, vector<1x1x16xf32>,
          %get3A_444 = vector.shape_cast %get3A_443 : vector<1x1x16xf32> to vector<16xf32>
          %mul3A_445 = arith.mulf %get3A_444, %get3A_406 : vector<16xf32>
          %swap3A_446 = arith.constant 0 : i32
          %swap3A_447 = arith.constant 2 : i32
          %swap3A_448 = arith.index_cast %swap3A_446 : i32 to index
          %swap3A_449 = arith.index_cast %swap3A_447 : i32 to index
          %swap3A_450 = arith.index_cast %mul3A_403 : i32 to index
          %swap3A_451 = tpu.vector_load %arg6[%swap3A_448, %swap3A_449, %swap3A_450] {strides = array<i32>} : memref<2x8x1664xf32, #tpu.memory_space<vmem>>, vector<1x1x16xf32>,
          %swap3A_452 = vector.shape_cast %swap3A_451 : vector<1x1x16xf32> to vector<16xf32>
          %swap3A_453 = vector.shape_cast %mul3A_445 : vector<16xf32> to vector<1x1x16xf32>
          tpu.vector_store %arg6[%swap3A_448, %swap3A_449, %swap3A_450], %swap3A_453 {strides = array<i32>} : memref<2x8x1664xf32, #tpu.memory_space<vmem>>, vector<1x1x16xf32>,
          %get3A_454 = arith.constant 0 : i32
          %get3A_455 = arith.constant 3 : i32
          %get3A_456 = arith.index_cast %get3A_454 : i32 to index
          %get3A_457 = arith.index_cast %get3A_455 : i32 to index
          %get3A_458 = arith.index_cast %mul3A_403 : i32 to index
          %get3A_459 = tpu.vector_load %arg5[%get3A_456, %get3A_457, %get3A_458] {strides = array<i32>} : memref<2x8x1664xf32, #tpu.memory_space<vmem>>, vector<1x1x16xf32>,
          %get3A_460 = vector.shape_cast %get3A_459 : vector<1x1x16xf32> to vector<16xf32>
          %mul3A_461 = arith.mulf %get3A_460, %get3A_406 : vector<16xf32>
          %swap3A_462 = arith.constant 0 : i32
          %swap3A_463 = arith.constant 3 : i32
          %swap3A_464 = arith.index_cast %swap3A_462 : i32 to index
          %swap3A_465 = arith.index_cast %swap3A_463 : i32 to index
          %swap3A_466 = arith.index_cast %mul3A_403 : i32 to index
          %swap3A_467 = tpu.vector_load %arg6[%swap3A_464, %swap3A_465, %swap3A_466] {strides = array<i32>} : memref<2x8x1664xf32, #tpu.memory_space<vmem>>, vector<1x1x16xf32>,
          %swap3A_468 = vector.shape_cast %swap3A_467 : vector<1x1x16xf32> to vector<16xf32>
          %swap3A_469 = vector.shape_cast %mul3A_461 : vector<16xf32> to vector<1x1x16xf32>
          tpu.vector_store %arg6[%swap3A_464, %swap3A_465, %swap3A_466], %swap3A_469 {strides = array<i32>} : memref<2x8x1664xf32, #tpu.memory_space<vmem>>, vector<1x1x16xf32>,
          %get3A_470 = arith.constant 0 : i32
          %get3A_471 = arith.constant 4 : i32
          %get3A_472 = arith.index_cast %get3A_470 : i32 to index
          %get3A_473 = arith.index_cast %get3A_471 : i32 to index
          %get3A_474 = arith.index_cast %mul3A_403 : i32 to index
          %get3A_475 = tpu.vector_load %arg5[%get3A_472, %get3A_473, %get3A_474] {strides = array<i32>} : memref<2x8x1664xf32, #tpu.memory_space<vmem>>, vector<1x1x16xf32>,
          %get3A_476 = vector.shape_cast %get3A_475 : vector<1x1x16xf32> to vector<16xf32>
          %mul3A_477 = arith.mulf %get3A_476, %get3A_406 : vector<16xf32>
          %swap3A_478 = arith.constant 0 : i32
          %swap3A_479 = arith.constant 4 : i32
          %swap3A_480 = arith.index_cast %swap3A_478 : i32 to index
          %swap3A_481 = arith.index_cast %swap3A_479 : i32 to index
          %swap3A_482 = arith.index_cast %mul3A_403 : i32 to index
          %swap3A_483 = tpu.vector_load %arg6[%swap3A_480, %swap3A_481, %swap3A_482] {strides = array<i32>} : memref<2x8x1664xf32, #tpu.memory_space<vmem>>, vector<1x1x16xf32>,
          %swap3A_484 = vector.shape_cast %swap3A_483 : vector<1x1x16xf32> to vector<16xf32>
          %swap3A_485 = vector.shape_cast %mul3A_477 : vector<16xf32> to vector<1x1x16xf32>
          tpu.vector_store %arg6[%swap3A_480, %swap3A_481, %swap3A_482], %swap3A_485 {strides = array<i32>} : memref<2x8x1664xf32, #tpu.memory_space<vmem>>, vector<1x1x16xf32>,
          %get3A_486 = arith.constant 0 : i32
          %get3A_487 = arith.constant 5 : i32
          %get3A_488 = arith.index_cast %get3A_486 : i32 to index
          %get3A_489 = arith.index_cast %get3A_487 : i32 to index
          %get3A_490 = arith.index_cast %mul3A_403 : i32 to index
          %get3A_491 = tpu.vector_load %arg5[%get3A_488, %get3A_489, %get3A_490] {strides = array<i32>} : memref<2x8x1664xf32, #tpu.memory_space<vmem>>, vector<1x1x16xf32>,
          %get3A_492 = vector.shape_cast %get3A_491 : vector<1x1x16xf32> to vector<16xf32>
          %mul3A_493 = arith.mulf %get3A_492, %get3A_406 : vector<16xf32>
          %swap3A_494 = arith.constant 0 : i32
          %swap3A_495 = arith.constant 5 : i32
          %swap3A_496 = arith.index_cast %swap3A_494 : i32 to index
          %swap3A_497 = arith.index_cast %swap3A_495 : i32 to index
          %swap3A_498 = arith.index_cast %mul3A_403 : i32 to index
          %swap3A_499 = tpu.vector_load %arg6[%swap3A_496, %swap3A_497, %swap3A_498] {strides = array<i32>} : memref<2x8x1664xf32, #tpu.memory_space<vmem>>, vector<1x1x16xf32>,
          %swap3A_500 = vector.shape_cast %swap3A_499 : vector<1x1x16xf32> to vector<16xf32>
          %swap3A_501 = vector.shape_cast %mul3A_493 : vector<16xf32> to vector<1x1x16xf32>
          tpu.vector_store %arg6[%swap3A_496, %swap3A_497, %swap3A_498], %swap3A_501 {strides = array<i32>} : memref<2x8x1664xf32, #tpu.memory_space<vmem>>, vector<1x1x16xf32>,
          %get3A_502 = arith.constant 0 : i32
          %get3A_503 = arith.constant 6 : i32
          %get3A_504 = arith.index_cast %get3A_502 : i32 to index
          %get3A_505 = arith.index_cast %get3A_503 : i32 to index
          %get3A_506 = arith.index_cast %mul3A_403 : i32 to index
          %get3A_507 = tpu.vector_load %arg5[%get3A_504, %get3A_505, %get3A_506] {strides = array<i32>} : memref<2x8x1664xf32, #tpu.memory_space<vmem>>, vector<1x1x16xf32>,
          %get3A_508 = vector.shape_cast %get3A_507 : vector<1x1x16xf32> to vector<16xf32>
          %mul3A_509 = arith.mulf %get3A_508, %get3A_406 : vector<16xf32>
          %swap3A_510 = arith.constant 0 : i32
          %swap3A_511 = arith.constant 6 : i32
          %swap3A_512 = arith.index_cast %swap3A_510 : i32 to index
          %swap3A_513 = arith.index_cast %swap3A_511 : i32 to index
          %swap3A_514 = arith.index_cast %mul3A_403 : i32 to index
          %swap3A_515 = tpu.vector_load %arg6[%swap3A_512, %swap3A_513, %swap3A_514] {strides = array<i32>} : memref<2x8x1664xf32, #tpu.memory_space<vmem>>, vector<1x1x16xf32>,
          %swap3A_516 = vector.shape_cast %swap3A_515 : vector<1x1x16xf32> to vector<16xf32>
          %swap3A_517 = vector.shape_cast %mul3A_509 : vector<16xf32> to vector<1x1x16xf32>
          tpu.vector_store %arg6[%swap3A_512, %swap3A_513, %swap3A_514], %swap3A_517 {strides = array<i32>} : memref<2x8x1664xf32, #tpu.memory_space<vmem>>, vector<1x1x16xf32>,
          %get3A_518 = arith.constant 0 : i32
          %get3A_519 = arith.constant 7 : i32
          %get3A_520 = arith.index_cast %get3A_518 : i32 to index
          %get3A_521 = arith.index_cast %get3A_519 : i32 to index
          %get3A_522 = arith.index_cast %mul3A_403 : i32 to index
          %get3A_523 = tpu.vector_load %arg5[%get3A_520, %get3A_521, %get3A_522] {strides = array<i32>} : memref<2x8x1664xf32, #tpu.memory_space<vmem>>, vector<1x1x16xf32>,
          %get3A_524 = vector.shape_cast %get3A_523 : vector<1x1x16xf32> to vector<16xf32>
          %mul3A_525 = arith.mulf %get3A_524, %get3A_406 : vector<16xf32>
          %swap3A_526 = arith.constant 0 : i32
          %swap3A_527 = arith.constant 7 : i32
          %swap3A_528 = arith.index_cast %swap3A_526 : i32 to index
          %swap3A_529 = arith.index_cast %swap3A_527 : i32 to index
          %swap3A_530 = arith.index_cast %mul3A_403 : i32 to index
          %swap3A_531 = tpu.vector_load %arg6[%swap3A_528, %swap3A_529, %swap3A_530] {strides = array<i32>} : memref<2x8x1664xf32, #tpu.memory_space<vmem>>, vector<1x1x16xf32>,
          %swap3A_532 = vector.shape_cast %swap3A_531 : vector<1x1x16xf32> to vector<16xf32>
          %swap3A_533 = vector.shape_cast %mul3A_525 : vector<16xf32> to vector<1x1x16xf32>
          tpu.vector_store %arg6[%swap3A_528, %swap3A_529, %swap3A_530], %swap3A_533 {strides = array<i32>} : memref<2x8x1664xf32, #tpu.memory_space<vmem>>, vector<1x1x16xf32>,
        }
        %scan3A_290 = arith.constant 104 : i32
        %add3A_291 = arith.constant 2 : i32
        %add3A_292 = arith.addi %add3A_248, %add3A_291 : i32
        %mul3A_293 = arith.constant 8 : i32
        %mul3A_294 = arith.muli %add3A_292, %mul3A_293 : i32
        %multiple_of3A_295 = tpu.assume_multiple %mul3A_294, 8 : i32
        %dma_start3A_296 = arith.constant 0 : i32
        %dma_start3A_297 = arith.constant 0 : i32
        %dma_start3A_298 = arith.constant 0 : i32
        %dma_start3A_299 = tpu.memref_slice %arg5[%dma_start3A_296, %dma_start3A_297, %dma_start3A_298] : memref<2x8x1664xf32, #tpu.memory_space<vmem>> -> memref<1x8x1664xf32, #tpu.memory_space<vmem>>
        %dma_start3A_300 = tpu.memref_squeeze %dma_start3A_299 : memref<1x8x1664xf32, #tpu.memory_space<vmem>> -> memref<8x1664xf32, #tpu.memory_space<vmem>>
        %dma_start3A_301 = tpu.memref_slice %arg2[%multiple_of3A_295, %multiple_of3A] : memref<592x50000xf32, #tpu.memory_space<hbm>> -> memref<8x1664xf32, #tpu.memory_space<hbm>>
        %dma_start3A_302 = arith.constant 0 : i32
        %dma_start3A_303 = arith.constant 0 : i32
        %dma_start3A_304 = tpu.memref_slice %arg5[%dma_start3A_296, %dma_start3A_302, %dma_start3A_303] : memref<2x8x1664xf32, #tpu.memory_space<vmem>> -> memref<1x8x1664xf32, #tpu.memory_space<vmem>>
        %dma_start3A_305 = tpu.memref_squeeze %dma_start3A_304 : memref<1x8x1664xf32, #tpu.memory_space<vmem>> -> memref<8x1664xf32, #tpu.memory_space<vmem>>
        %dma_start3A_306 = tpu.memref_slice %arg2[%multiple_of3A_295, %multiple_of3A] : memref<592x50000xf32, #tpu.memory_space<hbm>> -> memref<8x1664xf32, #tpu.memory_space<hbm>>
        tpu.enqueue_dma source(%dma_start3A_306 : memref<8x1664xf32, #tpu.memory_space<hbm>>) target(%dma_start3A_305 : memref<8x1664xf32, #tpu.memory_space<vmem>>) target_semaphore(%arg10 : memref<!tpu.dma_semaphore, #tpu.memory_space<semaphore_mem>>)
        %mul3A_307 = arith.constant 8 : i32
        %mul3A_308 = arith.muli %add3A_248, %mul3A_307 : i32
        %multiple_of3A_309 = tpu.assume_multiple %mul3A_308, 8 : i32
        %dma_start3A_310 = arith.constant 0 : i32
        %dma_start3A_311 = arith.constant 0 : i32
        %dma_start3A_312 = arith.constant 0 : i32
        %dma_start3A_313 = tpu.memref_slice %arg6[%dma_start3A_310, %dma_start3A_311, %dma_start3A_312] : memref<2x8x1664xf32, #tpu.memory_space<vmem>> -> memref<1x8x1664xf32, #tpu.memory_space<vmem>>
        %dma_start3A_314 = tpu.memref_squeeze %dma_start3A_313 : memref<1x8x1664xf32, #tpu.memory_space<vmem>> -> memref<8x1664xf32, #tpu.memory_space<vmem>>
        %dma_start3A_315 = tpu.memref_slice %arg4[%multiple_of3A_309, %multiple_of3A] : memref<592x50000xf32, #tpu.memory_space<hbm>> -> memref<8x1664xf32, #tpu.memory_space<hbm>>
        %dma_start3A_316 = tpu.memref_slice %arg4[%multiple_of3A_309, %multiple_of3A] : memref<592x50000xf32, #tpu.memory_space<hbm>> -> memref<8x1664xf32, #tpu.memory_space<hbm>>
        %dma_start3A_317 = arith.constant 0 : i32
        %dma_start3A_318 = arith.constant 0 : i32
        %dma_start3A_319 = tpu.memref_slice %arg6[%dma_start3A_310, %dma_start3A_317, %dma_start3A_318] : memref<2x8x1664xf32, #tpu.memory_space<vmem>> -> memref<1x8x1664xf32, #tpu.memory_space<vmem>>
        %dma_start3A_320 = tpu.memref_squeeze %dma_start3A_319 : memref<1x8x1664xf32, #tpu.memory_space<vmem>> -> memref<8x1664xf32, #tpu.memory_space<vmem>>
        tpu.enqueue_dma source(%dma_start3A_320 : memref<8x1664xf32, #tpu.memory_space<vmem>>) target(%dma_start3A_316 : memref<8x1664xf32, #tpu.memory_space<hbm>>) target_semaphore(%arg12 : memref<!tpu.dma_semaphore, #tpu.memory_space<semaphore_mem>>)
        %mul3A_321 = arith.constant 2 : i32
        %mul3A_322 = arith.muli %mul3A_321, %add3A_244 : i32
        %add3A_323 = arith.constant 1 : i32
        %add3A_324 = arith.addi %mul3A_322, %add3A_323 : i32
        %dma_wait3A_325 = arith.constant 1 : i32
        %dma_wait3A_326 = arith.constant 0 : i32
        %dma_wait3A_327 = arith.constant 0 : i32
        %dma_wait3A_328 = tpu.memref_slice %arg5[%dma_wait3A_325, %dma_wait3A_326, %dma_wait3A_327] : memref<2x8x1664xf32, #tpu.memory_space<vmem>> -> memref<1x8x1664xf32, #tpu.memory_space<vmem>>
        %dma_wait3A_329 = tpu.memref_squeeze %dma_wait3A_328 : memref<1x8x1664xf32, #tpu.memory_space<vmem>> -> memref<8x1664xf32, #tpu.memory_space<vmem>>
        %dma_wait3A_330 = arith.constant 0 : i32
        %dma_wait3A_331 = tpu.memref_slice %arg2[%dma_wait3A_330, %multiple_of3A] : memref<592x50000xf32, #tpu.memory_space<hbm>> -> memref<8x1664xf32, #tpu.memory_space<hbm>>
        %dma_wait3A_332 = arith.constant 0 : i32
        %dma_wait3A_333 = arith.constant 0 : i32
        %dma_wait3A_334 = tpu.memref_slice %arg5[%dma_wait3A_325, %dma_wait3A_332, %dma_wait3A_333] : memref<2x8x1664xf32, #tpu.memory_space<vmem>> -> memref<1x8x1664xf32, #tpu.memory_space<vmem>>
        %dma_wait3A_335 = tpu.memref_squeeze %dma_wait3A_334 : memref<1x8x1664xf32, #tpu.memory_space<vmem>> -> memref<8x1664xf32, #tpu.memory_space<vmem>>
        %dma_wait3A_336 = arith.constant 0 : i32
        %dma_wait3A_337 = tpu.memref_slice %arg2[%dma_wait3A_336, %multiple_of3A] : memref<592x50000xf32, #tpu.memory_space<hbm>> -> memref<8x1664xf32, #tpu.memory_space<hbm>>
        tpu.wait_dma2 semaphore(%arg11 : memref<!tpu.dma_semaphore, #tpu.memory_space<semaphore_mem>>) src(%dma_wait3A_337 : memref<8x1664xf32, #tpu.memory_space<hbm>>) dst(%dma_wait3A_335 : memref<8x1664xf32, #tpu.memory_space<vmem>>)
        %dma_wait3A_338 = arith.constant 1 : i32
        %dma_wait3A_339 = arith.constant 0 : i32
        %dma_wait3A_340 = arith.constant 0 : i32
        %dma_wait3A_341 = tpu.memref_slice %arg6[%dma_wait3A_338, %dma_wait3A_339, %dma_wait3A_340] : memref<2x8x1664xf32, #tpu.memory_space<vmem>> -> memref<1x8x1664xf32, #tpu.memory_space<vmem>>
        %dma_wait3A_342 = tpu.memref_squeeze %dma_wait3A_341 : memref<1x8x1664xf32, #tpu.memory_space<vmem>> -> memref<8x1664xf32, #tpu.memory_space<vmem>>
        %dma_wait3A_343 = arith.constant 0 : i32
        %dma_wait3A_344 = tpu.memref_slice %arg4[%dma_wait3A_343, %multiple_of3A] : memref<592x50000xf32, #tpu.memory_space<hbm>> -> memref<8x1664xf32, #tpu.memory_space<hbm>>
        %dma_wait3A_345 = arith.constant 0 : i32
        %dma_wait3A_346 = tpu.memref_slice %arg4[%dma_wait3A_345, %multiple_of3A] : memref<592x50000xf32, #tpu.memory_space<hbm>> -> memref<8x1664xf32, #tpu.memory_space<hbm>>
        %dma_wait3A_347 = arith.constant 0 : i32
        %dma_wait3A_348 = arith.constant 0 : i32
        %dma_wait3A_349 = tpu.memref_slice %arg6[%dma_wait3A_338, %dma_wait3A_347, %dma_wait3A_348] : memref<2x8x1664xf32, #tpu.memory_space<vmem>> -> memref<1x8x1664xf32, #tpu.memory_space<vmem>>
        %dma_wait3A_350 = tpu.memref_squeeze %dma_wait3A_349 : memref<1x8x1664xf32, #tpu.memory_space<vmem>> -> memref<8x1664xf32, #tpu.memory_space<vmem>>
        tpu.wait_dma2 semaphore(%arg13 : memref<!tpu.dma_semaphore, #tpu.memory_space<semaphore_mem>>) src(%dma_wait3A_350 : memref<8x1664xf32, #tpu.memory_space<vmem>>) dst(%dma_wait3A_346 : memref<8x1664xf32, #tpu.memory_space<hbm>>)
        %ge3A_351 = arith.constant 16 : i32
        %ge3A_352 = arith.cmpi sge, %add3A_324, %ge3A_351 : i32
        %convert_element_type3A_353 = arith.extui %ge3A_352 : i1 to i32
        %ge3A_354 = arith.constant 40 : i32
        %ge3A_355 = arith.cmpi sge, %add3A_324, %ge3A_354 : i32
        %convert_element_type3A_356 = arith.extui %ge3A_355 : i1 to i32
        %add3A_357 = arith.addi %convert_element_type3A_353, %convert_element_type3A_356 : i32
        %ge3A_358 = arith.constant 60 : i32
        %ge3A_359 = arith.cmpi sge, %add3A_324, %ge3A_358 : i32
        %convert_element_type3A_360 = arith.extui %ge3A_359 : i1 to i32
        %add3A_361 = arith.addi %add3A_357, %convert_element_type3A_360 : i32
        %scan3A_362 = arith.constant 0 : i32
        %scan3A_363 = arith.constant 104 : i32
        %scan3A_364 = arith.addi %scan3A_362, %scan3A_363 : i32
        %scan3A_365 = arith.constant 1 : i32
        scf.for %scan3A_397 = %scan3A_362 to %scan3A_364 step %scan3A_365  : i32 {
          %mul3A_398 = arith.constant 1 : i32
          %mul3A_399 = arith.muli %scan3A_397, %mul3A_398 : i32
          %add3A_400 = arith.constant 0 : i32
          %add3A_401 = arith.addi %add3A_400, %mul3A_399 : i32
          %mul3A_402 = arith.constant 16 : i32
          %mul3A_403 = arith.muli %add3A_401, %mul3A_402 : i32
          %get3A = arith.index_cast %add3A_361 : i32 to index
          %get3A_404 = arith.index_cast %mul3A_403 : i32 to index
          %get3A_405 = tpu.vector_load %arg7[%get3A, %get3A_404] {strides = array<i32>} : memref<4x1664xf32, #tpu.memory_space<vmem>>, vector<1x16xf32>,
          %get3A_406 = vector.shape_cast %get3A_405 : vector<1x16xf32> to vector<16xf32>
          %get3A_407 = arith.constant 1 : i32
          %get3A_408 = arith.constant 0 : i32
          %get3A_409 = arith.index_cast %get3A_407 : i32 to index
          %get3A_410 = arith.index_cast %get3A_408 : i32 to index
          %get3A_411 = arith.index_cast %mul3A_403 : i32 to index
          %get3A_412 = tpu.vector_load %arg5[%get3A_409, %get3A_410, %get3A_411] {strides = array<i32>} : memref<2x8x1664xf32, #tpu.memory_space<vmem>>, vector<1x1x16xf32>,
          %get3A_413 = vector.shape_cast %get3A_412 : vector<1x1x16xf32> to vector<16xf32>
          %mul3A_414 = arith.mulf %get3A_413, %get3A_406 : vector<16xf32>
          %swap3A = arith.constant 1 : i32
          %swap3A_415 = arith.constant 0 : i32
          %swap3A_416 = arith.index_cast %swap3A : i32 to index
          %swap3A_417 = arith.index_cast %swap3A_415 : i32 to index
          %swap3A_418 = arith.index_cast %mul3A_403 : i32 to index
          %swap3A_419 = tpu.vector_load %arg6[%swap3A_416, %swap3A_417, %swap3A_418] {strides = array<i32>} : memref<2x8x1664xf32, #tpu.memory_space<vmem>>, vector<1x1x16xf32>,
          %swap3A_420 = vector.shape_cast %swap3A_419 : vector<1x1x16xf32> to vector<16xf32>
          %swap3A_421 = vector.shape_cast %mul3A_414 : vector<16xf32> to vector<1x1x16xf32>
          tpu.vector_store %arg6[%swap3A_416, %swap3A_417, %swap3A_418], %swap3A_421 {strides = array<i32>} : memref<2x8x1664xf32, #tpu.memory_space<vmem>>, vector<1x1x16xf32>,
          %get3A_422 = arith.constant 1 : i32
          %get3A_423 = arith.constant 1 : i32
          %get3A_424 = arith.index_cast %get3A_422 : i32 to index
          %get3A_425 = arith.index_cast %get3A_423 : i32 to index
          %get3A_426 = arith.index_cast %mul3A_403 : i32 to index
          %get3A_427 = tpu.vector_load %arg5[%get3A_424, %get3A_425, %get3A_426] {strides = array<i32>} : memref<2x8x1664xf32, #tpu.memory_space<vmem>>, vector<1x1x16xf32>,
          %get3A_428 = vector.shape_cast %get3A_427 : vector<1x1x16xf32> to vector<16xf32>
          %mul3A_429 = arith.mulf %get3A_428, %get3A_406 : vector<16xf32>
          %swap3A_430 = arith.constant 1 : i32
          %swap3A_431 = arith.constant 1 : i32
          %swap3A_432 = arith.index_cast %swap3A_430 : i32 to index
          %swap3A_433 = arith.index_cast %swap3A_431 : i32 to index
          %swap3A_434 = arith.index_cast %mul3A_403 : i32 to index
          %swap3A_435 = tpu.vector_load %arg6[%swap3A_432, %swap3A_433, %swap3A_434] {strides = array<i32>} : memref<2x8x1664xf32, #tpu.memory_space<vmem>>, vector<1x1x16xf32>,
          %swap3A_436 = vector.shape_cast %swap3A_435 : vector<1x1x16xf32> to vector<16xf32>
          %swap3A_437 = vector.shape_cast %mul3A_429 : vector<16xf32> to vector<1x1x16xf32>
          tpu.vector_store %arg6[%swap3A_432, %swap3A_433, %swap3A_434], %swap3A_437 {strides = array<i32>} : memref<2x8x1664xf32, #tpu.memory_space<vmem>>, vector<1x1x16xf32>,
          %get3A_438 = arith.constant 1 : i32
          %get3A_439 = arith.constant 2 : i32
          %get3A_440 = arith.index_cast %get3A_438 : i32 to index
          %get3A_441 = arith.index_cast %get3A_439 : i32 to index
          %get3A_442 = arith.index_cast %mul3A_403 : i32 to index
          %get3A_443 = tpu.vector_load %arg5[%get3A_440, %get3A_441, %get3A_442] {strides = array<i32>} : memref<2x8x1664xf32, #tpu.memory_space<vmem>>, vector<1x1x16xf32>,
          %get3A_444 = vector.shape_cast %get3A_443 : vector<1x1x16xf32> to vector<16xf32>
          %mul3A_445 = arith.mulf %get3A_444, %get3A_406 : vector<16xf32>
          %swap3A_446 = arith.constant 1 : i32
          %swap3A_447 = arith.constant 2 : i32
          %swap3A_448 = arith.index_cast %swap3A_446 : i32 to index
          %swap3A_449 = arith.index_cast %swap3A_447 : i32 to index
          %swap3A_450 = arith.index_cast %mul3A_403 : i32 to index
          %swap3A_451 = tpu.vector_load %arg6[%swap3A_448, %swap3A_449, %swap3A_450] {strides = array<i32>} : memref<2x8x1664xf32, #tpu.memory_space<vmem>>, vector<1x1x16xf32>,
          %swap3A_452 = vector.shape_cast %swap3A_451 : vector<1x1x16xf32> to vector<16xf32>
          %swap3A_453 = vector.shape_cast %mul3A_445 : vector<16xf32> to vector<1x1x16xf32>
          tpu.vector_store %arg6[%swap3A_448, %swap3A_449, %swap3A_450], %swap3A_453 {strides = array<i32>} : memref<2x8x1664xf32, #tpu.memory_space<vmem>>, vector<1x1x16xf32>,
          %get3A_454 = arith.constant 1 : i32
          %get3A_455 = arith.constant 3 : i32
          %get3A_456 = arith.index_cast %get3A_454 : i32 to index
          %get3A_457 = arith.index_cast %get3A_455 : i32 to index
          %get3A_458 = arith.index_cast %mul3A_403 : i32 to index
          %get3A_459 = tpu.vector_load %arg5[%get3A_456, %get3A_457, %get3A_458] {strides = array<i32>} : memref<2x8x1664xf32, #tpu.memory_space<vmem>>, vector<1x1x16xf32>,
          %get3A_460 = vector.shape_cast %get3A_459 : vector<1x1x16xf32> to vector<16xf32>
          %mul3A_461 = arith.mulf %get3A_460, %get3A_406 : vector<16xf32>
          %swap3A_462 = arith.constant 1 : i32
          %swap3A_463 = arith.constant 3 : i32
          %swap3A_464 = arith.index_cast %swap3A_462 : i32 to index
          %swap3A_465 = arith.index_cast %swap3A_463 : i32 to index
          %swap3A_466 = arith.index_cast %mul3A_403 : i32 to index
          %swap3A_467 = tpu.vector_load %arg6[%swap3A_464, %swap3A_465, %swap3A_466] {strides = array<i32>} : memref<2x8x1664xf32, #tpu.memory_space<vmem>>, vector<1x1x16xf32>,
          %swap3A_468 = vector.shape_cast %swap3A_467 : vector<1x1x16xf32> to vector<16xf32>
          %swap3A_469 = vector.shape_cast %mul3A_461 : vector<16xf32> to vector<1x1x16xf32>
          tpu.vector_store %arg6[%swap3A_464, %swap3A_465, %swap3A_466], %swap3A_469 {strides = array<i32>} : memref<2x8x1664xf32, #tpu.memory_space<vmem>>, vector<1x1x16xf32>,
          %get3A_470 = arith.constant 1 : i32
          %get3A_471 = arith.constant 4 : i32
          %get3A_472 = arith.index_cast %get3A_470 : i32 to index
          %get3A_473 = arith.index_cast %get3A_471 : i32 to index
          %get3A_474 = arith.index_cast %mul3A_403 : i32 to index
          %get3A_475 = tpu.vector_load %arg5[%get3A_472, %get3A_473, %get3A_474] {strides = array<i32>} : memref<2x8x1664xf32, #tpu.memory_space<vmem>>, vector<1x1x16xf32>,
          %get3A_476 = vector.shape_cast %get3A_475 : vector<1x1x16xf32> to vector<16xf32>
          %mul3A_477 = arith.mulf %get3A_476, %get3A_406 : vector<16xf32>
          %swap3A_478 = arith.constant 1 : i32
          %swap3A_479 = arith.constant 4 : i32
          %swap3A_480 = arith.index_cast %swap3A_478 : i32 to index
          %swap3A_481 = arith.index_cast %swap3A_479 : i32 to index
          %swap3A_482 = arith.index_cast %mul3A_403 : i32 to index
          %swap3A_483 = tpu.vector_load %arg6[%swap3A_480, %swap3A_481, %swap3A_482] {strides = array<i32>} : memref<2x8x1664xf32, #tpu.memory_space<vmem>>, vector<1x1x16xf32>,
          %swap3A_484 = vector.shape_cast %swap3A_483 : vector<1x1x16xf32> to vector<16xf32>
          %swap3A_485 = vector.shape_cast %mul3A_477 : vector<16xf32> to vector<1x1x16xf32>
          tpu.vector_store %arg6[%swap3A_480, %swap3A_481, %swap3A_482], %swap3A_485 {strides = array<i32>} : memref<2x8x1664xf32, #tpu.memory_space<vmem>>, vector<1x1x16xf32>,
          %get3A_486 = arith.constant 1 : i32
          %get3A_487 = arith.constant 5 : i32
          %get3A_488 = arith.index_cast %get3A_486 : i32 to index
          %get3A_489 = arith.index_cast %get3A_487 : i32 to index
          %get3A_490 = arith.index_cast %mul3A_403 : i32 to index
          %get3A_491 = tpu.vector_load %arg5[%get3A_488, %get3A_489, %get3A_490] {strides = array<i32>} : memref<2x8x1664xf32, #tpu.memory_space<vmem>>, vector<1x1x16xf32>,
          %get3A_492 = vector.shape_cast %get3A_491 : vector<1x1x16xf32> to vector<16xf32>
          %mul3A_493 = arith.mulf %get3A_492, %get3A_406 : vector<16xf32>
          %swap3A_494 = arith.constant 1 : i32
          %swap3A_495 = arith.constant 5 : i32
          %swap3A_496 = arith.index_cast %swap3A_494 : i32 to index
          %swap3A_497 = arith.index_cast %swap3A_495 : i32 to index
          %swap3A_498 = arith.index_cast %mul3A_403 : i32 to index
          %swap3A_499 = tpu.vector_load %arg6[%swap3A_496, %swap3A_497, %swap3A_498] {strides = array<i32>} : memref<2x8x1664xf32, #tpu.memory_space<vmem>>, vector<1x1x16xf32>,
          %swap3A_500 = vector.shape_cast %swap3A_499 : vector<1x1x16xf32> to vector<16xf32>
          %swap3A_501 = vector.shape_cast %mul3A_493 : vector<16xf32> to vector<1x1x16xf32>
          tpu.vector_store %arg6[%swap3A_496, %swap3A_497, %swap3A_498], %swap3A_501 {strides = array<i32>} : memref<2x8x1664xf32, #tpu.memory_space<vmem>>, vector<1x1x16xf32>,
          %get3A_502 = arith.constant 1 : i32
          %get3A_503 = arith.constant 6 : i32
          %get3A_504 = arith.index_cast %get3A_502 : i32 to index
          %get3A_505 = arith.index_cast %get3A_503 : i32 to index
          %get3A_506 = arith.index_cast %mul3A_403 : i32 to index
          %get3A_507 = tpu.vector_load %arg5[%get3A_504, %get3A_505, %get3A_506] {strides = array<i32>} : memref<2x8x1664xf32, #tpu.memory_space<vmem>>, vector<1x1x16xf32>,
          %get3A_508 = vector.shape_cast %get3A_507 : vector<1x1x16xf32> to vector<16xf32>
          %mul3A_509 = arith.mulf %get3A_508, %get3A_406 : vector<16xf32>
          %swap3A_510 = arith.constant 1 : i32
          %swap3A_511 = arith.constant 6 : i32
          %swap3A_512 = arith.index_cast %swap3A_510 : i32 to index
          %swap3A_513 = arith.index_cast %swap3A_511 : i32 to index
          %swap3A_514 = arith.index_cast %mul3A_403 : i32 to index
          %swap3A_515 = tpu.vector_load %arg6[%swap3A_512, %swap3A_513, %swap3A_514] {strides = array<i32>} : memref<2x8x1664xf32, #tpu.memory_space<vmem>>, vector<1x1x16xf32>,
          %swap3A_516 = vector.shape_cast %swap3A_515 : vector<1x1x16xf32> to vector<16xf32>
          %swap3A_517 = vector.shape_cast %mul3A_509 : vector<16xf32> to vector<1x1x16xf32>
          tpu.vector_store %arg6[%swap3A_512, %swap3A_513, %swap3A_514], %swap3A_517 {strides = array<i32>} : memref<2x8x1664xf32, #tpu.memory_space<vmem>>, vector<1x1x16xf32>,
          %get3A_518 = arith.constant 1 : i32
          %get3A_519 = arith.constant 7 : i32
          %get3A_520 = arith.index_cast %get3A_518 : i32 to index
          %get3A_521 = arith.index_cast %get3A_519 : i32 to index
          %get3A_522 = arith.index_cast %mul3A_403 : i32 to index
          %get3A_523 = tpu.vector_load %arg5[%get3A_520, %get3A_521, %get3A_522] {strides = array<i32>} : memref<2x8x1664xf32, #tpu.memory_space<vmem>>, vector<1x1x16xf32>,
          %get3A_524 = vector.shape_cast %get3A_523 : vector<1x1x16xf32> to vector<16xf32>
          %mul3A_525 = arith.mulf %get3A_524, %get3A_406 : vector<16xf32>
          %swap3A_526 = arith.constant 1 : i32
          %swap3A_527 = arith.constant 7 : i32
          %swap3A_528 = arith.index_cast %swap3A_526 : i32 to index
          %swap3A_529 = arith.index_cast %swap3A_527 : i32 to index
          %swap3A_530 = arith.index_cast %mul3A_403 : i32 to index
          %swap3A_531 = tpu.vector_load %arg6[%swap3A_528, %swap3A_529, %swap3A_530] {strides = array<i32>} : memref<2x8x1664xf32, #tpu.memory_space<vmem>>, vector<1x1x16xf32>,
          %swap3A_532 = vector.shape_cast %swap3A_531 : vector<1x1x16xf32> to vector<16xf32>
          %swap3A_533 = vector.shape_cast %mul3A_525 : vector<16xf32> to vector<1x1x16xf32>
          tpu.vector_store %arg6[%swap3A_528, %swap3A_529, %swap3A_530], %swap3A_533 {strides = array<i32>} : memref<2x8x1664xf32, #tpu.memory_space<vmem>>, vector<1x1x16xf32>,
        }
        %scan3A_366 = arith.constant 104 : i32
        %add3A_367 = arith.constant 2 : i32
        %add3A_368 = arith.addi %add3A_324, %add3A_367 : i32
        %mul3A_369 = arith.constant 8 : i32
        %mul3A_370 = arith.muli %add3A_368, %mul3A_369 : i32
        %multiple_of3A_371 = tpu.assume_multiple %mul3A_370, 8 : i32
        %dma_start3A_372 = arith.constant 1 : i32
        %dma_start3A_373 = arith.constant 0 : i32
        %dma_start3A_374 = arith.constant 0 : i32
        %dma_start3A_375 = tpu.memref_slice %arg5[%dma_start3A_372, %dma_start3A_373, %dma_start3A_374] : memref<2x8x1664xf32, #tpu.memory_space<vmem>> -> memref<1x8x1664xf32, #tpu.memory_space<vmem>>
        %dma_start3A_376 = tpu.memref_squeeze %dma_start3A_375 : memref<1x8x1664xf32, #tpu.memory_space<vmem>> -> memref<8x1664xf32, #tpu.memory_space<vmem>>
        %dma_start3A_377 = tpu.memref_slice %arg2[%multiple_of3A_371, %multiple_of3A] : memref<592x50000xf32, #tpu.memory_space<hbm>> -> memref<8x1664xf32, #tpu.memory_space<hbm>>
        %dma_start3A_378 = arith.constant 0 : i32
        %dma_start3A_379 = arith.constant 0 : i32
        %dma_start3A_380 = tpu.memref_slice %arg5[%dma_start3A_372, %dma_start3A_378, %dma_start3A_379] : memref<2x8x1664xf32, #tpu.memory_space<vmem>> -> memref<1x8x1664xf32, #tpu.memory_space<vmem>>
        %dma_start3A_381 = tpu.memref_squeeze %dma_start3A_380 : memref<1x8x1664xf32, #tpu.memory_space<vmem>> -> memref<8x1664xf32, #tpu.memory_space<vmem>>
        %dma_start3A_382 = tpu.memref_slice %arg2[%multiple_of3A_371, %multiple_of3A] : memref<592x50000xf32, #tpu.memory_space<hbm>> -> memref<8x1664xf32, #tpu.memory_space<hbm>>
        tpu.enqueue_dma source(%dma_start3A_382 : memref<8x1664xf32, #tpu.memory_space<hbm>>) target(%dma_start3A_381 : memref<8x1664xf32, #tpu.memory_space<vmem>>) target_semaphore(%arg11 : memref<!tpu.dma_semaphore, #tpu.memory_space<semaphore_mem>>)
        %mul3A_383 = arith.constant 8 : i32
        %mul3A_384 = arith.muli %add3A_324, %mul3A_383 : i32
        %multiple_of3A_385 = tpu.assume_multiple %mul3A_384, 8 : i32
        %dma_start3A_386 = arith.constant 1 : i32
        %dma_start3A_387 = arith.constant 0 : i32
        %dma_start3A_388 = arith.constant 0 : i32
        %dma_start3A_389 = tpu.memref_slice %arg6[%dma_start3A_386, %dma_start3A_387, %dma_start3A_388] : memref<2x8x1664xf32, #tpu.memory_space<vmem>> -> memref<1x8x1664xf32, #tpu.memory_space<vmem>>
        %dma_start3A_390 = tpu.memref_squeeze %dma_start3A_389 : memref<1x8x1664xf32, #tpu.memory_space<vmem>> -> memref<8x1664xf32, #tpu.memory_space<vmem>>
        %dma_start3A_391 = tpu.memref_slice %arg4[%multiple_of3A_385, %multiple_of3A] : memref<592x50000xf32, #tpu.memory_space<hbm>> -> memref<8x1664xf32, #tpu.memory_space<hbm>>
        %dma_start3A_392 = tpu.memref_slice %arg4[%multiple_of3A_385, %multiple_of3A] : memref<592x50000xf32, #tpu.memory_space<hbm>> -> memref<8x1664xf32, #tpu.memory_space<hbm>>
        %dma_start3A_393 = arith.constant 0 : i32
        %dma_start3A_394 = arith.constant 0 : i32
        %dma_start3A_395 = tpu.memref_slice %arg6[%dma_start3A_386, %dma_start3A_393, %dma_start3A_394] : memref<2x8x1664xf32, #tpu.memory_space<vmem>> -> memref<1x8x1664xf32, #tpu.memory_space<vmem>>
        %dma_start3A_396 = tpu.memref_squeeze %dma_start3A_395 : memref<1x8x1664xf32, #tpu.memory_space<vmem>> -> memref<8x1664xf32, #tpu.memory_space<vmem>>
        tpu.enqueue_dma source(%dma_start3A_396 : memref<8x1664xf32, #tpu.memory_space<vmem>>) target(%dma_start3A_392 : memref<8x1664xf32, #tpu.memory_space<hbm>>) target_semaphore(%arg13 : memref<!tpu.dma_semaphore, #tpu.memory_space<semaphore_mem>>)
      }
      %scan3A_125 = arith.constant 35 : i32
      %dma_wait3A_126 = arith.constant 0 : i32
      %dma_wait3A_127 = arith.constant 0 : i32
      %dma_wait3A_128 = arith.constant 0 : i32
      %dma_wait3A_129 = tpu.memref_slice %arg5[%dma_wait3A_126, %dma_wait3A_127, %dma_wait3A_128] : memref<2x8x1664xf32, #tpu.memory_space<vmem>> -> memref<1x8x1664xf32, #tpu.memory_space<vmem>>
      %dma_wait3A_130 = tpu.memref_squeeze %dma_wait3A_129 : memref<1x8x1664xf32, #tpu.memory_space<vmem>> -> memref<8x1664xf32, #tpu.memory_space<vmem>>
      %dma_wait3A_131 = arith.constant 0 : i32
      %dma_wait3A_132 = tpu.memref_slice %arg2[%dma_wait3A_131, %multiple_of3A] : memref<592x50000xf32, #tpu.memory_space<hbm>> -> memref<8x1664xf32, #tpu.memory_space<hbm>>
      %dma_wait3A_133 = arith.constant 0 : i32
      %dma_wait3A_134 = arith.constant 0 : i32
      %dma_wait3A_135 = tpu.memref_slice %arg5[%dma_wait3A_126, %dma_wait3A_133, %dma_wait3A_134] : memref<2x8x1664xf32, #tpu.memory_space<vmem>> -> memref<1x8x1664xf32, #tpu.memory_space<vmem>>
      %dma_wait3A_136 = tpu.memref_squeeze %dma_wait3A_135 : memref<1x8x1664xf32, #tpu.memory_space<vmem>> -> memref<8x1664xf32, #tpu.memory_space<vmem>>
      %dma_wait3A_137 = arith.constant 0 : i32
      %dma_wait3A_138 = tpu.memref_slice %arg2[%dma_wait3A_137, %multiple_of3A] : memref<592x50000xf32, #tpu.memory_space<hbm>> -> memref<8x1664xf32, #tpu.memory_space<hbm>>
      tpu.wait_dma2 semaphore(%arg10 : memref<!tpu.dma_semaphore, #tpu.memory_space<semaphore_mem>>) src(%dma_wait3A_138 : memref<8x1664xf32, #tpu.memory_space<hbm>>) dst(%dma_wait3A_136 : memref<8x1664xf32, #tpu.memory_space<vmem>>)
      %dma_wait3A_139 = arith.constant 0 : i32
      %dma_wait3A_140 = arith.constant 0 : i32
      %dma_wait3A_141 = arith.constant 0 : i32
      %dma_wait3A_142 = tpu.memref_slice %arg6[%dma_wait3A_139, %dma_wait3A_140, %dma_wait3A_141] : memref<2x8x1664xf32, #tpu.memory_space<vmem>> -> memref<1x8x1664xf32, #tpu.memory_space<vmem>>
      %dma_wait3A_143 = tpu.memref_squeeze %dma_wait3A_142 : memref<1x8x1664xf32, #tpu.memory_space<vmem>> -> memref<8x1664xf32, #tpu.memory_space<vmem>>
      %dma_wait3A_144 = arith.constant 0 : i32
      %dma_wait3A_145 = tpu.memref_slice %arg4[%dma_wait3A_144, %multiple_of3A] : memref<592x50000xf32, #tpu.memory_space<hbm>> -> memref<8x1664xf32, #tpu.memory_space<hbm>>
      %dma_wait3A_146 = arith.constant 0 : i32
      %dma_wait3A_147 = tpu.memref_slice %arg4[%dma_wait3A_146, %multiple_of3A] : memref<592x50000xf32, #tpu.memory_space<hbm>> -> memref<8x1664xf32, #tpu.memory_space<hbm>>
      %dma_wait3A_148 = arith.constant 0 : i32
      %dma_wait3A_149 = arith.constant 0 : i32
      %dma_wait3A_150 = tpu.memref_slice %arg6[%dma_wait3A_139, %dma_wait3A_148, %dma_wait3A_149] : memref<2x8x1664xf32, #tpu.memory_space<vmem>> -> memref<1x8x1664xf32, #tpu.memory_space<vmem>>
      %dma_wait3A_151 = tpu.memref_squeeze %dma_wait3A_150 : memref<1x8x1664xf32, #tpu.memory_space<vmem>> -> memref<8x1664xf32, #tpu.memory_space<vmem>>
      tpu.wait_dma2 semaphore(%arg12 : memref<!tpu.dma_semaphore, #tpu.memory_space<semaphore_mem>>) src(%dma_wait3A_151 : memref<8x1664xf32, #tpu.memory_space<vmem>>) dst(%dma_wait3A_147 : memref<8x1664xf32, #tpu.memory_space<hbm>>)
      %scan3A_152 = arith.constant 0 : i32
      %scan3A_153 = arith.constant 104 : i32
      %scan3A_154 = arith.addi %scan3A_152, %scan3A_153 : i32
      %scan3A_155 = arith.constant 1 : i32
      scf.for %scan3A_240 = %scan3A_152 to %scan3A_154 step %scan3A_155  : i32 {
        %mul3A_241 = arith.constant 1 : i32
        %mul3A_242 = arith.muli %scan3A_240, %mul3A_241 : i32
        %add3A_243 = arith.constant 0 : i32
        %add3A_244 = arith.addi %add3A_243, %mul3A_242 : i32
        %mul3A_245 = arith.constant 16 : i32
        %mul3A_246 = arith.muli %add3A_244, %mul3A_245 : i32
        %get3A = arith.constant 3 : i32
        %get3A_247 = arith.index_cast %get3A : i32 to index
        %get3A_248 = arith.index_cast %mul3A_246 : i32 to index
        %get3A_249 = tpu.vector_load %arg7[%get3A_247, %get3A_248] {strides = array<i32>} : memref<4x1664xf32, #tpu.memory_space<vmem>>, vector<1x16xf32>,
        %get3A_250 = vector.shape_cast %get3A_249 : vector<1x16xf32> to vector<16xf32>
        %get3A_251 = arith.constant 0 : i32
        %get3A_252 = arith.constant 0 : i32
        %get3A_253 = arith.index_cast %get3A_251 : i32 to index
        %get3A_254 = arith.index_cast %get3A_252 : i32 to index
        %get3A_255 = arith.index_cast %mul3A_246 : i32 to index
        %get3A_256 = tpu.vector_load %arg5[%get3A_253, %get3A_254, %get3A_255] {strides = array<i32>} : memref<2x8x1664xf32, #tpu.memory_space<vmem>>, vector<1x1x16xf32>,
        %get3A_257 = vector.shape_cast %get3A_256 : vector<1x1x16xf32> to vector<16xf32>
        %mul3A_258 = arith.mulf %get3A_257, %get3A_250 : vector<16xf32>
        %swap3A = arith.constant 0 : i32
        %swap3A_259 = arith.constant 0 : i32
        %swap3A_260 = arith.index_cast %swap3A : i32 to index
        %swap3A_261 = arith.index_cast %swap3A_259 : i32 to index
        %swap3A_262 = arith.index_cast %mul3A_246 : i32 to index
        %swap3A_263 = tpu.vector_load %arg6[%swap3A_260, %swap3A_261, %swap3A_262] {strides = array<i32>} : memref<2x8x1664xf32, #tpu.memory_space<vmem>>, vector<1x1x16xf32>,
        %swap3A_264 = vector.shape_cast %swap3A_263 : vector<1x1x16xf32> to vector<16xf32>
        %swap3A_265 = vector.shape_cast %mul3A_258 : vector<16xf32> to vector<1x1x16xf32>
        tpu.vector_store %arg6[%swap3A_260, %swap3A_261, %swap3A_262], %swap3A_265 {strides = array<i32>} : memref<2x8x1664xf32, #tpu.memory_space<vmem>>, vector<1x1x16xf32>,
        %get3A_266 = arith.constant 0 : i32
        %get3A_267 = arith.constant 1 : i32
        %get3A_268 = arith.index_cast %get3A_266 : i32 to index
        %get3A_269 = arith.index_cast %get3A_267 : i32 to index
        %get3A_270 = arith.index_cast %mul3A_246 : i32 to index
        %get3A_271 = tpu.vector_load %arg5[%get3A_268, %get3A_269, %get3A_270] {strides = array<i32>} : memref<2x8x1664xf32, #tpu.memory_space<vmem>>, vector<1x1x16xf32>,
        %get3A_272 = vector.shape_cast %get3A_271 : vector<1x1x16xf32> to vector<16xf32>
        %mul3A_273 = arith.mulf %get3A_272, %get3A_250 : vector<16xf32>
        %swap3A_274 = arith.constant 0 : i32
        %swap3A_275 = arith.constant 1 : i32
        %swap3A_276 = arith.index_cast %swap3A_274 : i32 to index
        %swap3A_277 = arith.index_cast %swap3A_275 : i32 to index
        %swap3A_278 = arith.index_cast %mul3A_246 : i32 to index
        %swap3A_279 = tpu.vector_load %arg6[%swap3A_276, %swap3A_277, %swap3A_278] {strides = array<i32>} : memref<2x8x1664xf32, #tpu.memory_space<vmem>>, vector<1x1x16xf32>,
        %swap3A_280 = vector.shape_cast %swap3A_279 : vector<1x1x16xf32> to vector<16xf32>
        %swap3A_281 = vector.shape_cast %mul3A_273 : vector<16xf32> to vector<1x1x16xf32>
        tpu.vector_store %arg6[%swap3A_276, %swap3A_277, %swap3A_278], %swap3A_281 {strides = array<i32>} : memref<2x8x1664xf32, #tpu.memory_space<vmem>>, vector<1x1x16xf32>,
        %get3A_282 = arith.constant 0 : i32
        %get3A_283 = arith.constant 2 : i32
        %get3A_284 = arith.index_cast %get3A_282 : i32 to index
        %get3A_285 = arith.index_cast %get3A_283 : i32 to index
        %get3A_286 = arith.index_cast %mul3A_246 : i32 to index
        %get3A_287 = tpu.vector_load %arg5[%get3A_284, %get3A_285, %get3A_286] {strides = array<i32>} : memref<2x8x1664xf32, #tpu.memory_space<vmem>>, vector<1x1x16xf32>,
        %get3A_288 = vector.shape_cast %get3A_287 : vector<1x1x16xf32> to vector<16xf32>
        %mul3A_289 = arith.mulf %get3A_288, %get3A_250 : vector<16xf32>
        %swap3A_290 = arith.constant 0 : i32
        %swap3A_291 = arith.constant 2 : i32
        %swap3A_292 = arith.index_cast %swap3A_290 : i32 to index
        %swap3A_293 = arith.index_cast %swap3A_291 : i32 to index
        %swap3A_294 = arith.index_cast %mul3A_246 : i32 to index
        %swap3A_295 = tpu.vector_load %arg6[%swap3A_292, %swap3A_293, %swap3A_294] {strides = array<i32>} : memref<2x8x1664xf32, #tpu.memory_space<vmem>>, vector<1x1x16xf32>,
        %swap3A_296 = vector.shape_cast %swap3A_295 : vector<1x1x16xf32> to vector<16xf32>
        %swap3A_297 = vector.shape_cast %mul3A_289 : vector<16xf32> to vector<1x1x16xf32>
        tpu.vector_store %arg6[%swap3A_292, %swap3A_293, %swap3A_294], %swap3A_297 {strides = array<i32>} : memref<2x8x1664xf32, #tpu.memory_space<vmem>>, vector<1x1x16xf32>,
        %get3A_298 = arith.constant 0 : i32
        %get3A_299 = arith.constant 3 : i32
        %get3A_300 = arith.index_cast %get3A_298 : i32 to index
        %get3A_301 = arith.index_cast %get3A_299 : i32 to index
        %get3A_302 = arith.index_cast %mul3A_246 : i32 to index
        %get3A_303 = tpu.vector_load %arg5[%get3A_300, %get3A_301, %get3A_302] {strides = array<i32>} : memref<2x8x1664xf32, #tpu.memory_space<vmem>>, vector<1x1x16xf32>,
        %get3A_304 = vector.shape_cast %get3A_303 : vector<1x1x16xf32> to vector<16xf32>
        %mul3A_305 = arith.mulf %get3A_304, %get3A_250 : vector<16xf32>
        %swap3A_306 = arith.constant 0 : i32
        %swap3A_307 = arith.constant 3 : i32
        %swap3A_308 = arith.index_cast %swap3A_306 : i32 to index
        %swap3A_309 = arith.index_cast %swap3A_307 : i32 to index
        %swap3A_310 = arith.index_cast %mul3A_246 : i32 to index
        %swap3A_311 = tpu.vector_load %arg6[%swap3A_308, %swap3A_309, %swap3A_310] {strides = array<i32>} : memref<2x8x1664xf32, #tpu.memory_space<vmem>>, vector<1x1x16xf32>,
        %swap3A_312 = vector.shape_cast %swap3A_311 : vector<1x1x16xf32> to vector<16xf32>
        %swap3A_313 = vector.shape_cast %mul3A_305 : vector<16xf32> to vector<1x1x16xf32>
        tpu.vector_store %arg6[%swap3A_308, %swap3A_309, %swap3A_310], %swap3A_313 {strides = array<i32>} : memref<2x8x1664xf32, #tpu.memory_space<vmem>>, vector<1x1x16xf32>,
        %get3A_314 = arith.constant 0 : i32
        %get3A_315 = arith.constant 4 : i32
        %get3A_316 = arith.index_cast %get3A_314 : i32 to index
        %get3A_317 = arith.index_cast %get3A_315 : i32 to index
        %get3A_318 = arith.index_cast %mul3A_246 : i32 to index
        %get3A_319 = tpu.vector_load %arg5[%get3A_316, %get3A_317, %get3A_318] {strides = array<i32>} : memref<2x8x1664xf32, #tpu.memory_space<vmem>>, vector<1x1x16xf32>,
        %get3A_320 = vector.shape_cast %get3A_319 : vector<1x1x16xf32> to vector<16xf32>
        %mul3A_321 = arith.mulf %get3A_320, %get3A_250 : vector<16xf32>
        %swap3A_322 = arith.constant 0 : i32
        %swap3A_323 = arith.constant 4 : i32
        %swap3A_324 = arith.index_cast %swap3A_322 : i32 to index
        %swap3A_325 = arith.index_cast %swap3A_323 : i32 to index
        %swap3A_326 = arith.index_cast %mul3A_246 : i32 to index
        %swap3A_327 = tpu.vector_load %arg6[%swap3A_324, %swap3A_325, %swap3A_326] {strides = array<i32>} : memref<2x8x1664xf32, #tpu.memory_space<vmem>>, vector<1x1x16xf32>,
        %swap3A_328 = vector.shape_cast %swap3A_327 : vector<1x1x16xf32> to vector<16xf32>
        %swap3A_329 = vector.shape_cast %mul3A_321 : vector<16xf32> to vector<1x1x16xf32>
        tpu.vector_store %arg6[%swap3A_324, %swap3A_325, %swap3A_326], %swap3A_329 {strides = array<i32>} : memref<2x8x1664xf32, #tpu.memory_space<vmem>>, vector<1x1x16xf32>,
        %get3A_330 = arith.constant 0 : i32
        %get3A_331 = arith.constant 5 : i32
        %get3A_332 = arith.index_cast %get3A_330 : i32 to index
        %get3A_333 = arith.index_cast %get3A_331 : i32 to index
        %get3A_334 = arith.index_cast %mul3A_246 : i32 to index
        %get3A_335 = tpu.vector_load %arg5[%get3A_332, %get3A_333, %get3A_334] {strides = array<i32>} : memref<2x8x1664xf32, #tpu.memory_space<vmem>>, vector<1x1x16xf32>,
        %get3A_336 = vector.shape_cast %get3A_335 : vector<1x1x16xf32> to vector<16xf32>
        %mul3A_337 = arith.mulf %get3A_336, %get3A_250 : vector<16xf32>
        %swap3A_338 = arith.constant 0 : i32
        %swap3A_339 = arith.constant 5 : i32
        %swap3A_340 = arith.index_cast %swap3A_338 : i32 to index
        %swap3A_341 = arith.index_cast %swap3A_339 : i32 to index
        %swap3A_342 = arith.index_cast %mul3A_246 : i32 to index
        %swap3A_343 = tpu.vector_load %arg6[%swap3A_340, %swap3A_341, %swap3A_342] {strides = array<i32>} : memref<2x8x1664xf32, #tpu.memory_space<vmem>>, vector<1x1x16xf32>,
        %swap3A_344 = vector.shape_cast %swap3A_343 : vector<1x1x16xf32> to vector<16xf32>
        %swap3A_345 = vector.shape_cast %mul3A_337 : vector<16xf32> to vector<1x1x16xf32>
        tpu.vector_store %arg6[%swap3A_340, %swap3A_341, %swap3A_342], %swap3A_345 {strides = array<i32>} : memref<2x8x1664xf32, #tpu.memory_space<vmem>>, vector<1x1x16xf32>,
        %get3A_346 = arith.constant 0 : i32
        %get3A_347 = arith.constant 6 : i32
        %get3A_348 = arith.index_cast %get3A_346 : i32 to index
        %get3A_349 = arith.index_cast %get3A_347 : i32 to index
        %get3A_350 = arith.index_cast %mul3A_246 : i32 to index
        %get3A_351 = tpu.vector_load %arg5[%get3A_348, %get3A_349, %get3A_350] {strides = array<i32>} : memref<2x8x1664xf32, #tpu.memory_space<vmem>>, vector<1x1x16xf32>,
        %get3A_352 = vector.shape_cast %get3A_351 : vector<1x1x16xf32> to vector<16xf32>
        %mul3A_353 = arith.mulf %get3A_352, %get3A_250 : vector<16xf32>
        %swap3A_354 = arith.constant 0 : i32
        %swap3A_355 = arith.constant 6 : i32
        %swap3A_356 = arith.index_cast %swap3A_354 : i32 to index
        %swap3A_357 = arith.index_cast %swap3A_355 : i32 to index
        %swap3A_358 = arith.index_cast %mul3A_246 : i32 to index
        %swap3A_359 = tpu.vector_load %arg6[%swap3A_356, %swap3A_357, %swap3A_358] {strides = array<i32>} : memref<2x8x1664xf32, #tpu.memory_space<vmem>>, vector<1x1x16xf32>,
        %swap3A_360 = vector.shape_cast %swap3A_359 : vector<1x1x16xf32> to vector<16xf32>
        %swap3A_361 = vector.shape_cast %mul3A_353 : vector<16xf32> to vector<1x1x16xf32>
        tpu.vector_store %arg6[%swap3A_356, %swap3A_357, %swap3A_358], %swap3A_361 {strides = array<i32>} : memref<2x8x1664xf32, #tpu.memory_space<vmem>>, vector<1x1x16xf32>,
        %get3A_362 = arith.constant 0 : i32
        %get3A_363 = arith.constant 7 : i32
        %get3A_364 = arith.index_cast %get3A_362 : i32 to index
        %get3A_365 = arith.index_cast %get3A_363 : i32 to index
        %get3A_366 = arith.index_cast %mul3A_246 : i32 to index
        %get3A_367 = tpu.vector_load %arg5[%get3A_364, %get3A_365, %get3A_366] {strides = array<i32>} : memref<2x8x1664xf32, #tpu.memory_space<vmem>>, vector<1x1x16xf32>,
        %get3A_368 = vector.shape_cast %get3A_367 : vector<1x1x16xf32> to vector<16xf32>
        %mul3A_369 = arith.mulf %get3A_368, %get3A_250 : vector<16xf32>
        %swap3A_370 = arith.constant 0 : i32
        %swap3A_371 = arith.constant 7 : i32
        %swap3A_372 = arith.index_cast %swap3A_370 : i32 to index
        %swap3A_373 = arith.index_cast %swap3A_371 : i32 to index
        %swap3A_374 = arith.index_cast %mul3A_246 : i32 to index
        %swap3A_375 = tpu.vector_load %arg6[%swap3A_372, %swap3A_373, %swap3A_374] {strides = array<i32>} : memref<2x8x1664xf32, #tpu.memory_space<vmem>>, vector<1x1x16xf32>,
        %swap3A_376 = vector.shape_cast %swap3A_375 : vector<1x1x16xf32> to vector<16xf32>
        %swap3A_377 = vector.shape_cast %mul3A_369 : vector<16xf32> to vector<1x1x16xf32>
        tpu.vector_store %arg6[%swap3A_372, %swap3A_373, %swap3A_374], %swap3A_377 {strides = array<i32>} : memref<2x8x1664xf32, #tpu.memory_space<vmem>>, vector<1x1x16xf32>,
      }
      %scan3A_156 = arith.constant 104 : i32
      %multiple_of3A_157 = arith.constant 576 : i32
      %multiple_of3A_158 = tpu.assume_multiple %multiple_of3A_157, 8 : i32
      %dma_start3A_159 = arith.constant 0 : i32
      %dma_start3A_160 = arith.constant 0 : i32
      %dma_start3A_161 = arith.constant 0 : i32
      %dma_start3A_162 = tpu.memref_slice %arg6[%dma_start3A_159, %dma_start3A_160, %dma_start3A_161] : memref<2x8x1664xf32, #tpu.memory_space<vmem>> -> memref<1x8x1664xf32, #tpu.memory_space<vmem>>
      %dma_start3A_163 = tpu.memref_squeeze %dma_start3A_162 : memref<1x8x1664xf32, #tpu.memory_space<vmem>> -> memref<8x1664xf32, #tpu.memory_space<vmem>>
      %dma_start3A_164 = tpu.memref_slice %arg4[%multiple_of3A_158, %multiple_of3A] : memref<592x50000xf32, #tpu.memory_space<hbm>> -> memref<8x1664xf32, #tpu.memory_space<hbm>>
      %dma_start3A_165 = tpu.memref_slice %arg4[%multiple_of3A_158, %multiple_of3A] : memref<592x50000xf32, #tpu.memory_space<hbm>> -> memref<8x1664xf32, #tpu.memory_space<hbm>>
      %dma_start3A_166 = arith.constant 0 : i32
      %dma_start3A_167 = arith.constant 0 : i32
      %dma_start3A_168 = tpu.memref_slice %arg6[%dma_start3A_159, %dma_start3A_166, %dma_start3A_167] : memref<2x8x1664xf32, #tpu.memory_space<vmem>> -> memref<1x8x1664xf32, #tpu.memory_space<vmem>>
      %dma_start3A_169 = tpu.memref_squeeze %dma_start3A_168 : memref<1x8x1664xf32, #tpu.memory_space<vmem>> -> memref<8x1664xf32, #tpu.memory_space<vmem>>
      tpu.enqueue_dma source(%dma_start3A_169 : memref<8x1664xf32, #tpu.memory_space<vmem>>) target(%dma_start3A_165 : memref<8x1664xf32, #tpu.memory_space<hbm>>) target_semaphore(%arg12 : memref<!tpu.dma_semaphore, #tpu.memory_space<semaphore_mem>>)
      %dma_wait3A_170 = arith.constant 1 : i32
      %dma_wait3A_171 = arith.constant 0 : i32
      %dma_wait3A_172 = arith.constant 0 : i32
      %dma_wait3A_173 = tpu.memref_slice %arg5[%dma_wait3A_170, %dma_wait3A_171, %dma_wait3A_172] : memref<2x8x1664xf32, #tpu.memory_space<vmem>> -> memref<1x8x1664xf32, #tpu.memory_space<vmem>>
      %dma_wait3A_174 = tpu.memref_squeeze %dma_wait3A_173 : memref<1x8x1664xf32, #tpu.memory_space<vmem>> -> memref<8x1664xf32, #tpu.memory_space<vmem>>
      %dma_wait3A_175 = arith.constant 0 : i32
      %dma_wait3A_176 = tpu.memref_slice %arg2[%dma_wait3A_175, %multiple_of3A] : memref<592x50000xf32, #tpu.memory_space<hbm>> -> memref<8x1664xf32, #tpu.memory_space<hbm>>
      %dma_wait3A_177 = arith.constant 0 : i32
      %dma_wait3A_178 = arith.constant 0 : i32
      %dma_wait3A_179 = tpu.memref_slice %arg5[%dma_wait3A_170, %dma_wait3A_177, %dma_wait3A_178] : memref<2x8x1664xf32, #tpu.memory_space<vmem>> -> memref<1x8x1664xf32, #tpu.memory_space<vmem>>
      %dma_wait3A_180 = tpu.memref_squeeze %dma_wait3A_179 : memref<1x8x1664xf32, #tpu.memory_space<vmem>> -> memref<8x1664xf32, #tpu.memory_space<vmem>>
      %dma_wait3A_181 = arith.constant 0 : i32
      %dma_wait3A_182 = tpu.memref_slice %arg2[%dma_wait3A_181, %multiple_of3A] : memref<592x50000xf32, #tpu.memory_space<hbm>> -> memref<8x1664xf32, #tpu.memory_space<hbm>>
      tpu.wait_dma2 semaphore(%arg11 : memref<!tpu.dma_semaphore, #tpu.memory_space<semaphore_mem>>) src(%dma_wait3A_182 : memref<8x1664xf32, #tpu.memory_space<hbm>>) dst(%dma_wait3A_180 : memref<8x1664xf32, #tpu.memory_space<vmem>>)
      %dma_wait3A_183 = arith.constant 1 : i32
      %dma_wait3A_184 = arith.constant 0 : i32
      %dma_wait3A_185 = arith.constant 0 : i32
      %dma_wait3A_186 = tpu.memref_slice %arg6[%dma_wait3A_183, %dma_wait3A_184, %dma_wait3A_185] : memref<2x8x1664xf32, #tpu.memory_space<vmem>> -> memref<1x8x1664xf32, #tpu.memory_space<vmem>>
      %dma_wait3A_187 = tpu.memref_squeeze %dma_wait3A_186 : memref<1x8x1664xf32, #tpu.memory_space<vmem>> -> memref<8x1664xf32, #tpu.memory_space<vmem>>
      %dma_wait3A_188 = arith.constant 0 : i32
      %dma_wait3A_189 = tpu.memref_slice %arg4[%dma_wait3A_188, %multiple_of3A] : memref<592x50000xf32, #tpu.memory_space<hbm>> -> memref<8x1664xf32, #tpu.memory_space<hbm>>
      %dma_wait3A_190 = arith.constant 0 : i32
      %dma_wait3A_191 = tpu.memref_slice %arg4[%dma_wait3A_190, %multiple_of3A] : memref<592x50000xf32, #tpu.memory_space<hbm>> -> memref<8x1664xf32, #tpu.memory_space<hbm>>
      %dma_wait3A_192 = arith.constant 0 : i32
      %dma_wait3A_193 = arith.constant 0 : i32
      %dma_wait3A_194 = tpu.memref_slice %arg6[%dma_wait3A_183, %dma_wait3A_192, %dma_wait3A_193] : memref<2x8x1664xf32, #tpu.memory_space<vmem>> -> memref<1x8x1664xf32, #tpu.memory_space<vmem>>
      %dma_wait3A_195 = tpu.memref_squeeze %dma_wait3A_194 : memref<1x8x1664xf32, #tpu.memory_space<vmem>> -> memref<8x1664xf32, #tpu.memory_space<vmem>>
      tpu.wait_dma2 semaphore(%arg13 : memref<!tpu.dma_semaphore, #tpu.memory_space<semaphore_mem>>) src(%dma_wait3A_195 : memref<8x1664xf32, #tpu.memory_space<vmem>>) dst(%dma_wait3A_191 : memref<8x1664xf32, #tpu.memory_space<hbm>>)
      %scan3A_196 = arith.constant 0 : i32
      %scan3A_197 = arith.constant 104 : i32
      %scan3A_198 = arith.addi %scan3A_196, %scan3A_197 : i32
      %scan3A_199 = arith.constant 1 : i32
      scf.for %scan3A_240 = %scan3A_196 to %scan3A_198 step %scan3A_199  : i32 {
        %mul3A_241 = arith.constant 1 : i32
        %mul3A_242 = arith.muli %scan3A_240, %mul3A_241 : i32
        %add3A_243 = arith.constant 0 : i32
        %add3A_244 = arith.addi %add3A_243, %mul3A_242 : i32
        %mul3A_245 = arith.constant 16 : i32
        %mul3A_246 = arith.muli %add3A_244, %mul3A_245 : i32
        %get3A = arith.constant 3 : i32
        %get3A_247 = arith.index_cast %get3A : i32 to index
        %get3A_248 = arith.index_cast %mul3A_246 : i32 to index
        %get3A_249 = tpu.vector_load %arg7[%get3A_247, %get3A_248] {strides = array<i32>} : memref<4x1664xf32, #tpu.memory_space<vmem>>, vector<1x16xf32>,
        %get3A_250 = vector.shape_cast %get3A_249 : vector<1x16xf32> to vector<16xf32>
        %get3A_251 = arith.constant 1 : i32
        %get3A_252 = arith.constant 0 : i32
        %get3A_253 = arith.index_cast %get3A_251 : i32 to index
        %get3A_254 = arith.index_cast %get3A_252 : i32 to index
        %get3A_255 = arith.index_cast %mul3A_246 : i32 to index
        %get3A_256 = tpu.vector_load %arg5[%get3A_253, %get3A_254, %get3A_255] {strides = array<i32>} : memref<2x8x1664xf32, #tpu.memory_space<vmem>>, vector<1x1x16xf32>,
        %get3A_257 = vector.shape_cast %get3A_256 : vector<1x1x16xf32> to vector<16xf32>
        %mul3A_258 = arith.mulf %get3A_257, %get3A_250 : vector<16xf32>
        %swap3A = arith.constant 1 : i32
        %swap3A_259 = arith.constant 0 : i32
        %swap3A_260 = arith.index_cast %swap3A : i32 to index
        %swap3A_261 = arith.index_cast %swap3A_259 : i32 to index
        %swap3A_262 = arith.index_cast %mul3A_246 : i32 to index
        %swap3A_263 = tpu.vector_load %arg6[%swap3A_260, %swap3A_261, %swap3A_262] {strides = array<i32>} : memref<2x8x1664xf32, #tpu.memory_space<vmem>>, vector<1x1x16xf32>,
        %swap3A_264 = vector.shape_cast %swap3A_263 : vector<1x1x16xf32> to vector<16xf32>
        %swap3A_265 = vector.shape_cast %mul3A_258 : vector<16xf32> to vector<1x1x16xf32>
        tpu.vector_store %arg6[%swap3A_260, %swap3A_261, %swap3A_262], %swap3A_265 {strides = array<i32>} : memref<2x8x1664xf32, #tpu.memory_space<vmem>>, vector<1x1x16xf32>,
        %get3A_266 = arith.constant 1 : i32
        %get3A_267 = arith.constant 1 : i32
        %get3A_268 = arith.index_cast %get3A_266 : i32 to index
        %get3A_269 = arith.index_cast %get3A_267 : i32 to index
        %get3A_270 = arith.index_cast %mul3A_246 : i32 to index
        %get3A_271 = tpu.vector_load %arg5[%get3A_268, %get3A_269, %get3A_270] {strides = array<i32>} : memref<2x8x1664xf32, #tpu.memory_space<vmem>>, vector<1x1x16xf32>,
        %get3A_272 = vector.shape_cast %get3A_271 : vector<1x1x16xf32> to vector<16xf32>
        %mul3A_273 = arith.mulf %get3A_272, %get3A_250 : vector<16xf32>
        %swap3A_274 = arith.constant 1 : i32
        %swap3A_275 = arith.constant 1 : i32
        %swap3A_276 = arith.index_cast %swap3A_274 : i32 to index
        %swap3A_277 = arith.index_cast %swap3A_275 : i32 to index
        %swap3A_278 = arith.index_cast %mul3A_246 : i32 to index
        %swap3A_279 = tpu.vector_load %arg6[%swap3A_276, %swap3A_277, %swap3A_278] {strides = array<i32>} : memref<2x8x1664xf32, #tpu.memory_space<vmem>>, vector<1x1x16xf32>,
        %swap3A_280 = vector.shape_cast %swap3A_279 : vector<1x1x16xf32> to vector<16xf32>
        %swap3A_281 = vector.shape_cast %mul3A_273 : vector<16xf32> to vector<1x1x16xf32>
        tpu.vector_store %arg6[%swap3A_276, %swap3A_277, %swap3A_278], %swap3A_281 {strides = array<i32>} : memref<2x8x1664xf32, #tpu.memory_space<vmem>>, vector<1x1x16xf32>,
        %get3A_282 = arith.constant 1 : i32
        %get3A_283 = arith.constant 2 : i32
        %get3A_284 = arith.index_cast %get3A_282 : i32 to index
        %get3A_285 = arith.index_cast %get3A_283 : i32 to index
        %get3A_286 = arith.index_cast %mul3A_246 : i32 to index
        %get3A_287 = tpu.vector_load %arg5[%get3A_284, %get3A_285, %get3A_286] {strides = array<i32>} : memref<2x8x1664xf32, #tpu.memory_space<vmem>>, vector<1x1x16xf32>,
        %get3A_288 = vector.shape_cast %get3A_287 : vector<1x1x16xf32> to vector<16xf32>
        %mul3A_289 = arith.mulf %get3A_288, %get3A_250 : vector<16xf32>
        %swap3A_290 = arith.constant 1 : i32
        %swap3A_291 = arith.constant 2 : i32
        %swap3A_292 = arith.index_cast %swap3A_290 : i32 to index
        %swap3A_293 = arith.index_cast %swap3A_291 : i32 to index
        %swap3A_294 = arith.index_cast %mul3A_246 : i32 to index
        %swap3A_295 = tpu.vector_load %arg6[%swap3A_292, %swap3A_293, %swap3A_294] {strides = array<i32>} : memref<2x8x1664xf32, #tpu.memory_space<vmem>>, vector<1x1x16xf32>,
        %swap3A_296 = vector.shape_cast %swap3A_295 : vector<1x1x16xf32> to vector<16xf32>
        %swap3A_297 = vector.shape_cast %mul3A_289 : vector<16xf32> to vector<1x1x16xf32>
        tpu.vector_store %arg6[%swap3A_292, %swap3A_293, %swap3A_294], %swap3A_297 {strides = array<i32>} : memref<2x8x1664xf32, #tpu.memory_space<vmem>>, vector<1x1x16xf32>,
        %get3A_298 = arith.constant 1 : i32
        %get3A_299 = arith.constant 3 : i32
        %get3A_300 = arith.index_cast %get3A_298 : i32 to index
        %get3A_301 = arith.index_cast %get3A_299 : i32 to index
        %get3A_302 = arith.index_cast %mul3A_246 : i32 to index
        %get3A_303 = tpu.vector_load %arg5[%get3A_300, %get3A_301, %get3A_302] {strides = array<i32>} : memref<2x8x1664xf32, #tpu.memory_space<vmem>>, vector<1x1x16xf32>,
        %get3A_304 = vector.shape_cast %get3A_303 : vector<1x1x16xf32> to vector<16xf32>
        %mul3A_305 = arith.mulf %get3A_304, %get3A_250 : vector<16xf32>
        %swap3A_306 = arith.constant 1 : i32
        %swap3A_307 = arith.constant 3 : i32
        %swap3A_308 = arith.index_cast %swap3A_306 : i32 to index
        %swap3A_309 = arith.index_cast %swap3A_307 : i32 to index
        %swap3A_310 = arith.index_cast %mul3A_246 : i32 to index
        %swap3A_311 = tpu.vector_load %arg6[%swap3A_308, %swap3A_309, %swap3A_310] {strides = array<i32>} : memref<2x8x1664xf32, #tpu.memory_space<vmem>>, vector<1x1x16xf32>,
        %swap3A_312 = vector.shape_cast %swap3A_311 : vector<1x1x16xf32> to vector<16xf32>
        %swap3A_313 = vector.shape_cast %mul3A_305 : vector<16xf32> to vector<1x1x16xf32>
        tpu.vector_store %arg6[%swap3A_308, %swap3A_309, %swap3A_310], %swap3A_313 {strides = array<i32>} : memref<2x8x1664xf32, #tpu.memory_space<vmem>>, vector<1x1x16xf32>,
        %get3A_314 = arith.constant 1 : i32
        %get3A_315 = arith.constant 4 : i32
        %get3A_316 = arith.index_cast %get3A_314 : i32 to index
        %get3A_317 = arith.index_cast %get3A_315 : i32 to index
        %get3A_318 = arith.index_cast %mul3A_246 : i32 to index
        %get3A_319 = tpu.vector_load %arg5[%get3A_316, %get3A_317, %get3A_318] {strides = array<i32>} : memref<2x8x1664xf32, #tpu.memory_space<vmem>>, vector<1x1x16xf32>,
        %get3A_320 = vector.shape_cast %get3A_319 : vector<1x1x16xf32> to vector<16xf32>
        %mul3A_321 = arith.mulf %get3A_320, %get3A_250 : vector<16xf32>
        %swap3A_322 = arith.constant 1 : i32
        %swap3A_323 = arith.constant 4 : i32
        %swap3A_324 = arith.index_cast %swap3A_322 : i32 to index
        %swap3A_325 = arith.index_cast %swap3A_323 : i32 to index
        %swap3A_326 = arith.index_cast %mul3A_246 : i32 to index
        %swap3A_327 = tpu.vector_load %arg6[%swap3A_324, %swap3A_325, %swap3A_326] {strides = array<i32>} : memref<2x8x1664xf32, #tpu.memory_space<vmem>>, vector<1x1x16xf32>,
        %swap3A_328 = vector.shape_cast %swap3A_327 : vector<1x1x16xf32> to vector<16xf32>
        %swap3A_329 = vector.shape_cast %mul3A_321 : vector<16xf32> to vector<1x1x16xf32>
        tpu.vector_store %arg6[%swap3A_324, %swap3A_325, %swap3A_326], %swap3A_329 {strides = array<i32>} : memref<2x8x1664xf32, #tpu.memory_space<vmem>>, vector<1x1x16xf32>,
        %get3A_330 = arith.constant 1 : i32
        %get3A_331 = arith.constant 5 : i32
        %get3A_332 = arith.index_cast %get3A_330 : i32 to index
        %get3A_333 = arith.index_cast %get3A_331 : i32 to index
        %get3A_334 = arith.index_cast %mul3A_246 : i32 to index
        %get3A_335 = tpu.vector_load %arg5[%get3A_332, %get3A_333, %get3A_334] {strides = array<i32>} : memref<2x8x1664xf32, #tpu.memory_space<vmem>>, vector<1x1x16xf32>,
        %get3A_336 = vector.shape_cast %get3A_335 : vector<1x1x16xf32> to vector<16xf32>
        %mul3A_337 = arith.mulf %get3A_336, %get3A_250 : vector<16xf32>
        %swap3A_338 = arith.constant 1 : i32
        %swap3A_339 = arith.constant 5 : i32
        %swap3A_340 = arith.index_cast %swap3A_338 : i32 to index
        %swap3A_341 = arith.index_cast %swap3A_339 : i32 to index
        %swap3A_342 = arith.index_cast %mul3A_246 : i32 to index
        %swap3A_343 = tpu.vector_load %arg6[%swap3A_340, %swap3A_341, %swap3A_342] {strides = array<i32>} : memref<2x8x1664xf32, #tpu.memory_space<vmem>>, vector<1x1x16xf32>,
        %swap3A_344 = vector.shape_cast %swap3A_343 : vector<1x1x16xf32> to vector<16xf32>
        %swap3A_345 = vector.shape_cast %mul3A_337 : vector<16xf32> to vector<1x1x16xf32>
        tpu.vector_store %arg6[%swap3A_340, %swap3A_341, %swap3A_342], %swap3A_345 {strides = array<i32>} : memref<2x8x1664xf32, #tpu.memory_space<vmem>>, vector<1x1x16xf32>,
        %get3A_346 = arith.constant 1 : i32
        %get3A_347 = arith.constant 6 : i32
        %get3A_348 = arith.index_cast %get3A_346 : i32 to index
        %get3A_349 = arith.index_cast %get3A_347 : i32 to index
        %get3A_350 = arith.index_cast %mul3A_246 : i32 to index
        %get3A_351 = tpu.vector_load %arg5[%get3A_348, %get3A_349, %get3A_350] {strides = array<i32>} : memref<2x8x1664xf32, #tpu.memory_space<vmem>>, vector<1x1x16xf32>,
        %get3A_352 = vector.shape_cast %get3A_351 : vector<1x1x16xf32> to vector<16xf32>
        %mul3A_353 = arith.mulf %get3A_352, %get3A_250 : vector<16xf32>
        %swap3A_354 = arith.constant 1 : i32
        %swap3A_355 = arith.constant 6 : i32
        %swap3A_356 = arith.index_cast %swap3A_354 : i32 to index
        %swap3A_357 = arith.index_cast %swap3A_355 : i32 to index
        %swap3A_358 = arith.index_cast %mul3A_246 : i32 to index
        %swap3A_359 = tpu.vector_load %arg6[%swap3A_356, %swap3A_357, %swap3A_358] {strides = array<i32>} : memref<2x8x1664xf32, #tpu.memory_space<vmem>>, vector<1x1x16xf32>,
        %swap3A_360 = vector.shape_cast %swap3A_359 : vector<1x1x16xf32> to vector<16xf32>
        %swap3A_361 = vector.shape_cast %mul3A_353 : vector<16xf32> to vector<1x1x16xf32>
        tpu.vector_store %arg6[%swap3A_356, %swap3A_357, %swap3A_358], %swap3A_361 {strides = array<i32>} : memref<2x8x1664xf32, #tpu.memory_space<vmem>>, vector<1x1x16xf32>,
        %get3A_362 = arith.constant 1 : i32
        %get3A_363 = arith.constant 7 : i32
        %get3A_364 = arith.index_cast %get3A_362 : i32 to index
        %get3A_365 = arith.index_cast %get3A_363 : i32 to index
        %get3A_366 = arith.index_cast %mul3A_246 : i32 to index
        %get3A_367 = tpu.vector_load %arg5[%get3A_364, %get3A_365, %get3A_366] {strides = array<i32>} : memref<2x8x1664xf32, #tpu.memory_space<vmem>>, vector<1x1x16xf32>,
        %get3A_368 = vector.shape_cast %get3A_367 : vector<1x1x16xf32> to vector<16xf32>
        %mul3A_369 = arith.mulf %get3A_368, %get3A_250 : vector<16xf32>
        %swap3A_370 = arith.constant 1 : i32
        %swap3A_371 = arith.constant 7 : i32
        %swap3A_372 = arith.index_cast %swap3A_370 : i32 to index
        %swap3A_373 = arith.index_cast %swap3A_371 : i32 to index
        %swap3A_374 = arith.index_cast %mul3A_246 : i32 to index
        %swap3A_375 = tpu.vector_load %arg6[%swap3A_372, %swap3A_373, %swap3A_374] {strides = array<i32>} : memref<2x8x1664xf32, #tpu.memory_space<vmem>>, vector<1x1x16xf32>,
        %swap3A_376 = vector.shape_cast %swap3A_375 : vector<1x1x16xf32> to vector<16xf32>
        %swap3A_377 = vector.shape_cast %mul3A_369 : vector<16xf32> to vector<1x1x16xf32>
        tpu.vector_store %arg6[%swap3A_372, %swap3A_373, %swap3A_374], %swap3A_377 {strides = array<i32>} : memref<2x8x1664xf32, #tpu.memory_space<vmem>>, vector<1x1x16xf32>,
      }
      %scan3A_200 = arith.constant 104 : i32
      %multiple_of3A_201 = arith.constant 584 : i32
      %multiple_of3A_202 = tpu.assume_multiple %multiple_of3A_201, 8 : i32
      %dma_start3A_203 = arith.constant 1 : i32
      %dma_start3A_204 = arith.constant 0 : i32
      %dma_start3A_205 = arith.constant 0 : i32
      %dma_start3A_206 = tpu.memref_slice %arg6[%dma_start3A_203, %dma_start3A_204, %dma_start3A_205] : memref<2x8x1664xf32, #tpu.memory_space<vmem>> -> memref<1x8x1664xf32, #tpu.memory_space<vmem>>
      %dma_start3A_207 = tpu.memref_squeeze %dma_start3A_206 : memref<1x8x1664xf32, #tpu.memory_space<vmem>> -> memref<8x1664xf32, #tpu.memory_space<vmem>>
      %dma_start3A_208 = tpu.memref_slice %arg4[%multiple_of3A_202, %multiple_of3A] : memref<592x50000xf32, #tpu.memory_space<hbm>> -> memref<8x1664xf32, #tpu.memory_space<hbm>>
      %dma_start3A_209 = tpu.memref_slice %arg4[%multiple_of3A_202, %multiple_of3A] : memref<592x50000xf32, #tpu.memory_space<hbm>> -> memref<8x1664xf32, #tpu.memory_space<hbm>>
      %dma_start3A_210 = arith.constant 0 : i32
      %dma_start3A_211 = arith.constant 0 : i32
      %dma_start3A_212 = tpu.memref_slice %arg6[%dma_start3A_203, %dma_start3A_210, %dma_start3A_211] : memref<2x8x1664xf32, #tpu.memory_space<vmem>> -> memref<1x8x1664xf32, #tpu.memory_space<vmem>>
      %dma_start3A_213 = tpu.memref_squeeze %dma_start3A_212 : memref<1x8x1664xf32, #tpu.memory_space<vmem>> -> memref<8x1664xf32, #tpu.memory_space<vmem>>
      tpu.enqueue_dma source(%dma_start3A_213 : memref<8x1664xf32, #tpu.memory_space<vmem>>) target(%dma_start3A_209 : memref<8x1664xf32, #tpu.memory_space<hbm>>) target_semaphore(%arg13 : memref<!tpu.dma_semaphore, #tpu.memory_space<semaphore_mem>>)
      %dma_wait3A_214 = arith.constant 0 : i32
      %dma_wait3A_215 = arith.constant 0 : i32
      %dma_wait3A_216 = arith.constant 0 : i32
      %dma_wait3A_217 = tpu.memref_slice %arg6[%dma_wait3A_214, %dma_wait3A_215, %dma_wait3A_216] : memref<2x8x1664xf32, #tpu.memory_space<vmem>> -> memref<1x8x1664xf32, #tpu.memory_space<vmem>>
      %dma_wait3A_218 = tpu.memref_squeeze %dma_wait3A_217 : memref<1x8x1664xf32, #tpu.memory_space<vmem>> -> memref<8x1664xf32, #tpu.memory_space<vmem>>
      %dma_wait3A_219 = arith.constant 0 : i32
      %dma_wait3A_220 = tpu.memref_slice %arg4[%dma_wait3A_219, %multiple_of3A] : memref<592x50000xf32, #tpu.memory_space<hbm>> -> memref<8x1664xf32, #tpu.memory_space<hbm>>
      %dma_wait3A_221 = arith.constant 0 : i32
      %dma_wait3A_222 = tpu.memref_slice %arg4[%dma_wait3A_221, %multiple_of3A] : memref<592x50000xf32, #tpu.memory_space<hbm>> -> memref<8x1664xf32, #tpu.memory_space<hbm>>
      %dma_wait3A_223 = arith.constant 0 : i32
      %dma_wait3A_224 = arith.constant 0 : i32
      %dma_wait3A_225 = tpu.memref_slice %arg6[%dma_wait3A_214, %dma_wait3A_223, %dma_wait3A_224] : memref<2x8x1664xf32, #tpu.memory_space<vmem>> -> memref<1x8x1664xf32, #tpu.memory_space<vmem>>
      %dma_wait3A_226 = tpu.memref_squeeze %dma_wait3A_225 : memref<1x8x1664xf32, #tpu.memory_space<vmem>> -> memref<8x1664xf32, #tpu.memory_space<vmem>>
      tpu.wait_dma2 semaphore(%arg12 : memref<!tpu.dma_semaphore, #tpu.memory_space<semaphore_mem>>) src(%dma_wait3A_226 : memref<8x1664xf32, #tpu.memory_space<vmem>>) dst(%dma_wait3A_222 : memref<8x1664xf32, #tpu.memory_space<hbm>>)
      %dma_wait3A_227 = arith.constant 1 : i32
      %dma_wait3A_228 = arith.constant 0 : i32
      %dma_wait3A_229 = arith.constant 0 : i32
      %dma_wait3A_230 = tpu.memref_slice %arg6[%dma_wait3A_227, %dma_wait3A_228, %dma_wait3A_229] : memref<2x8x1664xf32, #tpu.memory_space<vmem>> -> memref<1x8x1664xf32, #tpu.memory_space<vmem>>
      %dma_wait3A_231 = tpu.memref_squeeze %dma_wait3A_230 : memref<1x8x1664xf32, #tpu.memory_space<vmem>> -> memref<8x1664xf32, #tpu.memory_space<vmem>>
      %dma_wait3A_232 = arith.constant 0 : i32
      %dma_wait3A_233 = tpu.memref_slice %arg4[%dma_wait3A_232, %multiple_of3A] : memref<592x50000xf32, #tpu.memory_space<hbm>> -> memref<8x1664xf32, #tpu.memory_space<hbm>>
      %dma_wait3A_234 = arith.constant 0 : i32
      %dma_wait3A_235 = tpu.memref_slice %arg4[%dma_wait3A_234, %multiple_of3A] : memref<592x50000xf32, #tpu.memory_space<hbm>> -> memref<8x1664xf32, #tpu.memory_space<hbm>>
      %dma_wait3A_236 = arith.constant 0 : i32
      %dma_wait3A_237 = arith.constant 0 : i32
      %dma_wait3A_238 = tpu.memref_slice %arg6[%dma_wait3A_227, %dma_wait3A_236, %dma_wait3A_237] : memref<2x8x1664xf32, #tpu.memory_space<vmem>> -> memref<1x8x1664xf32, #tpu.memory_space<vmem>>
      %dma_wait3A_239 = tpu.memref_squeeze %dma_wait3A_238 : memref<1x8x1664xf32, #tpu.memory_space<vmem>> -> memref<8x1664xf32, #tpu.memory_space<vmem>>
      tpu.wait_dma2 semaphore(%arg13 : memref<!tpu.dma_semaphore, #tpu.memory_space<semaphore_mem>>) src(%dma_wait3A_239 : memref<8x1664xf32, #tpu.memory_space<vmem>>) dst(%dma_wait3A_235 : memref<8x1664xf32, #tpu.memory_space<hbm>>)
    } else {
    }
    %ge3A = arith.constant 30 : i32
    %ge3A_6 = arith.cmpi sge, %add3A, %ge3A : i32
    %convert_element_type3A_7 = arith.extui %ge3A_6 : i1 to i32
    %cond3A_8 = arith.constant 0 : i32
    %cond3A_9 = arith.cmpi ne, %convert_element_type3A_7, %cond3A_8 : i32
    scf.if %cond3A_9 {
      %sub3A = arith.constant 30 : i32
      %sub3A_10 = arith.subi %add3A, %sub3A : i32
      %mul3A_11 = arith.constant 296 : i32
      %mul3A_12 = arith.muli %sub3A_10, %mul3A_11 : i32
      %multiple_of3A_13 = tpu.assume_multiple %mul3A_12, 8 : i32
      "tpu.region"() ({
        %run_scoped3A = tpu.sem_alloc : memref<!tpu.dma_semaphore, #tpu.memory_space<semaphore_mem>>
        %dma_start3A = arith.constant 0 : i32
        %dma_start3A_39 = arith.constant 49920 : i32
        %dma_start3A_40 = tpu.memref_slice %arg3[%dma_start3A, %dma_start3A_39] : memref<4x50000xf32, #tpu.memory_space<hbm>> -> memref<4x80xf32, #tpu.memory_space<hbm>>
        %dma_start3A_41 = arith.constant 0 : i32
        %dma_start3A_42 = arith.constant 49920 : i32
        %dma_start3A_43 = tpu.memref_slice %arg3[%dma_start3A_41, %dma_start3A_42] : memref<4x50000xf32, #tpu.memory_space<hbm>> -> memref<4x80xf32, #tpu.memory_space<hbm>>
        tpu.enqueue_dma source(%dma_start3A_43 : memref<4x80xf32, #tpu.memory_space<hbm>>) target(%arg9 : memref<4x80xf32, #tpu.memory_space<vmem>>) target_semaphore(%run_scoped3A : memref<!tpu.dma_semaphore, #tpu.memory_space<semaphore_mem>>)
        %dma_wait3A = arith.constant 0 : i32
        %dma_wait3A_44 = arith.constant 49920 : i32
        %dma_wait3A_45 = tpu.memref_slice %arg3[%dma_wait3A, %dma_wait3A_44] : memref<4x50000xf32, #tpu.memory_space<hbm>> -> memref<4x80xf32, #tpu.memory_space<hbm>>
        %dma_wait3A_46 = arith.constant 0 : i32
        %dma_wait3A_47 = arith.constant 49920 : i32
        %dma_wait3A_48 = tpu.memref_slice %arg3[%dma_wait3A_46, %dma_wait3A_47] : memref<4x50000xf32, #tpu.memory_space<hbm>> -> memref<4x80xf32, #tpu.memory_space<hbm>>
        tpu.wait_dma2 semaphore(%run_scoped3A : memref<!tpu.dma_semaphore, #tpu.memory_space<semaphore_mem>>) src(%dma_wait3A_48 : memref<4x80xf32, #tpu.memory_space<hbm>>) dst(%arg9 : memref<4x80xf32, #tpu.memory_space<vmem>>)
        tpu.yield
      }) : () -> ()
      %add3A_14 = arith.constant 0 : i32
      %add3A_15 = arith.addi %multiple_of3A_13, %add3A_14 : i32
      %sub3A_16 = arith.constant 30 : i32
      %sub3A_17 = arith.subi %add3A, %sub3A_16 : i32
      %mul3A_18 = arith.constant 37 : i32
      %mul3A_19 = arith.muli %sub3A_17, %mul3A_18 : i32
      %add3A_20 = arith.constant 0 : i32
      %add3A_21 = arith.addi %mul3A_19, %add3A_20 : i32
      "tpu.region"() ({
        %run_scoped3A = tpu.sem_alloc : memref<!tpu.dma_semaphore, #tpu.memory_space<semaphore_mem>>
        %dma_start3A = arith.constant 0 : i32
        %dma_start3A_39 = arith.constant 0 : i32
        %dma_start3A_40 = tpu.memref_slice %arg8[%dma_start3A, %dma_start3A_39] : memref<152x80xf32, #tpu.memory_space<vmem>> -> memref<144x80xf32, #tpu.memory_space<vmem>>
        %dma_start3A_41 = arith.constant 49920 : i32
        %dma_start3A_42 = tpu.memref_slice %arg2[%add3A_15, %dma_start3A_41] : memref<592x50000xf32, #tpu.memory_space<hbm>> -> memref<144x80xf32, #tpu.memory_space<hbm>>
        %dma_start3A_43 = arith.constant 0 : i32
        %dma_start3A_44 = arith.constant 0 : i32
        %dma_start3A_45 = tpu.memref_slice %arg8[%dma_start3A_43, %dma_start3A_44] : memref<152x80xf32, #tpu.memory_space<vmem>> -> memref<144x80xf32, #tpu.memory_space<vmem>>
        %dma_start3A_46 = arith.constant 49920 : i32
        %dma_start3A_47 = tpu.memref_slice %arg2[%add3A_15, %dma_start3A_46] : memref<592x50000xf32, #tpu.memory_space<hbm>> -> memref<144x80xf32, #tpu.memory_space<hbm>>
        tpu.enqueue_dma source(%dma_start3A_47 : memref<144x80xf32, #tpu.memory_space<hbm>>) target(%dma_start3A_45 : memref<144x80xf32, #tpu.memory_space<vmem>>) target_semaphore(%run_scoped3A : memref<!tpu.dma_semaphore, #tpu.memory_space<semaphore_mem>>)
        %dma_wait3A = arith.constant 0 : i32
        %dma_wait3A_48 = arith.constant 0 : i32
        %dma_wait3A_49 = tpu.memref_slice %arg8[%dma_wait3A, %dma_wait3A_48] : memref<152x80xf32, #tpu.memory_space<vmem>> -> memref<144x80xf32, #tpu.memory_space<vmem>>
        %dma_wait3A_50 = arith.constant 49920 : i32
        %dma_wait3A_51 = tpu.memref_slice %arg2[%add3A_15, %dma_wait3A_50] : memref<592x50000xf32, #tpu.memory_space<hbm>> -> memref<144x80xf32, #tpu.memory_space<hbm>>
        %dma_wait3A_52 = arith.constant 0 : i32
        %dma_wait3A_53 = arith.constant 0 : i32
        %dma_wait3A_54 = tpu.memref_slice %arg8[%dma_wait3A_52, %dma_wait3A_53] : memref<152x80xf32, #tpu.memory_space<vmem>> -> memref<144x80xf32, #tpu.memory_space<vmem>>
        %dma_wait3A_55 = arith.constant 49920 : i32
        %dma_wait3A_56 = tpu.memref_slice %arg2[%add3A_15, %dma_wait3A_55] : memref<592x50000xf32, #tpu.memory_space<hbm>> -> memref<144x80xf32, #tpu.memory_space<hbm>>
        tpu.wait_dma2 semaphore(%run_scoped3A : memref<!tpu.dma_semaphore, #tpu.memory_space<semaphore_mem>>) src(%dma_wait3A_56 : memref<144x80xf32, #tpu.memory_space<hbm>>) dst(%dma_wait3A_54 : memref<144x80xf32, #tpu.memory_space<vmem>>)
        tpu.yield
      }) : () -> ()
      %scan3A = arith.constant 0 : i32
      %scan3A_22 = arith.constant 18 : i32
      %scan3A_23 = arith.addi %scan3A, %scan3A_22 : i32
      %scan3A_24 = arith.constant 1 : i32
      scf.for %scan3A_39 = %scan3A to %scan3A_23 step %scan3A_24  : i32 {
        %mul3A_40 = arith.constant 1 : i32
        %mul3A_41 = arith.muli %scan3A_39, %mul3A_40 : i32
        %add3A_42 = arith.constant 0 : i32
        %add3A_43 = arith.addi %add3A_42, %mul3A_41 : i32
        %add3A_44 = arith.addi %add3A_21, %add3A_43 : i32
        %ge3A_45 = arith.constant 16 : i32
        %ge3A_46 = arith.cmpi sge, %add3A_44, %ge3A_45 : i32
        %convert_element_type3A_47 = arith.extui %ge3A_46 : i1 to i32
        %ge3A_48 = arith.constant 40 : i32
        %ge3A_49 = arith.cmpi sge, %add3A_44, %ge3A_48 : i32
        %convert_element_type3A_50 = arith.extui %ge3A_49 : i1 to i32
        %add3A_51 = arith.addi %convert_element_type3A_47, %convert_element_type3A_50 : i32
        %ge3A_52 = arith.constant 60 : i32
        %ge3A_53 = arith.cmpi sge, %add3A_44, %ge3A_52 : i32
        %convert_element_type3A_54 = arith.extui %ge3A_53 : i1 to i32
        %add3A_55 = arith.addi %add3A_51, %convert_element_type3A_54 : i32
        %mul3A_56 = arith.constant 8 : i32
        %mul3A_57 = arith.muli %add3A_43, %mul3A_56 : i32
        %get3A = arith.index_cast %add3A_55 : i32 to index
        %get3A_58 = arith.constant 0 : index
        %get3A_59 = tpu.vector_load %arg9[%get3A, %get3A_58] {strides = array<i32>} : memref<4x80xf32, #tpu.memory_space<vmem>>, vector<1x16xf32>,
        %get3A_60 = vector.shape_cast %get3A_59 : vector<1x16xf32> to vector<16xf32>
        %add3A_61 = arith.constant 0 : i32
        %add3A_62 = arith.addi %mul3A_57, %add3A_61 : i32
        %get3A_63 = arith.index_cast %add3A_62 : i32 to index
        %get3A_64 = arith.constant 0 : index
        %get3A_65 = tpu.vector_load %arg8[%get3A_63, %get3A_64] {strides = array<i32>} : memref<152x80xf32, #tpu.memory_space<vmem>>, vector<1x16xf32>,
        %get3A_66 = vector.shape_cast %get3A_65 : vector<1x16xf32> to vector<16xf32>
        %mul3A_67 = arith.mulf %get3A_66, %get3A_60 : vector<16xf32>
        %add3A_68 = arith.constant 0 : i32
        %add3A_69 = arith.addi %mul3A_57, %add3A_68 : i32
        %swap3A = arith.index_cast %add3A_69 : i32 to index
        %swap3A_70 = arith.constant 0 : index
        %swap3A_71 = tpu.vector_load %arg8[%swap3A, %swap3A_70] {strides = array<i32>} : memref<152x80xf32, #tpu.memory_space<vmem>>, vector<1x16xf32>,
        %swap3A_72 = vector.shape_cast %swap3A_71 : vector<1x16xf32> to vector<16xf32>
        %swap3A_73 = vector.shape_cast %mul3A_67 : vector<16xf32> to vector<1x16xf32>
        tpu.vector_store %arg8[%swap3A, %swap3A_70], %swap3A_73 {strides = array<i32>} : memref<152x80xf32, #tpu.memory_space<vmem>>, vector<1x16xf32>,
        %add3A_74 = arith.constant 1 : i32
        %add3A_75 = arith.addi %mul3A_57, %add3A_74 : i32
        %get3A_76 = arith.index_cast %add3A_75 : i32 to index
        %get3A_77 = arith.constant 0 : index
        %get3A_78 = tpu.vector_load %arg8[%get3A_76, %get3A_77] {strides = array<i32>} : memref<152x80xf32, #tpu.memory_space<vmem>>, vector<1x16xf32>,
        %get3A_79 = vector.shape_cast %get3A_78 : vector<1x16xf32> to vector<16xf32>
        %mul3A_80 = arith.mulf %get3A_79, %get3A_60 : vector<16xf32>
        %add3A_81 = arith.constant 1 : i32
        %add3A_82 = arith.addi %mul3A_57, %add3A_81 : i32
        %swap3A_83 = arith.index_cast %add3A_82 : i32 to index
        %swap3A_84 = arith.constant 0 : index
        %swap3A_85 = tpu.vector_load %arg8[%swap3A_83, %swap3A_84] {strides = array<i32>} : memref<152x80xf32, #tpu.memory_space<vmem>>, vector<1x16xf32>,
        %swap3A_86 = vector.shape_cast %swap3A_85 : vector<1x16xf32> to vector<16xf32>
        %swap3A_87 = vector.shape_cast %mul3A_80 : vector<16xf32> to vector<1x16xf32>
        tpu.vector_store %arg8[%swap3A_83, %swap3A_84], %swap3A_87 {strides = array<i32>} : memref<152x80xf32, #tpu.memory_space<vmem>>, vector<1x16xf32>,
        %add3A_88 = arith.constant 2 : i32
        %add3A_89 = arith.addi %mul3A_57, %add3A_88 : i32
        %get3A_90 = arith.index_cast %add3A_89 : i32 to index
        %get3A_91 = arith.constant 0 : index
        %get3A_92 = tpu.vector_load %arg8[%get3A_90, %get3A_91] {strides = array<i32>} : memref<152x80xf32, #tpu.memory_space<vmem>>, vector<1x16xf32>,
        %get3A_93 = vector.shape_cast %get3A_92 : vector<1x16xf32> to vector<16xf32>
        %mul3A_94 = arith.mulf %get3A_93, %get3A_60 : vector<16xf32>
        %add3A_95 = arith.constant 2 : i32
        %add3A_96 = arith.addi %mul3A_57, %add3A_95 : i32
        %swap3A_97 = arith.index_cast %add3A_96 : i32 to index
        %swap3A_98 = arith.constant 0 : index
        %swap3A_99 = tpu.vector_load %arg8[%swap3A_97, %swap3A_98] {strides = array<i32>} : memref<152x80xf32, #tpu.memory_space<vmem>>, vector<1x16xf32>,
        %swap3A_100 = vector.shape_cast %swap3A_99 : vector<1x16xf32> to vector<16xf32>
        %swap3A_101 = vector.shape_cast %mul3A_94 : vector<16xf32> to vector<1x16xf32>
        tpu.vector_store %arg8[%swap3A_97, %swap3A_98], %swap3A_101 {strides = array<i32>} : memref<152x80xf32, #tpu.memory_space<vmem>>, vector<1x16xf32>,
        %add3A_102 = arith.constant 3 : i32
        %add3A_103 = arith.addi %mul3A_57, %add3A_102 : i32
        %get3A_104 = arith.index_cast %add3A_103 : i32 to index
        %get3A_105 = arith.constant 0 : index
        %get3A_106 = tpu.vector_load %arg8[%get3A_104, %get3A_105] {strides = array<i32>} : memref<152x80xf32, #tpu.memory_space<vmem>>, vector<1x16xf32>,
        %get3A_107 = vector.shape_cast %get3A_106 : vector<1x16xf32> to vector<16xf32>
        %mul3A_108 = arith.mulf %get3A_107, %get3A_60 : vector<16xf32>
        %add3A_109 = arith.constant 3 : i32
        %add3A_110 = arith.addi %mul3A_57, %add3A_109 : i32
        %swap3A_111 = arith.index_cast %add3A_110 : i32 to index
        %swap3A_112 = arith.constant 0 : index
        %swap3A_113 = tpu.vector_load %arg8[%swap3A_111, %swap3A_112] {strides = array<i32>} : memref<152x80xf32, #tpu.memory_space<vmem>>, vector<1x16xf32>,
        %swap3A_114 = vector.shape_cast %swap3A_113 : vector<1x16xf32> to vector<16xf32>
        %swap3A_115 = vector.shape_cast %mul3A_108 : vector<16xf32> to vector<1x16xf32>
        tpu.vector_store %arg8[%swap3A_111, %swap3A_112], %swap3A_115 {strides = array<i32>} : memref<152x80xf32, #tpu.memory_space<vmem>>, vector<1x16xf32>,
        %add3A_116 = arith.constant 4 : i32
        %add3A_117 = arith.addi %mul3A_57, %add3A_116 : i32
        %get3A_118 = arith.index_cast %add3A_117 : i32 to index
        %get3A_119 = arith.constant 0 : index
        %get3A_120 = tpu.vector_load %arg8[%get3A_118, %get3A_119] {strides = array<i32>} : memref<152x80xf32, #tpu.memory_space<vmem>>, vector<1x16xf32>,
        %get3A_121 = vector.shape_cast %get3A_120 : vector<1x16xf32> to vector<16xf32>
        %mul3A_122 = arith.mulf %get3A_121, %get3A_60 : vector<16xf32>
        %add3A_123 = arith.constant 4 : i32
        %add3A_124 = arith.addi %mul3A_57, %add3A_123 : i32
        %swap3A_125 = arith.index_cast %add3A_124 : i32 to index
        %swap3A_126 = arith.constant 0 : index
        %swap3A_127 = tpu.vector_load %arg8[%swap3A_125, %swap3A_126] {strides = array<i32>} : memref<152x80xf32, #tpu.memory_space<vmem>>, vector<1x16xf32>,
        %swap3A_128 = vector.shape_cast %swap3A_127 : vector<1x16xf32> to vector<16xf32>
        %swap3A_129 = vector.shape_cast %mul3A_122 : vector<16xf32> to vector<1x16xf32>
        tpu.vector_store %arg8[%swap3A_125, %swap3A_126], %swap3A_129 {strides = array<i32>} : memref<152x80xf32, #tpu.memory_space<vmem>>, vector<1x16xf32>,
        %add3A_130 = arith.constant 5 : i32
        %add3A_131 = arith.addi %mul3A_57, %add3A_130 : i32
        %get3A_132 = arith.index_cast %add3A_131 : i32 to index
        %get3A_133 = arith.constant 0 : index
        %get3A_134 = tpu.vector_load %arg8[%get3A_132, %get3A_133] {strides = array<i32>} : memref<152x80xf32, #tpu.memory_space<vmem>>, vector<1x16xf32>,
        %get3A_135 = vector.shape_cast %get3A_134 : vector<1x16xf32> to vector<16xf32>
        %mul3A_136 = arith.mulf %get3A_135, %get3A_60 : vector<16xf32>
        %add3A_137 = arith.constant 5 : i32
        %add3A_138 = arith.addi %mul3A_57, %add3A_137 : i32
        %swap3A_139 = arith.index_cast %add3A_138 : i32 to index
        %swap3A_140 = arith.constant 0 : index
        %swap3A_141 = tpu.vector_load %arg8[%swap3A_139, %swap3A_140] {strides = array<i32>} : memref<152x80xf32, #tpu.memory_space<vmem>>, vector<1x16xf32>,
        %swap3A_142 = vector.shape_cast %swap3A_141 : vector<1x16xf32> to vector<16xf32>
        %swap3A_143 = vector.shape_cast %mul3A_136 : vector<16xf32> to vector<1x16xf32>
        tpu.vector_store %arg8[%swap3A_139, %swap3A_140], %swap3A_143 {strides = array<i32>} : memref<152x80xf32, #tpu.memory_space<vmem>>, vector<1x16xf32>,
        %add3A_144 = arith.constant 6 : i32
        %add3A_145 = arith.addi %mul3A_57, %add3A_144 : i32
        %get3A_146 = arith.index_cast %add3A_145 : i32 to index
        %get3A_147 = arith.constant 0 : index
        %get3A_148 = tpu.vector_load %arg8[%get3A_146, %get3A_147] {strides = array<i32>} : memref<152x80xf32, #tpu.memory_space<vmem>>, vector<1x16xf32>,
        %get3A_149 = vector.shape_cast %get3A_148 : vector<1x16xf32> to vector<16xf32>
        %mul3A_150 = arith.mulf %get3A_149, %get3A_60 : vector<16xf32>
        %add3A_151 = arith.constant 6 : i32
        %add3A_152 = arith.addi %mul3A_57, %add3A_151 : i32
        %swap3A_153 = arith.index_cast %add3A_152 : i32 to index
        %swap3A_154 = arith.constant 0 : index
        %swap3A_155 = tpu.vector_load %arg8[%swap3A_153, %swap3A_154] {strides = array<i32>} : memref<152x80xf32, #tpu.memory_space<vmem>>, vector<1x16xf32>,
        %swap3A_156 = vector.shape_cast %swap3A_155 : vector<1x16xf32> to vector<16xf32>
        %swap3A_157 = vector.shape_cast %mul3A_150 : vector<16xf32> to vector<1x16xf32>
        tpu.vector_store %arg8[%swap3A_153, %swap3A_154], %swap3A_157 {strides = array<i32>} : memref<152x80xf32, #tpu.memory_space<vmem>>, vector<1x16xf32>,
        %add3A_158 = arith.constant 7 : i32
        %add3A_159 = arith.addi %mul3A_57, %add3A_158 : i32
        %get3A_160 = arith.index_cast %add3A_159 : i32 to index
        %get3A_161 = arith.constant 0 : index
        %get3A_162 = tpu.vector_load %arg8[%get3A_160, %get3A_161] {strides = array<i32>} : memref<152x80xf32, #tpu.memory_space<vmem>>, vector<1x16xf32>,
        %get3A_163 = vector.shape_cast %get3A_162 : vector<1x16xf32> to vector<16xf32>
        %mul3A_164 = arith.mulf %get3A_163, %get3A_60 : vector<16xf32>
        %add3A_165 = arith.constant 7 : i32
        %add3A_166 = arith.addi %mul3A_57, %add3A_165 : i32
        %swap3A_167 = arith.index_cast %add3A_166 : i32 to index
        %swap3A_168 = arith.constant 0 : index
        %swap3A_169 = tpu.vector_load %arg8[%swap3A_167, %swap3A_168] {strides = array<i32>} : memref<152x80xf32, #tpu.memory_space<vmem>>, vector<1x16xf32>,
        %swap3A_170 = vector.shape_cast %swap3A_169 : vector<1x16xf32> to vector<16xf32>
        %swap3A_171 = vector.shape_cast %mul3A_164 : vector<16xf32> to vector<1x16xf32>
        tpu.vector_store %arg8[%swap3A_167, %swap3A_168], %swap3A_171 {strides = array<i32>} : memref<152x80xf32, #tpu.memory_space<vmem>>, vector<1x16xf32>,
        %get3A_172 = arith.index_cast %add3A_55 : i32 to index
        %get3A_173 = arith.constant 16 : index
        %get3A_174 = tpu.vector_load %arg9[%get3A_172, %get3A_173] {strides = array<i32>} : memref<4x80xf32, #tpu.memory_space<vmem>>, vector<1x16xf32>,
        %get3A_175 = vector.shape_cast %get3A_174 : vector<1x16xf32> to vector<16xf32>
        %add3A_176 = arith.constant 0 : i32
        %add3A_177 = arith.addi %mul3A_57, %add3A_176 : i32
        %get3A_178 = arith.index_cast %add3A_177 : i32 to index
        %get3A_179 = arith.constant 16 : index
        %get3A_180 = tpu.vector_load %arg8[%get3A_178, %get3A_179] {strides = array<i32>} : memref<152x80xf32, #tpu.memory_space<vmem>>, vector<1x16xf32>,
        %get3A_181 = vector.shape_cast %get3A_180 : vector<1x16xf32> to vector<16xf32>
        %mul3A_182 = arith.mulf %get3A_181, %get3A_175 : vector<16xf32>
        %add3A_183 = arith.constant 0 : i32
        %add3A_184 = arith.addi %mul3A_57, %add3A_183 : i32
        %swap3A_185 = arith.index_cast %add3A_184 : i32 to index
        %swap3A_186 = arith.constant 16 : index
        %swap3A_187 = tpu.vector_load %arg8[%swap3A_185, %swap3A_186] {strides = array<i32>} : memref<152x80xf32, #tpu.memory_space<vmem>>, vector<1x16xf32>,
        %swap3A_188 = vector.shape_cast %swap3A_187 : vector<1x16xf32> to vector<16xf32>
        %swap3A_189 = vector.shape_cast %mul3A_182 : vector<16xf32> to vector<1x16xf32>
        tpu.vector_store %arg8[%swap3A_185, %swap3A_186], %swap3A_189 {strides = array<i32>} : memref<152x80xf32, #tpu.memory_space<vmem>>, vector<1x16xf32>,
        %add3A_190 = arith.constant 1 : i32
        %add3A_191 = arith.addi %mul3A_57, %add3A_190 : i32
        %get3A_192 = arith.index_cast %add3A_191 : i32 to index
        %get3A_193 = arith.constant 16 : index
        %get3A_194 = tpu.vector_load %arg8[%get3A_192, %get3A_193] {strides = array<i32>} : memref<152x80xf32, #tpu.memory_space<vmem>>, vector<1x16xf32>,
        %get3A_195 = vector.shape_cast %get3A_194 : vector<1x16xf32> to vector<16xf32>
        %mul3A_196 = arith.mulf %get3A_195, %get3A_175 : vector<16xf32>
        %add3A_197 = arith.constant 1 : i32
        %add3A_198 = arith.addi %mul3A_57, %add3A_197 : i32
        %swap3A_199 = arith.index_cast %add3A_198 : i32 to index
        %swap3A_200 = arith.constant 16 : index
        %swap3A_201 = tpu.vector_load %arg8[%swap3A_199, %swap3A_200] {strides = array<i32>} : memref<152x80xf32, #tpu.memory_space<vmem>>, vector<1x16xf32>,
        %swap3A_202 = vector.shape_cast %swap3A_201 : vector<1x16xf32> to vector<16xf32>
        %swap3A_203 = vector.shape_cast %mul3A_196 : vector<16xf32> to vector<1x16xf32>
        tpu.vector_store %arg8[%swap3A_199, %swap3A_200], %swap3A_203 {strides = array<i32>} : memref<152x80xf32, #tpu.memory_space<vmem>>, vector<1x16xf32>,
        %add3A_204 = arith.constant 2 : i32
        %add3A_205 = arith.addi %mul3A_57, %add3A_204 : i32
        %get3A_206 = arith.index_cast %add3A_205 : i32 to index
        %get3A_207 = arith.constant 16 : index
        %get3A_208 = tpu.vector_load %arg8[%get3A_206, %get3A_207] {strides = array<i32>} : memref<152x80xf32, #tpu.memory_space<vmem>>, vector<1x16xf32>,
        %get3A_209 = vector.shape_cast %get3A_208 : vector<1x16xf32> to vector<16xf32>
        %mul3A_210 = arith.mulf %get3A_209, %get3A_175 : vector<16xf32>
        %add3A_211 = arith.constant 2 : i32
        %add3A_212 = arith.addi %mul3A_57, %add3A_211 : i32
        %swap3A_213 = arith.index_cast %add3A_212 : i32 to index
        %swap3A_214 = arith.constant 16 : index
        %swap3A_215 = tpu.vector_load %arg8[%swap3A_213, %swap3A_214] {strides = array<i32>} : memref<152x80xf32, #tpu.memory_space<vmem>>, vector<1x16xf32>,
        %swap3A_216 = vector.shape_cast %swap3A_215 : vector<1x16xf32> to vector<16xf32>
        %swap3A_217 = vector.shape_cast %mul3A_210 : vector<16xf32> to vector<1x16xf32>
        tpu.vector_store %arg8[%swap3A_213, %swap3A_214], %swap3A_217 {strides = array<i32>} : memref<152x80xf32, #tpu.memory_space<vmem>>, vector<1x16xf32>,
        %add3A_218 = arith.constant 3 : i32
        %add3A_219 = arith.addi %mul3A_57, %add3A_218 : i32
        %get3A_220 = arith.index_cast %add3A_219 : i32 to index
        %get3A_221 = arith.constant 16 : index
        %get3A_222 = tpu.vector_load %arg8[%get3A_220, %get3A_221] {strides = array<i32>} : memref<152x80xf32, #tpu.memory_space<vmem>>, vector<1x16xf32>,
        %get3A_223 = vector.shape_cast %get3A_222 : vector<1x16xf32> to vector<16xf32>
        %mul3A_224 = arith.mulf %get3A_223, %get3A_175 : vector<16xf32>
        %add3A_225 = arith.constant 3 : i32
        %add3A_226 = arith.addi %mul3A_57, %add3A_225 : i32
        %swap3A_227 = arith.index_cast %add3A_226 : i32 to index
        %swap3A_228 = arith.constant 16 : index
        %swap3A_229 = tpu.vector_load %arg8[%swap3A_227, %swap3A_228] {strides = array<i32>} : memref<152x80xf32, #tpu.memory_space<vmem>>, vector<1x16xf32>,
        %swap3A_230 = vector.shape_cast %swap3A_229 : vector<1x16xf32> to vector<16xf32>
        %swap3A_231 = vector.shape_cast %mul3A_224 : vector<16xf32> to vector<1x16xf32>
        tpu.vector_store %arg8[%swap3A_227, %swap3A_228], %swap3A_231 {strides = array<i32>} : memref<152x80xf32, #tpu.memory_space<vmem>>, vector<1x16xf32>,
        %add3A_232 = arith.constant 4 : i32
        %add3A_233 = arith.addi %mul3A_57, %add3A_232 : i32
        %get3A_234 = arith.index_cast %add3A_233 : i32 to index
        %get3A_235 = arith.constant 16 : index
        %get3A_236 = tpu.vector_load %arg8[%get3A_234, %get3A_235] {strides = array<i32>} : memref<152x80xf32, #tpu.memory_space<vmem>>, vector<1x16xf32>,
        %get3A_237 = vector.shape_cast %get3A_236 : vector<1x16xf32> to vector<16xf32>
        %mul3A_238 = arith.mulf %get3A_237, %get3A_175 : vector<16xf32>
        %add3A_239 = arith.constant 4 : i32
        %add3A_240 = arith.addi %mul3A_57, %add3A_239 : i32
        %swap3A_241 = arith.index_cast %add3A_240 : i32 to index
        %swap3A_242 = arith.constant 16 : index
        %swap3A_243 = tpu.vector_load %arg8[%swap3A_241, %swap3A_242] {strides = array<i32>} : memref<152x80xf32, #tpu.memory_space<vmem>>, vector<1x16xf32>,
        %swap3A_244 = vector.shape_cast %swap3A_243 : vector<1x16xf32> to vector<16xf32>
        %swap3A_245 = vector.shape_cast %mul3A_238 : vector<16xf32> to vector<1x16xf32>
        tpu.vector_store %arg8[%swap3A_241, %swap3A_242], %swap3A_245 {strides = array<i32>} : memref<152x80xf32, #tpu.memory_space<vmem>>, vector<1x16xf32>,
        %add3A_246 = arith.constant 5 : i32
        %add3A_247 = arith.addi %mul3A_57, %add3A_246 : i32
        %get3A_248 = arith.index_cast %add3A_247 : i32 to index
        %get3A_249 = arith.constant 16 : index
        %get3A_250 = tpu.vector_load %arg8[%get3A_248, %get3A_249] {strides = array<i32>} : memref<152x80xf32, #tpu.memory_space<vmem>>, vector<1x16xf32>,
        %get3A_251 = vector.shape_cast %get3A_250 : vector<1x16xf32> to vector<16xf32>
        %mul3A_252 = arith.mulf %get3A_251, %get3A_175 : vector<16xf32>
        %add3A_253 = arith.constant 5 : i32
        %add3A_254 = arith.addi %mul3A_57, %add3A_253 : i32
        %swap3A_255 = arith.index_cast %add3A_254 : i32 to index
        %swap3A_256 = arith.constant 16 : index
        %swap3A_257 = tpu.vector_load %arg8[%swap3A_255, %swap3A_256] {strides = array<i32>} : memref<152x80xf32, #tpu.memory_space<vmem>>, vector<1x16xf32>,
        %swap3A_258 = vector.shape_cast %swap3A_257 : vector<1x16xf32> to vector<16xf32>
        %swap3A_259 = vector.shape_cast %mul3A_252 : vector<16xf32> to vector<1x16xf32>
        tpu.vector_store %arg8[%swap3A_255, %swap3A_256], %swap3A_259 {strides = array<i32>} : memref<152x80xf32, #tpu.memory_space<vmem>>, vector<1x16xf32>,
        %add3A_260 = arith.constant 6 : i32
        %add3A_261 = arith.addi %mul3A_57, %add3A_260 : i32
        %get3A_262 = arith.index_cast %add3A_261 : i32 to index
        %get3A_263 = arith.constant 16 : index
        %get3A_264 = tpu.vector_load %arg8[%get3A_262, %get3A_263] {strides = array<i32>} : memref<152x80xf32, #tpu.memory_space<vmem>>, vector<1x16xf32>,
        %get3A_265 = vector.shape_cast %get3A_264 : vector<1x16xf32> to vector<16xf32>
        %mul3A_266 = arith.mulf %get3A_265, %get3A_175 : vector<16xf32>
        %add3A_267 = arith.constant 6 : i32
        %add3A_268 = arith.addi %mul3A_57, %add3A_267 : i32
        %swap3A_269 = arith.index_cast %add3A_268 : i32 to index
        %swap3A_270 = arith.constant 16 : index
        %swap3A_271 = tpu.vector_load %arg8[%swap3A_269, %swap3A_270] {strides = array<i32>} : memref<152x80xf32, #tpu.memory_space<vmem>>, vector<1x16xf32>,
        %swap3A_272 = vector.shape_cast %swap3A_271 : vector<1x16xf32> to vector<16xf32>
        %swap3A_273 = vector.shape_cast %mul3A_266 : vector<16xf32> to vector<1x16xf32>
        tpu.vector_store %arg8[%swap3A_269, %swap3A_270], %swap3A_273 {strides = array<i32>} : memref<152x80xf32, #tpu.memory_space<vmem>>, vector<1x16xf32>,
        %add3A_274 = arith.constant 7 : i32
        %add3A_275 = arith.addi %mul3A_57, %add3A_274 : i32
        %get3A_276 = arith.index_cast %add3A_275 : i32 to index
        %get3A_277 = arith.constant 16 : index
        %get3A_278 = tpu.vector_load %arg8[%get3A_276, %get3A_277] {strides = array<i32>} : memref<152x80xf32, #tpu.memory_space<vmem>>, vector<1x16xf32>,
        %get3A_279 = vector.shape_cast %get3A_278 : vector<1x16xf32> to vector<16xf32>
        %mul3A_280 = arith.mulf %get3A_279, %get3A_175 : vector<16xf32>
        %add3A_281 = arith.constant 7 : i32
        %add3A_282 = arith.addi %mul3A_57, %add3A_281 : i32
        %swap3A_283 = arith.index_cast %add3A_282 : i32 to index
        %swap3A_284 = arith.constant 16 : index
        %swap3A_285 = tpu.vector_load %arg8[%swap3A_283, %swap3A_284] {strides = array<i32>} : memref<152x80xf32, #tpu.memory_space<vmem>>, vector<1x16xf32>,
        %swap3A_286 = vector.shape_cast %swap3A_285 : vector<1x16xf32> to vector<16xf32>
        %swap3A_287 = vector.shape_cast %mul3A_280 : vector<16xf32> to vector<1x16xf32>
        tpu.vector_store %arg8[%swap3A_283, %swap3A_284], %swap3A_287 {strides = array<i32>} : memref<152x80xf32, #tpu.memory_space<vmem>>, vector<1x16xf32>,
        %get3A_288 = arith.index_cast %add3A_55 : i32 to index
        %get3A_289 = arith.constant 32 : index
        %get3A_290 = tpu.vector_load %arg9[%get3A_288, %get3A_289] {strides = array<i32>} : memref<4x80xf32, #tpu.memory_space<vmem>>, vector<1x16xf32>,
        %get3A_291 = vector.shape_cast %get3A_290 : vector<1x16xf32> to vector<16xf32>
        %add3A_292 = arith.constant 0 : i32
        %add3A_293 = arith.addi %mul3A_57, %add3A_292 : i32
        %get3A_294 = arith.index_cast %add3A_293 : i32 to index
        %get3A_295 = arith.constant 32 : index
        %get3A_296 = tpu.vector_load %arg8[%get3A_294, %get3A_295] {strides = array<i32>} : memref<152x80xf32, #tpu.memory_space<vmem>>, vector<1x16xf32>,
        %get3A_297 = vector.shape_cast %get3A_296 : vector<1x16xf32> to vector<16xf32>
        %mul3A_298 = arith.mulf %get3A_297, %get3A_291 : vector<16xf32>
        %add3A_299 = arith.constant 0 : i32
        %add3A_300 = arith.addi %mul3A_57, %add3A_299 : i32
        %swap3A_301 = arith.index_cast %add3A_300 : i32 to index
        %swap3A_302 = arith.constant 32 : index
        %swap3A_303 = tpu.vector_load %arg8[%swap3A_301, %swap3A_302] {strides = array<i32>} : memref<152x80xf32, #tpu.memory_space<vmem>>, vector<1x16xf32>,
        %swap3A_304 = vector.shape_cast %swap3A_303 : vector<1x16xf32> to vector<16xf32>
        %swap3A_305 = vector.shape_cast %mul3A_298 : vector<16xf32> to vector<1x16xf32>
        tpu.vector_store %arg8[%swap3A_301, %swap3A_302], %swap3A_305 {strides = array<i32>} : memref<152x80xf32, #tpu.memory_space<vmem>>, vector<1x16xf32>,
        %add3A_306 = arith.constant 1 : i32
        %add3A_307 = arith.addi %mul3A_57, %add3A_306 : i32
        %get3A_308 = arith.index_cast %add3A_307 : i32 to index
        %get3A_309 = arith.constant 32 : index
        %get3A_310 = tpu.vector_load %arg8[%get3A_308, %get3A_309] {strides = array<i32>} : memref<152x80xf32, #tpu.memory_space<vmem>>, vector<1x16xf32>,
        %get3A_311 = vector.shape_cast %get3A_310 : vector<1x16xf32> to vector<16xf32>
        %mul3A_312 = arith.mulf %get3A_311, %get3A_291 : vector<16xf32>
        %add3A_313 = arith.constant 1 : i32
        %add3A_314 = arith.addi %mul3A_57, %add3A_313 : i32
        %swap3A_315 = arith.index_cast %add3A_314 : i32 to index
        %swap3A_316 = arith.constant 32 : index
        %swap3A_317 = tpu.vector_load %arg8[%swap3A_315, %swap3A_316] {strides = array<i32>} : memref<152x80xf32, #tpu.memory_space<vmem>>, vector<1x16xf32>,
        %swap3A_318 = vector.shape_cast %swap3A_317 : vector<1x16xf32> to vector<16xf32>
        %swap3A_319 = vector.shape_cast %mul3A_312 : vector<16xf32> to vector<1x16xf32>
        tpu.vector_store %arg8[%swap3A_315, %swap3A_316], %swap3A_319 {strides = array<i32>} : memref<152x80xf32, #tpu.memory_space<vmem>>, vector<1x16xf32>,
        %add3A_320 = arith.constant 2 : i32
        %add3A_321 = arith.addi %mul3A_57, %add3A_320 : i32
        %get3A_322 = arith.index_cast %add3A_321 : i32 to index
        %get3A_323 = arith.constant 32 : index
        %get3A_324 = tpu.vector_load %arg8[%get3A_322, %get3A_323] {strides = array<i32>} : memref<152x80xf32, #tpu.memory_space<vmem>>, vector<1x16xf32>,
        %get3A_325 = vector.shape_cast %get3A_324 : vector<1x16xf32> to vector<16xf32>
        %mul3A_326 = arith.mulf %get3A_325, %get3A_291 : vector<16xf32>
        %add3A_327 = arith.constant 2 : i32
        %add3A_328 = arith.addi %mul3A_57, %add3A_327 : i32
        %swap3A_329 = arith.index_cast %add3A_328 : i32 to index
        %swap3A_330 = arith.constant 32 : index
        %swap3A_331 = tpu.vector_load %arg8[%swap3A_329, %swap3A_330] {strides = array<i32>} : memref<152x80xf32, #tpu.memory_space<vmem>>, vector<1x16xf32>,
        %swap3A_332 = vector.shape_cast %swap3A_331 : vector<1x16xf32> to vector<16xf32>
        %swap3A_333 = vector.shape_cast %mul3A_326 : vector<16xf32> to vector<1x16xf32>
        tpu.vector_store %arg8[%swap3A_329, %swap3A_330], %swap3A_333 {strides = array<i32>} : memref<152x80xf32, #tpu.memory_space<vmem>>, vector<1x16xf32>,
        %add3A_334 = arith.constant 3 : i32
        %add3A_335 = arith.addi %mul3A_57, %add3A_334 : i32
        %get3A_336 = arith.index_cast %add3A_335 : i32 to index
        %get3A_337 = arith.constant 32 : index
        %get3A_338 = tpu.vector_load %arg8[%get3A_336, %get3A_337] {strides = array<i32>} : memref<152x80xf32, #tpu.memory_space<vmem>>, vector<1x16xf32>,
        %get3A_339 = vector.shape_cast %get3A_338 : vector<1x16xf32> to vector<16xf32>
        %mul3A_340 = arith.mulf %get3A_339, %get3A_291 : vector<16xf32>
        %add3A_341 = arith.constant 3 : i32
        %add3A_342 = arith.addi %mul3A_57, %add3A_341 : i32
        %swap3A_343 = arith.index_cast %add3A_342 : i32 to index
        %swap3A_344 = arith.constant 32 : index
        %swap3A_345 = tpu.vector_load %arg8[%swap3A_343, %swap3A_344] {strides = array<i32>} : memref<152x80xf32, #tpu.memory_space<vmem>>, vector<1x16xf32>,
        %swap3A_346 = vector.shape_cast %swap3A_345 : vector<1x16xf32> to vector<16xf32>
        %swap3A_347 = vector.shape_cast %mul3A_340 : vector<16xf32> to vector<1x16xf32>
        tpu.vector_store %arg8[%swap3A_343, %swap3A_344], %swap3A_347 {strides = array<i32>} : memref<152x80xf32, #tpu.memory_space<vmem>>, vector<1x16xf32>,
        %add3A_348 = arith.constant 4 : i32
        %add3A_349 = arith.addi %mul3A_57, %add3A_348 : i32
        %get3A_350 = arith.index_cast %add3A_349 : i32 to index
        %get3A_351 = arith.constant 32 : index
        %get3A_352 = tpu.vector_load %arg8[%get3A_350, %get3A_351] {strides = array<i32>} : memref<152x80xf32, #tpu.memory_space<vmem>>, vector<1x16xf32>,
        %get3A_353 = vector.shape_cast %get3A_352 : vector<1x16xf32> to vector<16xf32>
        %mul3A_354 = arith.mulf %get3A_353, %get3A_291 : vector<16xf32>
        %add3A_355 = arith.constant 4 : i32
        %add3A_356 = arith.addi %mul3A_57, %add3A_355 : i32
        %swap3A_357 = arith.index_cast %add3A_356 : i32 to index
        %swap3A_358 = arith.constant 32 : index
        %swap3A_359 = tpu.vector_load %arg8[%swap3A_357, %swap3A_358] {strides = array<i32>} : memref<152x80xf32, #tpu.memory_space<vmem>>, vector<1x16xf32>,
        %swap3A_360 = vector.shape_cast %swap3A_359 : vector<1x16xf32> to vector<16xf32>
        %swap3A_361 = vector.shape_cast %mul3A_354 : vector<16xf32> to vector<1x16xf32>
        tpu.vector_store %arg8[%swap3A_357, %swap3A_358], %swap3A_361 {strides = array<i32>} : memref<152x80xf32, #tpu.memory_space<vmem>>, vector<1x16xf32>,
        %add3A_362 = arith.constant 5 : i32
        %add3A_363 = arith.addi %mul3A_57, %add3A_362 : i32
        %get3A_364 = arith.index_cast %add3A_363 : i32 to index
        %get3A_365 = arith.constant 32 : index
        %get3A_366 = tpu.vector_load %arg8[%get3A_364, %get3A_365] {strides = array<i32>} : memref<152x80xf32, #tpu.memory_space<vmem>>, vector<1x16xf32>,
        %get3A_367 = vector.shape_cast %get3A_366 : vector<1x16xf32> to vector<16xf32>
        %mul3A_368 = arith.mulf %get3A_367, %get3A_291 : vector<16xf32>
        %add3A_369 = arith.constant 5 : i32
        %add3A_370 = arith.addi %mul3A_57, %add3A_369 : i32
        %swap3A_371 = arith.index_cast %add3A_370 : i32 to index
        %swap3A_372 = arith.constant 32 : index
        %swap3A_373 = tpu.vector_load %arg8[%swap3A_371, %swap3A_372] {strides = array<i32>} : memref<152x80xf32, #tpu.memory_space<vmem>>, vector<1x16xf32>,
        %swap3A_374 = vector.shape_cast %swap3A_373 : vector<1x16xf32> to vector<16xf32>
        %swap3A_375 = vector.shape_cast %mul3A_368 : vector<16xf32> to vector<1x16xf32>
        tpu.vector_store %arg8[%swap3A_371, %swap3A_372], %swap3A_375 {strides = array<i32>} : memref<152x80xf32, #tpu.memory_space<vmem>>, vector<1x16xf32>,
        %add3A_376 = arith.constant 6 : i32
        %add3A_377 = arith.addi %mul3A_57, %add3A_376 : i32
        %get3A_378 = arith.index_cast %add3A_377 : i32 to index
        %get3A_379 = arith.constant 32 : index
        %get3A_380 = tpu.vector_load %arg8[%get3A_378, %get3A_379] {strides = array<i32>} : memref<152x80xf32, #tpu.memory_space<vmem>>, vector<1x16xf32>,
        %get3A_381 = vector.shape_cast %get3A_380 : vector<1x16xf32> to vector<16xf32>
        %mul3A_382 = arith.mulf %get3A_381, %get3A_291 : vector<16xf32>
        %add3A_383 = arith.constant 6 : i32
        %add3A_384 = arith.addi %mul3A_57, %add3A_383 : i32
        %swap3A_385 = arith.index_cast %add3A_384 : i32 to index
        %swap3A_386 = arith.constant 32 : index
        %swap3A_387 = tpu.vector_load %arg8[%swap3A_385, %swap3A_386] {strides = array<i32>} : memref<152x80xf32, #tpu.memory_space<vmem>>, vector<1x16xf32>,
        %swap3A_388 = vector.shape_cast %swap3A_387 : vector<1x16xf32> to vector<16xf32>
        %swap3A_389 = vector.shape_cast %mul3A_382 : vector<16xf32> to vector<1x16xf32>
        tpu.vector_store %arg8[%swap3A_385, %swap3A_386], %swap3A_389 {strides = array<i32>} : memref<152x80xf32, #tpu.memory_space<vmem>>, vector<1x16xf32>,
        %add3A_390 = arith.constant 7 : i32
        %add3A_391 = arith.addi %mul3A_57, %add3A_390 : i32
        %get3A_392 = arith.index_cast %add3A_391 : i32 to index
        %get3A_393 = arith.constant 32 : index
        %get3A_394 = tpu.vector_load %arg8[%get3A_392, %get3A_393] {strides = array<i32>} : memref<152x80xf32, #tpu.memory_space<vmem>>, vector<1x16xf32>,
        %get3A_395 = vector.shape_cast %get3A_394 : vector<1x16xf32> to vector<16xf32>
        %mul3A_396 = arith.mulf %get3A_395, %get3A_291 : vector<16xf32>
        %add3A_397 = arith.constant 7 : i32
        %add3A_398 = arith.addi %mul3A_57, %add3A_397 : i32
        %swap3A_399 = arith.index_cast %add3A_398 : i32 to index
        %swap3A_400 = arith.constant 32 : index
        %swap3A_401 = tpu.vector_load %arg8[%swap3A_399, %swap3A_400] {strides = array<i32>} : memref<152x80xf32, #tpu.memory_space<vmem>>, vector<1x16xf32>,
        %swap3A_402 = vector.shape_cast %swap3A_401 : vector<1x16xf32> to vector<16xf32>
        %swap3A_403 = vector.shape_cast %mul3A_396 : vector<16xf32> to vector<1x16xf32>
        tpu.vector_store %arg8[%swap3A_399, %swap3A_400], %swap3A_403 {strides = array<i32>} : memref<152x80xf32, #tpu.memory_space<vmem>>, vector<1x16xf32>,
        %get3A_404 = arith.index_cast %add3A_55 : i32 to index
        %get3A_405 = arith.constant 48 : index
        %get3A_406 = tpu.vector_load %arg9[%get3A_404, %get3A_405] {strides = array<i32>} : memref<4x80xf32, #tpu.memory_space<vmem>>, vector<1x16xf32>,
        %get3A_407 = vector.shape_cast %get3A_406 : vector<1x16xf32> to vector<16xf32>
        %add3A_408 = arith.constant 0 : i32
        %add3A_409 = arith.addi %mul3A_57, %add3A_408 : i32
        %get3A_410 = arith.index_cast %add3A_409 : i32 to index
        %get3A_411 = arith.constant 48 : index
        %get3A_412 = tpu.vector_load %arg8[%get3A_410, %get3A_411] {strides = array<i32>} : memref<152x80xf32, #tpu.memory_space<vmem>>, vector<1x16xf32>,
        %get3A_413 = vector.shape_cast %get3A_412 : vector<1x16xf32> to vector<16xf32>
        %mul3A_414 = arith.mulf %get3A_413, %get3A_407 : vector<16xf32>
        %add3A_415 = arith.constant 0 : i32
        %add3A_416 = arith.addi %mul3A_57, %add3A_415 : i32
        %swap3A_417 = arith.index_cast %add3A_416 : i32 to index
        %swap3A_418 = arith.constant 48 : index
        %swap3A_419 = tpu.vector_load %arg8[%swap3A_417, %swap3A_418] {strides = array<i32>} : memref<152x80xf32, #tpu.memory_space<vmem>>, vector<1x16xf32>,
        %swap3A_420 = vector.shape_cast %swap3A_419 : vector<1x16xf32> to vector<16xf32>
        %swap3A_421 = vector.shape_cast %mul3A_414 : vector<16xf32> to vector<1x16xf32>
        tpu.vector_store %arg8[%swap3A_417, %swap3A_418], %swap3A_421 {strides = array<i32>} : memref<152x80xf32, #tpu.memory_space<vmem>>, vector<1x16xf32>,
        %add3A_422 = arith.constant 1 : i32
        %add3A_423 = arith.addi %mul3A_57, %add3A_422 : i32
        %get3A_424 = arith.index_cast %add3A_423 : i32 to index
        %get3A_425 = arith.constant 48 : index
        %get3A_426 = tpu.vector_load %arg8[%get3A_424, %get3A_425] {strides = array<i32>} : memref<152x80xf32, #tpu.memory_space<vmem>>, vector<1x16xf32>,
        %get3A_427 = vector.shape_cast %get3A_426 : vector<1x16xf32> to vector<16xf32>
        %mul3A_428 = arith.mulf %get3A_427, %get3A_407 : vector<16xf32>
        %add3A_429 = arith.constant 1 : i32
        %add3A_430 = arith.addi %mul3A_57, %add3A_429 : i32
        %swap3A_431 = arith.index_cast %add3A_430 : i32 to index
        %swap3A_432 = arith.constant 48 : index
        %swap3A_433 = tpu.vector_load %arg8[%swap3A_431, %swap3A_432] {strides = array<i32>} : memref<152x80xf32, #tpu.memory_space<vmem>>, vector<1x16xf32>,
        %swap3A_434 = vector.shape_cast %swap3A_433 : vector<1x16xf32> to vector<16xf32>
        %swap3A_435 = vector.shape_cast %mul3A_428 : vector<16xf32> to vector<1x16xf32>
        tpu.vector_store %arg8[%swap3A_431, %swap3A_432], %swap3A_435 {strides = array<i32>} : memref<152x80xf32, #tpu.memory_space<vmem>>, vector<1x16xf32>,
        %add3A_436 = arith.constant 2 : i32
        %add3A_437 = arith.addi %mul3A_57, %add3A_436 : i32
        %get3A_438 = arith.index_cast %add3A_437 : i32 to index
        %get3A_439 = arith.constant 48 : index
        %get3A_440 = tpu.vector_load %arg8[%get3A_438, %get3A_439] {strides = array<i32>} : memref<152x80xf32, #tpu.memory_space<vmem>>, vector<1x16xf32>,
        %get3A_441 = vector.shape_cast %get3A_440 : vector<1x16xf32> to vector<16xf32>
        %mul3A_442 = arith.mulf %get3A_441, %get3A_407 : vector<16xf32>
        %add3A_443 = arith.constant 2 : i32
        %add3A_444 = arith.addi %mul3A_57, %add3A_443 : i32
        %swap3A_445 = arith.index_cast %add3A_444 : i32 to index
        %swap3A_446 = arith.constant 48 : index
        %swap3A_447 = tpu.vector_load %arg8[%swap3A_445, %swap3A_446] {strides = array<i32>} : memref<152x80xf32, #tpu.memory_space<vmem>>, vector<1x16xf32>,
        %swap3A_448 = vector.shape_cast %swap3A_447 : vector<1x16xf32> to vector<16xf32>
        %swap3A_449 = vector.shape_cast %mul3A_442 : vector<16xf32> to vector<1x16xf32>
        tpu.vector_store %arg8[%swap3A_445, %swap3A_446], %swap3A_449 {strides = array<i32>} : memref<152x80xf32, #tpu.memory_space<vmem>>, vector<1x16xf32>,
        %add3A_450 = arith.constant 3 : i32
        %add3A_451 = arith.addi %mul3A_57, %add3A_450 : i32
        %get3A_452 = arith.index_cast %add3A_451 : i32 to index
        %get3A_453 = arith.constant 48 : index
        %get3A_454 = tpu.vector_load %arg8[%get3A_452, %get3A_453] {strides = array<i32>} : memref<152x80xf32, #tpu.memory_space<vmem>>, vector<1x16xf32>,
        %get3A_455 = vector.shape_cast %get3A_454 : vector<1x16xf32> to vector<16xf32>
        %mul3A_456 = arith.mulf %get3A_455, %get3A_407 : vector<16xf32>
        %add3A_457 = arith.constant 3 : i32
        %add3A_458 = arith.addi %mul3A_57, %add3A_457 : i32
        %swap3A_459 = arith.index_cast %add3A_458 : i32 to index
        %swap3A_460 = arith.constant 48 : index
        %swap3A_461 = tpu.vector_load %arg8[%swap3A_459, %swap3A_460] {strides = array<i32>} : memref<152x80xf32, #tpu.memory_space<vmem>>, vector<1x16xf32>,
        %swap3A_462 = vector.shape_cast %swap3A_461 : vector<1x16xf32> to vector<16xf32>
        %swap3A_463 = vector.shape_cast %mul3A_456 : vector<16xf32> to vector<1x16xf32>
        tpu.vector_store %arg8[%swap3A_459, %swap3A_460], %swap3A_463 {strides = array<i32>} : memref<152x80xf32, #tpu.memory_space<vmem>>, vector<1x16xf32>,
        %add3A_464 = arith.constant 4 : i32
        %add3A_465 = arith.addi %mul3A_57, %add3A_464 : i32
        %get3A_466 = arith.index_cast %add3A_465 : i32 to index
        %get3A_467 = arith.constant 48 : index
        %get3A_468 = tpu.vector_load %arg8[%get3A_466, %get3A_467] {strides = array<i32>} : memref<152x80xf32, #tpu.memory_space<vmem>>, vector<1x16xf32>,
        %get3A_469 = vector.shape_cast %get3A_468 : vector<1x16xf32> to vector<16xf32>
        %mul3A_470 = arith.mulf %get3A_469, %get3A_407 : vector<16xf32>
        %add3A_471 = arith.constant 4 : i32
        %add3A_472 = arith.addi %mul3A_57, %add3A_471 : i32
        %swap3A_473 = arith.index_cast %add3A_472 : i32 to index
        %swap3A_474 = arith.constant 48 : index
        %swap3A_475 = tpu.vector_load %arg8[%swap3A_473, %swap3A_474] {strides = array<i32>} : memref<152x80xf32, #tpu.memory_space<vmem>>, vector<1x16xf32>,
        %swap3A_476 = vector.shape_cast %swap3A_475 : vector<1x16xf32> to vector<16xf32>
        %swap3A_477 = vector.shape_cast %mul3A_470 : vector<16xf32> to vector<1x16xf32>
        tpu.vector_store %arg8[%swap3A_473, %swap3A_474], %swap3A_477 {strides = array<i32>} : memref<152x80xf32, #tpu.memory_space<vmem>>, vector<1x16xf32>,
        %add3A_478 = arith.constant 5 : i32
        %add3A_479 = arith.addi %mul3A_57, %add3A_478 : i32
        %get3A_480 = arith.index_cast %add3A_479 : i32 to index
        %get3A_481 = arith.constant 48 : index
        %get3A_482 = tpu.vector_load %arg8[%get3A_480, %get3A_481] {strides = array<i32>} : memref<152x80xf32, #tpu.memory_space<vmem>>, vector<1x16xf32>,
        %get3A_483 = vector.shape_cast %get3A_482 : vector<1x16xf32> to vector<16xf32>
        %mul3A_484 = arith.mulf %get3A_483, %get3A_407 : vector<16xf32>
        %add3A_485 = arith.constant 5 : i32
        %add3A_486 = arith.addi %mul3A_57, %add3A_485 : i32
        %swap3A_487 = arith.index_cast %add3A_486 : i32 to index
        %swap3A_488 = arith.constant 48 : index
        %swap3A_489 = tpu.vector_load %arg8[%swap3A_487, %swap3A_488] {strides = array<i32>} : memref<152x80xf32, #tpu.memory_space<vmem>>, vector<1x16xf32>,
        %swap3A_490 = vector.shape_cast %swap3A_489 : vector<1x16xf32> to vector<16xf32>
        %swap3A_491 = vector.shape_cast %mul3A_484 : vector<16xf32> to vector<1x16xf32>
        tpu.vector_store %arg8[%swap3A_487, %swap3A_488], %swap3A_491 {strides = array<i32>} : memref<152x80xf32, #tpu.memory_space<vmem>>, vector<1x16xf32>,
        %add3A_492 = arith.constant 6 : i32
        %add3A_493 = arith.addi %mul3A_57, %add3A_492 : i32
        %get3A_494 = arith.index_cast %add3A_493 : i32 to index
        %get3A_495 = arith.constant 48 : index
        %get3A_496 = tpu.vector_load %arg8[%get3A_494, %get3A_495] {strides = array<i32>} : memref<152x80xf32, #tpu.memory_space<vmem>>, vector<1x16xf32>,
        %get3A_497 = vector.shape_cast %get3A_496 : vector<1x16xf32> to vector<16xf32>
        %mul3A_498 = arith.mulf %get3A_497, %get3A_407 : vector<16xf32>
        %add3A_499 = arith.constant 6 : i32
        %add3A_500 = arith.addi %mul3A_57, %add3A_499 : i32
        %swap3A_501 = arith.index_cast %add3A_500 : i32 to index
        %swap3A_502 = arith.constant 48 : index
        %swap3A_503 = tpu.vector_load %arg8[%swap3A_501, %swap3A_502] {strides = array<i32>} : memref<152x80xf32, #tpu.memory_space<vmem>>, vector<1x16xf32>,
        %swap3A_504 = vector.shape_cast %swap3A_503 : vector<1x16xf32> to vector<16xf32>
        %swap3A_505 = vector.shape_cast %mul3A_498 : vector<16xf32> to vector<1x16xf32>
        tpu.vector_store %arg8[%swap3A_501, %swap3A_502], %swap3A_505 {strides = array<i32>} : memref<152x80xf32, #tpu.memory_space<vmem>>, vector<1x16xf32>,
        %add3A_506 = arith.constant 7 : i32
        %add3A_507 = arith.addi %mul3A_57, %add3A_506 : i32
        %get3A_508 = arith.index_cast %add3A_507 : i32 to index
        %get3A_509 = arith.constant 48 : index
        %get3A_510 = tpu.vector_load %arg8[%get3A_508, %get3A_509] {strides = array<i32>} : memref<152x80xf32, #tpu.memory_space<vmem>>, vector<1x16xf32>,
        %get3A_511 = vector.shape_cast %get3A_510 : vector<1x16xf32> to vector<16xf32>
        %mul3A_512 = arith.mulf %get3A_511, %get3A_407 : vector<16xf32>
        %add3A_513 = arith.constant 7 : i32
        %add3A_514 = arith.addi %mul3A_57, %add3A_513 : i32
        %swap3A_515 = arith.index_cast %add3A_514 : i32 to index
        %swap3A_516 = arith.constant 48 : index
        %swap3A_517 = tpu.vector_load %arg8[%swap3A_515, %swap3A_516] {strides = array<i32>} : memref<152x80xf32, #tpu.memory_space<vmem>>, vector<1x16xf32>,
        %swap3A_518 = vector.shape_cast %swap3A_517 : vector<1x16xf32> to vector<16xf32>
        %swap3A_519 = vector.shape_cast %mul3A_512 : vector<16xf32> to vector<1x16xf32>
        tpu.vector_store %arg8[%swap3A_515, %swap3A_516], %swap3A_519 {strides = array<i32>} : memref<152x80xf32, #tpu.memory_space<vmem>>, vector<1x16xf32>,
        %get3A_520 = arith.index_cast %add3A_55 : i32 to index
        %get3A_521 = arith.constant 64 : index
        %get3A_522 = tpu.vector_load %arg9[%get3A_520, %get3A_521] {strides = array<i32>} : memref<4x80xf32, #tpu.memory_space<vmem>>, vector<1x16xf32>,
        %get3A_523 = vector.shape_cast %get3A_522 : vector<1x16xf32> to vector<16xf32>
        %add3A_524 = arith.constant 0 : i32
        %add3A_525 = arith.addi %mul3A_57, %add3A_524 : i32
        %get3A_526 = arith.index_cast %add3A_525 : i32 to index
        %get3A_527 = arith.constant 64 : index
        %get3A_528 = tpu.vector_load %arg8[%get3A_526, %get3A_527] {strides = array<i32>} : memref<152x80xf32, #tpu.memory_space<vmem>>, vector<1x16xf32>,
        %get3A_529 = vector.shape_cast %get3A_528 : vector<1x16xf32> to vector<16xf32>
        %mul3A_530 = arith.mulf %get3A_529, %get3A_523 : vector<16xf32>
        %add3A_531 = arith.constant 0 : i32
        %add3A_532 = arith.addi %mul3A_57, %add3A_531 : i32
        %swap3A_533 = arith.index_cast %add3A_532 : i32 to index
        %swap3A_534 = arith.constant 64 : index
        %swap3A_535 = tpu.vector_load %arg8[%swap3A_533, %swap3A_534] {strides = array<i32>} : memref<152x80xf32, #tpu.memory_space<vmem>>, vector<1x16xf32>,
        %swap3A_536 = vector.shape_cast %swap3A_535 : vector<1x16xf32> to vector<16xf32>
        %swap3A_537 = vector.shape_cast %mul3A_530 : vector<16xf32> to vector<1x16xf32>
        tpu.vector_store %arg8[%swap3A_533, %swap3A_534], %swap3A_537 {strides = array<i32>} : memref<152x80xf32, #tpu.memory_space<vmem>>, vector<1x16xf32>,
        %add3A_538 = arith.constant 1 : i32
        %add3A_539 = arith.addi %mul3A_57, %add3A_538 : i32
        %get3A_540 = arith.index_cast %add3A_539 : i32 to index
        %get3A_541 = arith.constant 64 : index
        %get3A_542 = tpu.vector_load %arg8[%get3A_540, %get3A_541] {strides = array<i32>} : memref<152x80xf32, #tpu.memory_space<vmem>>, vector<1x16xf32>,
        %get3A_543 = vector.shape_cast %get3A_542 : vector<1x16xf32> to vector<16xf32>
        %mul3A_544 = arith.mulf %get3A_543, %get3A_523 : vector<16xf32>
        %add3A_545 = arith.constant 1 : i32
        %add3A_546 = arith.addi %mul3A_57, %add3A_545 : i32
        %swap3A_547 = arith.index_cast %add3A_546 : i32 to index
        %swap3A_548 = arith.constant 64 : index
        %swap3A_549 = tpu.vector_load %arg8[%swap3A_547, %swap3A_548] {strides = array<i32>} : memref<152x80xf32, #tpu.memory_space<vmem>>, vector<1x16xf32>,
        %swap3A_550 = vector.shape_cast %swap3A_549 : vector<1x16xf32> to vector<16xf32>
        %swap3A_551 = vector.shape_cast %mul3A_544 : vector<16xf32> to vector<1x16xf32>
        tpu.vector_store %arg8[%swap3A_547, %swap3A_548], %swap3A_551 {strides = array<i32>} : memref<152x80xf32, #tpu.memory_space<vmem>>, vector<1x16xf32>,
        %add3A_552 = arith.constant 2 : i32
        %add3A_553 = arith.addi %mul3A_57, %add3A_552 : i32
        %get3A_554 = arith.index_cast %add3A_553 : i32 to index
        %get3A_555 = arith.constant 64 : index
        %get3A_556 = tpu.vector_load %arg8[%get3A_554, %get3A_555] {strides = array<i32>} : memref<152x80xf32, #tpu.memory_space<vmem>>, vector<1x16xf32>,
        %get3A_557 = vector.shape_cast %get3A_556 : vector<1x16xf32> to vector<16xf32>
        %mul3A_558 = arith.mulf %get3A_557, %get3A_523 : vector<16xf32>
        %add3A_559 = arith.constant 2 : i32
        %add3A_560 = arith.addi %mul3A_57, %add3A_559 : i32
        %swap3A_561 = arith.index_cast %add3A_560 : i32 to index
        %swap3A_562 = arith.constant 64 : index
        %swap3A_563 = tpu.vector_load %arg8[%swap3A_561, %swap3A_562] {strides = array<i32>} : memref<152x80xf32, #tpu.memory_space<vmem>>, vector<1x16xf32>,
        %swap3A_564 = vector.shape_cast %swap3A_563 : vector<1x16xf32> to vector<16xf32>
        %swap3A_565 = vector.shape_cast %mul3A_558 : vector<16xf32> to vector<1x16xf32>
        tpu.vector_store %arg8[%swap3A_561, %swap3A_562], %swap3A_565 {strides = array<i32>} : memref<152x80xf32, #tpu.memory_space<vmem>>, vector<1x16xf32>,
        %add3A_566 = arith.constant 3 : i32
        %add3A_567 = arith.addi %mul3A_57, %add3A_566 : i32
        %get3A_568 = arith.index_cast %add3A_567 : i32 to index
        %get3A_569 = arith.constant 64 : index
        %get3A_570 = tpu.vector_load %arg8[%get3A_568, %get3A_569] {strides = array<i32>} : memref<152x80xf32, #tpu.memory_space<vmem>>, vector<1x16xf32>,
        %get3A_571 = vector.shape_cast %get3A_570 : vector<1x16xf32> to vector<16xf32>
        %mul3A_572 = arith.mulf %get3A_571, %get3A_523 : vector<16xf32>
        %add3A_573 = arith.constant 3 : i32
        %add3A_574 = arith.addi %mul3A_57, %add3A_573 : i32
        %swap3A_575 = arith.index_cast %add3A_574 : i32 to index
        %swap3A_576 = arith.constant 64 : index
        %swap3A_577 = tpu.vector_load %arg8[%swap3A_575, %swap3A_576] {strides = array<i32>} : memref<152x80xf32, #tpu.memory_space<vmem>>, vector<1x16xf32>,
        %swap3A_578 = vector.shape_cast %swap3A_577 : vector<1x16xf32> to vector<16xf32>
        %swap3A_579 = vector.shape_cast %mul3A_572 : vector<16xf32> to vector<1x16xf32>
        tpu.vector_store %arg8[%swap3A_575, %swap3A_576], %swap3A_579 {strides = array<i32>} : memref<152x80xf32, #tpu.memory_space<vmem>>, vector<1x16xf32>,
        %add3A_580 = arith.constant 4 : i32
        %add3A_581 = arith.addi %mul3A_57, %add3A_580 : i32
        %get3A_582 = arith.index_cast %add3A_581 : i32 to index
        %get3A_583 = arith.constant 64 : index
        %get3A_584 = tpu.vector_load %arg8[%get3A_582, %get3A_583] {strides = array<i32>} : memref<152x80xf32, #tpu.memory_space<vmem>>, vector<1x16xf32>,
        %get3A_585 = vector.shape_cast %get3A_584 : vector<1x16xf32> to vector<16xf32>
        %mul3A_586 = arith.mulf %get3A_585, %get3A_523 : vector<16xf32>
        %add3A_587 = arith.constant 4 : i32
        %add3A_588 = arith.addi %mul3A_57, %add3A_587 : i32
        %swap3A_589 = arith.index_cast %add3A_588 : i32 to index
        %swap3A_590 = arith.constant 64 : index
        %swap3A_591 = tpu.vector_load %arg8[%swap3A_589, %swap3A_590] {strides = array<i32>} : memref<152x80xf32, #tpu.memory_space<vmem>>, vector<1x16xf32>,
        %swap3A_592 = vector.shape_cast %swap3A_591 : vector<1x16xf32> to vector<16xf32>
        %swap3A_593 = vector.shape_cast %mul3A_586 : vector<16xf32> to vector<1x16xf32>
        tpu.vector_store %arg8[%swap3A_589, %swap3A_590], %swap3A_593 {strides = array<i32>} : memref<152x80xf32, #tpu.memory_space<vmem>>, vector<1x16xf32>,
        %add3A_594 = arith.constant 5 : i32
        %add3A_595 = arith.addi %mul3A_57, %add3A_594 : i32
        %get3A_596 = arith.index_cast %add3A_595 : i32 to index
        %get3A_597 = arith.constant 64 : index
        %get3A_598 = tpu.vector_load %arg8[%get3A_596, %get3A_597] {strides = array<i32>} : memref<152x80xf32, #tpu.memory_space<vmem>>, vector<1x16xf32>,
        %get3A_599 = vector.shape_cast %get3A_598 : vector<1x16xf32> to vector<16xf32>
        %mul3A_600 = arith.mulf %get3A_599, %get3A_523 : vector<16xf32>
        %add3A_601 = arith.constant 5 : i32
        %add3A_602 = arith.addi %mul3A_57, %add3A_601 : i32
        %swap3A_603 = arith.index_cast %add3A_602 : i32 to index
        %swap3A_604 = arith.constant 64 : index
        %swap3A_605 = tpu.vector_load %arg8[%swap3A_603, %swap3A_604] {strides = array<i32>} : memref<152x80xf32, #tpu.memory_space<vmem>>, vector<1x16xf32>,
        %swap3A_606 = vector.shape_cast %swap3A_605 : vector<1x16xf32> to vector<16xf32>
        %swap3A_607 = vector.shape_cast %mul3A_600 : vector<16xf32> to vector<1x16xf32>
        tpu.vector_store %arg8[%swap3A_603, %swap3A_604], %swap3A_607 {strides = array<i32>} : memref<152x80xf32, #tpu.memory_space<vmem>>, vector<1x16xf32>,
        %add3A_608 = arith.constant 6 : i32
        %add3A_609 = arith.addi %mul3A_57, %add3A_608 : i32
        %get3A_610 = arith.index_cast %add3A_609 : i32 to index
        %get3A_611 = arith.constant 64 : index
        %get3A_612 = tpu.vector_load %arg8[%get3A_610, %get3A_611] {strides = array<i32>} : memref<152x80xf32, #tpu.memory_space<vmem>>, vector<1x16xf32>,
        %get3A_613 = vector.shape_cast %get3A_612 : vector<1x16xf32> to vector<16xf32>
        %mul3A_614 = arith.mulf %get3A_613, %get3A_523 : vector<16xf32>
        %add3A_615 = arith.constant 6 : i32
        %add3A_616 = arith.addi %mul3A_57, %add3A_615 : i32
        %swap3A_617 = arith.index_cast %add3A_616 : i32 to index
        %swap3A_618 = arith.constant 64 : index
        %swap3A_619 = tpu.vector_load %arg8[%swap3A_617, %swap3A_618] {strides = array<i32>} : memref<152x80xf32, #tpu.memory_space<vmem>>, vector<1x16xf32>,
        %swap3A_620 = vector.shape_cast %swap3A_619 : vector<1x16xf32> to vector<16xf32>
        %swap3A_621 = vector.shape_cast %mul3A_614 : vector<16xf32> to vector<1x16xf32>
        tpu.vector_store %arg8[%swap3A_617, %swap3A_618], %swap3A_621 {strides = array<i32>} : memref<152x80xf32, #tpu.memory_space<vmem>>, vector<1x16xf32>,
        %add3A_622 = arith.constant 7 : i32
        %add3A_623 = arith.addi %mul3A_57, %add3A_622 : i32
        %get3A_624 = arith.index_cast %add3A_623 : i32 to index
        %get3A_625 = arith.constant 64 : index
        %get3A_626 = tpu.vector_load %arg8[%get3A_624, %get3A_625] {strides = array<i32>} : memref<152x80xf32, #tpu.memory_space<vmem>>, vector<1x16xf32>,
        %get3A_627 = vector.shape_cast %get3A_626 : vector<1x16xf32> to vector<16xf32>
        %mul3A_628 = arith.mulf %get3A_627, %get3A_523 : vector<16xf32>
        %add3A_629 = arith.constant 7 : i32
        %add3A_630 = arith.addi %mul3A_57, %add3A_629 : i32
        %swap3A_631 = arith.index_cast %add3A_630 : i32 to index
        %swap3A_632 = arith.constant 64 : index
        %swap3A_633 = tpu.vector_load %arg8[%swap3A_631, %swap3A_632] {strides = array<i32>} : memref<152x80xf32, #tpu.memory_space<vmem>>, vector<1x16xf32>,
        %swap3A_634 = vector.shape_cast %swap3A_633 : vector<1x16xf32> to vector<16xf32>
        %swap3A_635 = vector.shape_cast %mul3A_628 : vector<16xf32> to vector<1x16xf32>
        tpu.vector_store %arg8[%swap3A_631, %swap3A_632], %swap3A_635 {strides = array<i32>} : memref<152x80xf32, #tpu.memory_space<vmem>>, vector<1x16xf32>,
      }
      %scan3A_25 = arith.constant 18 : i32
      "tpu.region"() ({
        %run_scoped3A = tpu.sem_alloc : memref<!tpu.dma_semaphore, #tpu.memory_space<semaphore_mem>>
        %dma_start3A = arith.constant 0 : i32
        %dma_start3A_39 = arith.constant 0 : i32
        %dma_start3A_40 = tpu.memref_slice %arg8[%dma_start3A, %dma_start3A_39] : memref<152x80xf32, #tpu.memory_space<vmem>> -> memref<144x80xf32, #tpu.memory_space<vmem>>
        %dma_start3A_41 = arith.constant 49920 : i32
        %dma_start3A_42 = tpu.memref_slice %arg4[%add3A_15, %dma_start3A_41] : memref<592x50000xf32, #tpu.memory_space<hbm>> -> memref<144x80xf32, #tpu.memory_space<hbm>>
        %dma_start3A_43 = arith.constant 49920 : i32
        %dma_start3A_44 = tpu.memref_slice %arg4[%add3A_15, %dma_start3A_43] : memref<592x50000xf32, #tpu.memory_space<hbm>> -> memref<144x80xf32, #tpu.memory_space<hbm>>
        %dma_start3A_45 = arith.constant 0 : i32
        %dma_start3A_46 = arith.constant 0 : i32
        %dma_start3A_47 = tpu.memref_slice %arg8[%dma_start3A_45, %dma_start3A_46] : memref<152x80xf32, #tpu.memory_space<vmem>> -> memref<144x80xf32, #tpu.memory_space<vmem>>
        tpu.enqueue_dma source(%dma_start3A_47 : memref<144x80xf32, #tpu.memory_space<vmem>>) target(%dma_start3A_44 : memref<144x80xf32, #tpu.memory_space<hbm>>) target_semaphore(%run_scoped3A : memref<!tpu.dma_semaphore, #tpu.memory_space<semaphore_mem>>)
        %dma_wait3A = arith.constant 0 : i32
        %dma_wait3A_48 = arith.constant 0 : i32
        %dma_wait3A_49 = tpu.memref_slice %arg8[%dma_wait3A, %dma_wait3A_48] : memref<152x80xf32, #tpu.memory_space<vmem>> -> memref<144x80xf32, #tpu.memory_space<vmem>>
        %dma_wait3A_50 = arith.constant 49920 : i32
        %dma_wait3A_51 = tpu.memref_slice %arg4[%add3A_15, %dma_wait3A_50] : memref<592x50000xf32, #tpu.memory_space<hbm>> -> memref<144x80xf32, #tpu.memory_space<hbm>>
        %dma_wait3A_52 = arith.constant 49920 : i32
        %dma_wait3A_53 = tpu.memref_slice %arg4[%add3A_15, %dma_wait3A_52] : memref<592x50000xf32, #tpu.memory_space<hbm>> -> memref<144x80xf32, #tpu.memory_space<hbm>>
        %dma_wait3A_54 = arith.constant 0 : i32
        %dma_wait3A_55 = arith.constant 0 : i32
        %dma_wait3A_56 = tpu.memref_slice %arg8[%dma_wait3A_54, %dma_wait3A_55] : memref<152x80xf32, #tpu.memory_space<vmem>> -> memref<144x80xf32, #tpu.memory_space<vmem>>
        tpu.wait_dma2 semaphore(%run_scoped3A : memref<!tpu.dma_semaphore, #tpu.memory_space<semaphore_mem>>) src(%dma_wait3A_56 : memref<144x80xf32, #tpu.memory_space<vmem>>) dst(%dma_wait3A_53 : memref<144x80xf32, #tpu.memory_space<hbm>>)
        tpu.yield
      }) : () -> ()
      %add3A_26 = arith.constant 144 : i32
      %add3A_27 = arith.addi %multiple_of3A_13, %add3A_26 : i32
      %sub3A_28 = arith.constant 30 : i32
      %sub3A_29 = arith.subi %add3A, %sub3A_28 : i32
      %mul3A_30 = arith.constant 37 : i32
      %mul3A_31 = arith.muli %sub3A_29, %mul3A_30 : i32
      %add3A_32 = arith.constant 18 : i32
      %add3A_33 = arith.addi %mul3A_31, %add3A_32 : i32
      "tpu.region"() ({
        %run_scoped3A = tpu.sem_alloc : memref<!tpu.dma_semaphore, #tpu.memory_space<semaphore_mem>>
        %dma_start3A = arith.constant 0 : i32
        %dma_start3A_39 = arith.constant 0 : i32
        %dma_start3A_40 = tpu.memref_slice %arg8[%dma_start3A, %dma_start3A_39] : memref<152x80xf32, #tpu.memory_space<vmem>> -> memref<152x80xf32, #tpu.memory_space<vmem>>
        %dma_start3A_41 = arith.constant 49920 : i32
        %dma_start3A_42 = tpu.memref_slice %arg2[%add3A_27, %dma_start3A_41] : memref<592x50000xf32, #tpu.memory_space<hbm>> -> memref<152x80xf32, #tpu.memory_space<hbm>>
        %dma_start3A_43 = arith.constant 0 : i32
        %dma_start3A_44 = arith.constant 0 : i32
        %dma_start3A_45 = tpu.memref_slice %arg8[%dma_start3A_43, %dma_start3A_44] : memref<152x80xf32, #tpu.memory_space<vmem>> -> memref<152x80xf32, #tpu.memory_space<vmem>>
        %dma_start3A_46 = arith.constant 49920 : i32
        %dma_start3A_47 = tpu.memref_slice %arg2[%add3A_27, %dma_start3A_46] : memref<592x50000xf32, #tpu.memory_space<hbm>> -> memref<152x80xf32, #tpu.memory_space<hbm>>
        tpu.enqueue_dma source(%dma_start3A_47 : memref<152x80xf32, #tpu.memory_space<hbm>>) target(%dma_start3A_45 : memref<152x80xf32, #tpu.memory_space<vmem>>) target_semaphore(%run_scoped3A : memref<!tpu.dma_semaphore, #tpu.memory_space<semaphore_mem>>)
        %dma_wait3A = arith.constant 0 : i32
        %dma_wait3A_48 = arith.constant 0 : i32
        %dma_wait3A_49 = tpu.memref_slice %arg8[%dma_wait3A, %dma_wait3A_48] : memref<152x80xf32, #tpu.memory_space<vmem>> -> memref<152x80xf32, #tpu.memory_space<vmem>>
        %dma_wait3A_50 = arith.constant 49920 : i32
        %dma_wait3A_51 = tpu.memref_slice %arg2[%add3A_27, %dma_wait3A_50] : memref<592x50000xf32, #tpu.memory_space<hbm>> -> memref<152x80xf32, #tpu.memory_space<hbm>>
        %dma_wait3A_52 = arith.constant 0 : i32
        %dma_wait3A_53 = arith.constant 0 : i32
        %dma_wait3A_54 = tpu.memref_slice %arg8[%dma_wait3A_52, %dma_wait3A_53] : memref<152x80xf32, #tpu.memory_space<vmem>> -> memref<152x80xf32, #tpu.memory_space<vmem>>
        %dma_wait3A_55 = arith.constant 49920 : i32
        %dma_wait3A_56 = tpu.memref_slice %arg2[%add3A_27, %dma_wait3A_55] : memref<592x50000xf32, #tpu.memory_space<hbm>> -> memref<152x80xf32, #tpu.memory_space<hbm>>
        tpu.wait_dma2 semaphore(%run_scoped3A : memref<!tpu.dma_semaphore, #tpu.memory_space<semaphore_mem>>) src(%dma_wait3A_56 : memref<152x80xf32, #tpu.memory_space<hbm>>) dst(%dma_wait3A_54 : memref<152x80xf32, #tpu.memory_space<vmem>>)
        tpu.yield
      }) : () -> ()
      %scan3A_34 = arith.constant 0 : i32
      %scan3A_35 = arith.constant 19 : i32
      %scan3A_36 = arith.addi %scan3A_34, %scan3A_35 : i32
      %scan3A_37 = arith.constant 1 : i32
      scf.for %scan3A_39 = %scan3A_34 to %scan3A_36 step %scan3A_37  : i32 {
        %mul3A_40 = arith.constant 1 : i32
        %mul3A_41 = arith.muli %scan3A_39, %mul3A_40 : i32
        %add3A_42 = arith.constant 0 : i32
        %add3A_43 = arith.addi %add3A_42, %mul3A_41 : i32
        %add3A_44 = arith.addi %add3A_33, %add3A_43 : i32
        %ge3A_45 = arith.constant 16 : i32
        %ge3A_46 = arith.cmpi sge, %add3A_44, %ge3A_45 : i32
        %convert_element_type3A_47 = arith.extui %ge3A_46 : i1 to i32
        %ge3A_48 = arith.constant 40 : i32
        %ge3A_49 = arith.cmpi sge, %add3A_44, %ge3A_48 : i32
        %convert_element_type3A_50 = arith.extui %ge3A_49 : i1 to i32
        %add3A_51 = arith.addi %convert_element_type3A_47, %convert_element_type3A_50 : i32
        %ge3A_52 = arith.constant 60 : i32
        %ge3A_53 = arith.cmpi sge, %add3A_44, %ge3A_52 : i32
        %convert_element_type3A_54 = arith.extui %ge3A_53 : i1 to i32
        %add3A_55 = arith.addi %add3A_51, %convert_element_type3A_54 : i32
        %mul3A_56 = arith.constant 8 : i32
        %mul3A_57 = arith.muli %add3A_43, %mul3A_56 : i32
        %get3A = arith.index_cast %add3A_55 : i32 to index
        %get3A_58 = arith.constant 0 : index
        %get3A_59 = tpu.vector_load %arg9[%get3A, %get3A_58] {strides = array<i32>} : memref<4x80xf32, #tpu.memory_space<vmem>>, vector<1x16xf32>,
        %get3A_60 = vector.shape_cast %get3A_59 : vector<1x16xf32> to vector<16xf32>
        %add3A_61 = arith.constant 0 : i32
        %add3A_62 = arith.addi %mul3A_57, %add3A_61 : i32
        %get3A_63 = arith.index_cast %add3A_62 : i32 to index
        %get3A_64 = arith.constant 0 : index
        %get3A_65 = tpu.vector_load %arg8[%get3A_63, %get3A_64] {strides = array<i32>} : memref<152x80xf32, #tpu.memory_space<vmem>>, vector<1x16xf32>,
        %get3A_66 = vector.shape_cast %get3A_65 : vector<1x16xf32> to vector<16xf32>
        %mul3A_67 = arith.mulf %get3A_66, %get3A_60 : vector<16xf32>
        %add3A_68 = arith.constant 0 : i32
        %add3A_69 = arith.addi %mul3A_57, %add3A_68 : i32
        %swap3A = arith.index_cast %add3A_69 : i32 to index
        %swap3A_70 = arith.constant 0 : index
        %swap3A_71 = tpu.vector_load %arg8[%swap3A, %swap3A_70] {strides = array<i32>} : memref<152x80xf32, #tpu.memory_space<vmem>>, vector<1x16xf32>,
        %swap3A_72 = vector.shape_cast %swap3A_71 : vector<1x16xf32> to vector<16xf32>
        %swap3A_73 = vector.shape_cast %mul3A_67 : vector<16xf32> to vector<1x16xf32>
        tpu.vector_store %arg8[%swap3A, %swap3A_70], %swap3A_73 {strides = array<i32>} : memref<152x80xf32, #tpu.memory_space<vmem>>, vector<1x16xf32>,
        %add3A_74 = arith.constant 1 : i32
        %add3A_75 = arith.addi %mul3A_57, %add3A_74 : i32
        %get3A_76 = arith.index_cast %add3A_75 : i32 to index
        %get3A_77 = arith.constant 0 : index
        %get3A_78 = tpu.vector_load %arg8[%get3A_76, %get3A_77] {strides = array<i32>} : memref<152x80xf32, #tpu.memory_space<vmem>>, vector<1x16xf32>,
        %get3A_79 = vector.shape_cast %get3A_78 : vector<1x16xf32> to vector<16xf32>
        %mul3A_80 = arith.mulf %get3A_79, %get3A_60 : vector<16xf32>
        %add3A_81 = arith.constant 1 : i32
        %add3A_82 = arith.addi %mul3A_57, %add3A_81 : i32
        %swap3A_83 = arith.index_cast %add3A_82 : i32 to index
        %swap3A_84 = arith.constant 0 : index
        %swap3A_85 = tpu.vector_load %arg8[%swap3A_83, %swap3A_84] {strides = array<i32>} : memref<152x80xf32, #tpu.memory_space<vmem>>, vector<1x16xf32>,
        %swap3A_86 = vector.shape_cast %swap3A_85 : vector<1x16xf32> to vector<16xf32>
        %swap3A_87 = vector.shape_cast %mul3A_80 : vector<16xf32> to vector<1x16xf32>
        tpu.vector_store %arg8[%swap3A_83, %swap3A_84], %swap3A_87 {strides = array<i32>} : memref<152x80xf32, #tpu.memory_space<vmem>>, vector<1x16xf32>,
        %add3A_88 = arith.constant 2 : i32
        %add3A_89 = arith.addi %mul3A_57, %add3A_88 : i32
        %get3A_90 = arith.index_cast %add3A_89 : i32 to index
        %get3A_91 = arith.constant 0 : index
        %get3A_92 = tpu.vector_load %arg8[%get3A_90, %get3A_91] {strides = array<i32>} : memref<152x80xf32, #tpu.memory_space<vmem>>, vector<1x16xf32>,
        %get3A_93 = vector.shape_cast %get3A_92 : vector<1x16xf32> to vector<16xf32>
        %mul3A_94 = arith.mulf %get3A_93, %get3A_60 : vector<16xf32>
        %add3A_95 = arith.constant 2 : i32
        %add3A_96 = arith.addi %mul3A_57, %add3A_95 : i32
        %swap3A_97 = arith.index_cast %add3A_96 : i32 to index
        %swap3A_98 = arith.constant 0 : index
        %swap3A_99 = tpu.vector_load %arg8[%swap3A_97, %swap3A_98] {strides = array<i32>} : memref<152x80xf32, #tpu.memory_space<vmem>>, vector<1x16xf32>,
        %swap3A_100 = vector.shape_cast %swap3A_99 : vector<1x16xf32> to vector<16xf32>
        %swap3A_101 = vector.shape_cast %mul3A_94 : vector<16xf32> to vector<1x16xf32>
        tpu.vector_store %arg8[%swap3A_97, %swap3A_98], %swap3A_101 {strides = array<i32>} : memref<152x80xf32, #tpu.memory_space<vmem>>, vector<1x16xf32>,
        %add3A_102 = arith.constant 3 : i32
        %add3A_103 = arith.addi %mul3A_57, %add3A_102 : i32
        %get3A_104 = arith.index_cast %add3A_103 : i32 to index
        %get3A_105 = arith.constant 0 : index
        %get3A_106 = tpu.vector_load %arg8[%get3A_104, %get3A_105] {strides = array<i32>} : memref<152x80xf32, #tpu.memory_space<vmem>>, vector<1x16xf32>,
        %get3A_107 = vector.shape_cast %get3A_106 : vector<1x16xf32> to vector<16xf32>
        %mul3A_108 = arith.mulf %get3A_107, %get3A_60 : vector<16xf32>
        %add3A_109 = arith.constant 3 : i32
        %add3A_110 = arith.addi %mul3A_57, %add3A_109 : i32
        %swap3A_111 = arith.index_cast %add3A_110 : i32 to index
        %swap3A_112 = arith.constant 0 : index
        %swap3A_113 = tpu.vector_load %arg8[%swap3A_111, %swap3A_112] {strides = array<i32>} : memref<152x80xf32, #tpu.memory_space<vmem>>, vector<1x16xf32>,
        %swap3A_114 = vector.shape_cast %swap3A_113 : vector<1x16xf32> to vector<16xf32>
        %swap3A_115 = vector.shape_cast %mul3A_108 : vector<16xf32> to vector<1x16xf32>
        tpu.vector_store %arg8[%swap3A_111, %swap3A_112], %swap3A_115 {strides = array<i32>} : memref<152x80xf32, #tpu.memory_space<vmem>>, vector<1x16xf32>,
        %add3A_116 = arith.constant 4 : i32
        %add3A_117 = arith.addi %mul3A_57, %add3A_116 : i32
        %get3A_118 = arith.index_cast %add3A_117 : i32 to index
        %get3A_119 = arith.constant 0 : index
        %get3A_120 = tpu.vector_load %arg8[%get3A_118, %get3A_119] {strides = array<i32>} : memref<152x80xf32, #tpu.memory_space<vmem>>, vector<1x16xf32>,
        %get3A_121 = vector.shape_cast %get3A_120 : vector<1x16xf32> to vector<16xf32>
        %mul3A_122 = arith.mulf %get3A_121, %get3A_60 : vector<16xf32>
        %add3A_123 = arith.constant 4 : i32
        %add3A_124 = arith.addi %mul3A_57, %add3A_123 : i32
        %swap3A_125 = arith.index_cast %add3A_124 : i32 to index
        %swap3A_126 = arith.constant 0 : index
        %swap3A_127 = tpu.vector_load %arg8[%swap3A_125, %swap3A_126] {strides = array<i32>} : memref<152x80xf32, #tpu.memory_space<vmem>>, vector<1x16xf32>,
        %swap3A_128 = vector.shape_cast %swap3A_127 : vector<1x16xf32> to vector<16xf32>
        %swap3A_129 = vector.shape_cast %mul3A_122 : vector<16xf32> to vector<1x16xf32>
        tpu.vector_store %arg8[%swap3A_125, %swap3A_126], %swap3A_129 {strides = array<i32>} : memref<152x80xf32, #tpu.memory_space<vmem>>, vector<1x16xf32>,
        %add3A_130 = arith.constant 5 : i32
        %add3A_131 = arith.addi %mul3A_57, %add3A_130 : i32
        %get3A_132 = arith.index_cast %add3A_131 : i32 to index
        %get3A_133 = arith.constant 0 : index
        %get3A_134 = tpu.vector_load %arg8[%get3A_132, %get3A_133] {strides = array<i32>} : memref<152x80xf32, #tpu.memory_space<vmem>>, vector<1x16xf32>,
        %get3A_135 = vector.shape_cast %get3A_134 : vector<1x16xf32> to vector<16xf32>
        %mul3A_136 = arith.mulf %get3A_135, %get3A_60 : vector<16xf32>
        %add3A_137 = arith.constant 5 : i32
        %add3A_138 = arith.addi %mul3A_57, %add3A_137 : i32
        %swap3A_139 = arith.index_cast %add3A_138 : i32 to index
        %swap3A_140 = arith.constant 0 : index
        %swap3A_141 = tpu.vector_load %arg8[%swap3A_139, %swap3A_140] {strides = array<i32>} : memref<152x80xf32, #tpu.memory_space<vmem>>, vector<1x16xf32>,
        %swap3A_142 = vector.shape_cast %swap3A_141 : vector<1x16xf32> to vector<16xf32>
        %swap3A_143 = vector.shape_cast %mul3A_136 : vector<16xf32> to vector<1x16xf32>
        tpu.vector_store %arg8[%swap3A_139, %swap3A_140], %swap3A_143 {strides = array<i32>} : memref<152x80xf32, #tpu.memory_space<vmem>>, vector<1x16xf32>,
        %add3A_144 = arith.constant 6 : i32
        %add3A_145 = arith.addi %mul3A_57, %add3A_144 : i32
        %get3A_146 = arith.index_cast %add3A_145 : i32 to index
        %get3A_147 = arith.constant 0 : index
        %get3A_148 = tpu.vector_load %arg8[%get3A_146, %get3A_147] {strides = array<i32>} : memref<152x80xf32, #tpu.memory_space<vmem>>, vector<1x16xf32>,
        %get3A_149 = vector.shape_cast %get3A_148 : vector<1x16xf32> to vector<16xf32>
        %mul3A_150 = arith.mulf %get3A_149, %get3A_60 : vector<16xf32>
        %add3A_151 = arith.constant 6 : i32
        %add3A_152 = arith.addi %mul3A_57, %add3A_151 : i32
        %swap3A_153 = arith.index_cast %add3A_152 : i32 to index
        %swap3A_154 = arith.constant 0 : index
        %swap3A_155 = tpu.vector_load %arg8[%swap3A_153, %swap3A_154] {strides = array<i32>} : memref<152x80xf32, #tpu.memory_space<vmem>>, vector<1x16xf32>,
        %swap3A_156 = vector.shape_cast %swap3A_155 : vector<1x16xf32> to vector<16xf32>
        %swap3A_157 = vector.shape_cast %mul3A_150 : vector<16xf32> to vector<1x16xf32>
        tpu.vector_store %arg8[%swap3A_153, %swap3A_154], %swap3A_157 {strides = array<i32>} : memref<152x80xf32, #tpu.memory_space<vmem>>, vector<1x16xf32>,
        %add3A_158 = arith.constant 7 : i32
        %add3A_159 = arith.addi %mul3A_57, %add3A_158 : i32
        %get3A_160 = arith.index_cast %add3A_159 : i32 to index
        %get3A_161 = arith.constant 0 : index
        %get3A_162 = tpu.vector_load %arg8[%get3A_160, %get3A_161] {strides = array<i32>} : memref<152x80xf32, #tpu.memory_space<vmem>>, vector<1x16xf32>,
        %get3A_163 = vector.shape_cast %get3A_162 : vector<1x16xf32> to vector<16xf32>
        %mul3A_164 = arith.mulf %get3A_163, %get3A_60 : vector<16xf32>
        %add3A_165 = arith.constant 7 : i32
        %add3A_166 = arith.addi %mul3A_57, %add3A_165 : i32
        %swap3A_167 = arith.index_cast %add3A_166 : i32 to index
        %swap3A_168 = arith.constant 0 : index
        %swap3A_169 = tpu.vector_load %arg8[%swap3A_167, %swap3A_168] {strides = array<i32>} : memref<152x80xf32, #tpu.memory_space<vmem>>, vector<1x16xf32>,
        %swap3A_170 = vector.shape_cast %swap3A_169 : vector<1x16xf32> to vector<16xf32>
        %swap3A_171 = vector.shape_cast %mul3A_164 : vector<16xf32> to vector<1x16xf32>
        tpu.vector_store %arg8[%swap3A_167, %swap3A_168], %swap3A_171 {strides = array<i32>} : memref<152x80xf32, #tpu.memory_space<vmem>>, vector<1x16xf32>,
        %get3A_172 = arith.index_cast %add3A_55 : i32 to index
        %get3A_173 = arith.constant 16 : index
        %get3A_174 = tpu.vector_load %arg9[%get3A_172, %get3A_173] {strides = array<i32>} : memref<4x80xf32, #tpu.memory_space<vmem>>, vector<1x16xf32>,
        %get3A_175 = vector.shape_cast %get3A_174 : vector<1x16xf32> to vector<16xf32>
        %add3A_176 = arith.constant 0 : i32
        %add3A_177 = arith.addi %mul3A_57, %add3A_176 : i32
        %get3A_178 = arith.index_cast %add3A_177 : i32 to index
        %get3A_179 = arith.constant 16 : index
        %get3A_180 = tpu.vector_load %arg8[%get3A_178, %get3A_179] {strides = array<i32>} : memref<152x80xf32, #tpu.memory_space<vmem>>, vector<1x16xf32>,
        %get3A_181 = vector.shape_cast %get3A_180 : vector<1x16xf32> to vector<16xf32>
        %mul3A_182 = arith.mulf %get3A_181, %get3A_175 : vector<16xf32>
        %add3A_183 = arith.constant 0 : i32
        %add3A_184 = arith.addi %mul3A_57, %add3A_183 : i32
        %swap3A_185 = arith.index_cast %add3A_184 : i32 to index
        %swap3A_186 = arith.constant 16 : index
        %swap3A_187 = tpu.vector_load %arg8[%swap3A_185, %swap3A_186] {strides = array<i32>} : memref<152x80xf32, #tpu.memory_space<vmem>>, vector<1x16xf32>,
        %swap3A_188 = vector.shape_cast %swap3A_187 : vector<1x16xf32> to vector<16xf32>
        %swap3A_189 = vector.shape_cast %mul3A_182 : vector<16xf32> to vector<1x16xf32>
        tpu.vector_store %arg8[%swap3A_185, %swap3A_186], %swap3A_189 {strides = array<i32>} : memref<152x80xf32, #tpu.memory_space<vmem>>, vector<1x16xf32>,
        %add3A_190 = arith.constant 1 : i32
        %add3A_191 = arith.addi %mul3A_57, %add3A_190 : i32
        %get3A_192 = arith.index_cast %add3A_191 : i32 to index
        %get3A_193 = arith.constant 16 : index
        %get3A_194 = tpu.vector_load %arg8[%get3A_192, %get3A_193] {strides = array<i32>} : memref<152x80xf32, #tpu.memory_space<vmem>>, vector<1x16xf32>,
        %get3A_195 = vector.shape_cast %get3A_194 : vector<1x16xf32> to vector<16xf32>
        %mul3A_196 = arith.mulf %get3A_195, %get3A_175 : vector<16xf32>
        %add3A_197 = arith.constant 1 : i32
        %add3A_198 = arith.addi %mul3A_57, %add3A_197 : i32
        %swap3A_199 = arith.index_cast %add3A_198 : i32 to index
        %swap3A_200 = arith.constant 16 : index
        %swap3A_201 = tpu.vector_load %arg8[%swap3A_199, %swap3A_200] {strides = array<i32>} : memref<152x80xf32, #tpu.memory_space<vmem>>, vector<1x16xf32>,
        %swap3A_202 = vector.shape_cast %swap3A_201 : vector<1x16xf32> to vector<16xf32>
        %swap3A_203 = vector.shape_cast %mul3A_196 : vector<16xf32> to vector<1x16xf32>
        tpu.vector_store %arg8[%swap3A_199, %swap3A_200], %swap3A_203 {strides = array<i32>} : memref<152x80xf32, #tpu.memory_space<vmem>>, vector<1x16xf32>,
        %add3A_204 = arith.constant 2 : i32
        %add3A_205 = arith.addi %mul3A_57, %add3A_204 : i32
        %get3A_206 = arith.index_cast %add3A_205 : i32 to index
        %get3A_207 = arith.constant 16 : index
        %get3A_208 = tpu.vector_load %arg8[%get3A_206, %get3A_207] {strides = array<i32>} : memref<152x80xf32, #tpu.memory_space<vmem>>, vector<1x16xf32>,
        %get3A_209 = vector.shape_cast %get3A_208 : vector<1x16xf32> to vector<16xf32>
        %mul3A_210 = arith.mulf %get3A_209, %get3A_175 : vector<16xf32>
        %add3A_211 = arith.constant 2 : i32
        %add3A_212 = arith.addi %mul3A_57, %add3A_211 : i32
        %swap3A_213 = arith.index_cast %add3A_212 : i32 to index
        %swap3A_214 = arith.constant 16 : index
        %swap3A_215 = tpu.vector_load %arg8[%swap3A_213, %swap3A_214] {strides = array<i32>} : memref<152x80xf32, #tpu.memory_space<vmem>>, vector<1x16xf32>,
        %swap3A_216 = vector.shape_cast %swap3A_215 : vector<1x16xf32> to vector<16xf32>
        %swap3A_217 = vector.shape_cast %mul3A_210 : vector<16xf32> to vector<1x16xf32>
        tpu.vector_store %arg8[%swap3A_213, %swap3A_214], %swap3A_217 {strides = array<i32>} : memref<152x80xf32, #tpu.memory_space<vmem>>, vector<1x16xf32>,
        %add3A_218 = arith.constant 3 : i32
        %add3A_219 = arith.addi %mul3A_57, %add3A_218 : i32
        %get3A_220 = arith.index_cast %add3A_219 : i32 to index
        %get3A_221 = arith.constant 16 : index
        %get3A_222 = tpu.vector_load %arg8[%get3A_220, %get3A_221] {strides = array<i32>} : memref<152x80xf32, #tpu.memory_space<vmem>>, vector<1x16xf32>,
        %get3A_223 = vector.shape_cast %get3A_222 : vector<1x16xf32> to vector<16xf32>
        %mul3A_224 = arith.mulf %get3A_223, %get3A_175 : vector<16xf32>
        %add3A_225 = arith.constant 3 : i32
        %add3A_226 = arith.addi %mul3A_57, %add3A_225 : i32
        %swap3A_227 = arith.index_cast %add3A_226 : i32 to index
        %swap3A_228 = arith.constant 16 : index
        %swap3A_229 = tpu.vector_load %arg8[%swap3A_227, %swap3A_228] {strides = array<i32>} : memref<152x80xf32, #tpu.memory_space<vmem>>, vector<1x16xf32>,
        %swap3A_230 = vector.shape_cast %swap3A_229 : vector<1x16xf32> to vector<16xf32>
        %swap3A_231 = vector.shape_cast %mul3A_224 : vector<16xf32> to vector<1x16xf32>
        tpu.vector_store %arg8[%swap3A_227, %swap3A_228], %swap3A_231 {strides = array<i32>} : memref<152x80xf32, #tpu.memory_space<vmem>>, vector<1x16xf32>,
        %add3A_232 = arith.constant 4 : i32
        %add3A_233 = arith.addi %mul3A_57, %add3A_232 : i32
        %get3A_234 = arith.index_cast %add3A_233 : i32 to index
        %get3A_235 = arith.constant 16 : index
        %get3A_236 = tpu.vector_load %arg8[%get3A_234, %get3A_235] {strides = array<i32>} : memref<152x80xf32, #tpu.memory_space<vmem>>, vector<1x16xf32>,
        %get3A_237 = vector.shape_cast %get3A_236 : vector<1x16xf32> to vector<16xf32>
        %mul3A_238 = arith.mulf %get3A_237, %get3A_175 : vector<16xf32>
        %add3A_239 = arith.constant 4 : i32
        %add3A_240 = arith.addi %mul3A_57, %add3A_239 : i32
        %swap3A_241 = arith.index_cast %add3A_240 : i32 to index
        %swap3A_242 = arith.constant 16 : index
        %swap3A_243 = tpu.vector_load %arg8[%swap3A_241, %swap3A_242] {strides = array<i32>} : memref<152x80xf32, #tpu.memory_space<vmem>>, vector<1x16xf32>,
        %swap3A_244 = vector.shape_cast %swap3A_243 : vector<1x16xf32> to vector<16xf32>
        %swap3A_245 = vector.shape_cast %mul3A_238 : vector<16xf32> to vector<1x16xf32>
        tpu.vector_store %arg8[%swap3A_241, %swap3A_242], %swap3A_245 {strides = array<i32>} : memref<152x80xf32, #tpu.memory_space<vmem>>, vector<1x16xf32>,
        %add3A_246 = arith.constant 5 : i32
        %add3A_247 = arith.addi %mul3A_57, %add3A_246 : i32
        %get3A_248 = arith.index_cast %add3A_247 : i32 to index
        %get3A_249 = arith.constant 16 : index
        %get3A_250 = tpu.vector_load %arg8[%get3A_248, %get3A_249] {strides = array<i32>} : memref<152x80xf32, #tpu.memory_space<vmem>>, vector<1x16xf32>,
        %get3A_251 = vector.shape_cast %get3A_250 : vector<1x16xf32> to vector<16xf32>
        %mul3A_252 = arith.mulf %get3A_251, %get3A_175 : vector<16xf32>
        %add3A_253 = arith.constant 5 : i32
        %add3A_254 = arith.addi %mul3A_57, %add3A_253 : i32
        %swap3A_255 = arith.index_cast %add3A_254 : i32 to index
        %swap3A_256 = arith.constant 16 : index
        %swap3A_257 = tpu.vector_load %arg8[%swap3A_255, %swap3A_256] {strides = array<i32>} : memref<152x80xf32, #tpu.memory_space<vmem>>, vector<1x16xf32>,
        %swap3A_258 = vector.shape_cast %swap3A_257 : vector<1x16xf32> to vector<16xf32>
        %swap3A_259 = vector.shape_cast %mul3A_252 : vector<16xf32> to vector<1x16xf32>
        tpu.vector_store %arg8[%swap3A_255, %swap3A_256], %swap3A_259 {strides = array<i32>} : memref<152x80xf32, #tpu.memory_space<vmem>>, vector<1x16xf32>,
        %add3A_260 = arith.constant 6 : i32
        %add3A_261 = arith.addi %mul3A_57, %add3A_260 : i32
        %get3A_262 = arith.index_cast %add3A_261 : i32 to index
        %get3A_263 = arith.constant 16 : index
        %get3A_264 = tpu.vector_load %arg8[%get3A_262, %get3A_263] {strides = array<i32>} : memref<152x80xf32, #tpu.memory_space<vmem>>, vector<1x16xf32>,
        %get3A_265 = vector.shape_cast %get3A_264 : vector<1x16xf32> to vector<16xf32>
        %mul3A_266 = arith.mulf %get3A_265, %get3A_175 : vector<16xf32>
        %add3A_267 = arith.constant 6 : i32
        %add3A_268 = arith.addi %mul3A_57, %add3A_267 : i32
        %swap3A_269 = arith.index_cast %add3A_268 : i32 to index
        %swap3A_270 = arith.constant 16 : index
        %swap3A_271 = tpu.vector_load %arg8[%swap3A_269, %swap3A_270] {strides = array<i32>} : memref<152x80xf32, #tpu.memory_space<vmem>>, vector<1x16xf32>,
        %swap3A_272 = vector.shape_cast %swap3A_271 : vector<1x16xf32> to vector<16xf32>
        %swap3A_273 = vector.shape_cast %mul3A_266 : vector<16xf32> to vector<1x16xf32>
        tpu.vector_store %arg8[%swap3A_269, %swap3A_270], %swap3A_273 {strides = array<i32>} : memref<152x80xf32, #tpu.memory_space<vmem>>, vector<1x16xf32>,
        %add3A_274 = arith.constant 7 : i32
        %add3A_275 = arith.addi %mul3A_57, %add3A_274 : i32
        %get3A_276 = arith.index_cast %add3A_275 : i32 to index
        %get3A_277 = arith.constant 16 : index
        %get3A_278 = tpu.vector_load %arg8[%get3A_276, %get3A_277] {strides = array<i32>} : memref<152x80xf32, #tpu.memory_space<vmem>>, vector<1x16xf32>,
        %get3A_279 = vector.shape_cast %get3A_278 : vector<1x16xf32> to vector<16xf32>
        %mul3A_280 = arith.mulf %get3A_279, %get3A_175 : vector<16xf32>
        %add3A_281 = arith.constant 7 : i32
        %add3A_282 = arith.addi %mul3A_57, %add3A_281 : i32
        %swap3A_283 = arith.index_cast %add3A_282 : i32 to index
        %swap3A_284 = arith.constant 16 : index
        %swap3A_285 = tpu.vector_load %arg8[%swap3A_283, %swap3A_284] {strides = array<i32>} : memref<152x80xf32, #tpu.memory_space<vmem>>, vector<1x16xf32>,
        %swap3A_286 = vector.shape_cast %swap3A_285 : vector<1x16xf32> to vector<16xf32>
        %swap3A_287 = vector.shape_cast %mul3A_280 : vector<16xf32> to vector<1x16xf32>
        tpu.vector_store %arg8[%swap3A_283, %swap3A_284], %swap3A_287 {strides = array<i32>} : memref<152x80xf32, #tpu.memory_space<vmem>>, vector<1x16xf32>,
        %get3A_288 = arith.index_cast %add3A_55 : i32 to index
        %get3A_289 = arith.constant 32 : index
        %get3A_290 = tpu.vector_load %arg9[%get3A_288, %get3A_289] {strides = array<i32>} : memref<4x80xf32, #tpu.memory_space<vmem>>, vector<1x16xf32>,
        %get3A_291 = vector.shape_cast %get3A_290 : vector<1x16xf32> to vector<16xf32>
        %add3A_292 = arith.constant 0 : i32
        %add3A_293 = arith.addi %mul3A_57, %add3A_292 : i32
        %get3A_294 = arith.index_cast %add3A_293 : i32 to index
        %get3A_295 = arith.constant 32 : index
        %get3A_296 = tpu.vector_load %arg8[%get3A_294, %get3A_295] {strides = array<i32>} : memref<152x80xf32, #tpu.memory_space<vmem>>, vector<1x16xf32>,
        %get3A_297 = vector.shape_cast %get3A_296 : vector<1x16xf32> to vector<16xf32>
        %mul3A_298 = arith.mulf %get3A_297, %get3A_291 : vector<16xf32>
        %add3A_299 = arith.constant 0 : i32
        %add3A_300 = arith.addi %mul3A_57, %add3A_299 : i32
        %swap3A_301 = arith.index_cast %add3A_300 : i32 to index
        %swap3A_302 = arith.constant 32 : index
        %swap3A_303 = tpu.vector_load %arg8[%swap3A_301, %swap3A_302] {strides = array<i32>} : memref<152x80xf32, #tpu.memory_space<vmem>>, vector<1x16xf32>,
        %swap3A_304 = vector.shape_cast %swap3A_303 : vector<1x16xf32> to vector<16xf32>
        %swap3A_305 = vector.shape_cast %mul3A_298 : vector<16xf32> to vector<1x16xf32>
        tpu.vector_store %arg8[%swap3A_301, %swap3A_302], %swap3A_305 {strides = array<i32>} : memref<152x80xf32, #tpu.memory_space<vmem>>, vector<1x16xf32>,
        %add3A_306 = arith.constant 1 : i32
        %add3A_307 = arith.addi %mul3A_57, %add3A_306 : i32
        %get3A_308 = arith.index_cast %add3A_307 : i32 to index
        %get3A_309 = arith.constant 32 : index
        %get3A_310 = tpu.vector_load %arg8[%get3A_308, %get3A_309] {strides = array<i32>} : memref<152x80xf32, #tpu.memory_space<vmem>>, vector<1x16xf32>,
        %get3A_311 = vector.shape_cast %get3A_310 : vector<1x16xf32> to vector<16xf32>
        %mul3A_312 = arith.mulf %get3A_311, %get3A_291 : vector<16xf32>
        %add3A_313 = arith.constant 1 : i32
        %add3A_314 = arith.addi %mul3A_57, %add3A_313 : i32
        %swap3A_315 = arith.index_cast %add3A_314 : i32 to index
        %swap3A_316 = arith.constant 32 : index
        %swap3A_317 = tpu.vector_load %arg8[%swap3A_315, %swap3A_316] {strides = array<i32>} : memref<152x80xf32, #tpu.memory_space<vmem>>, vector<1x16xf32>,
        %swap3A_318 = vector.shape_cast %swap3A_317 : vector<1x16xf32> to vector<16xf32>
        %swap3A_319 = vector.shape_cast %mul3A_312 : vector<16xf32> to vector<1x16xf32>
        tpu.vector_store %arg8[%swap3A_315, %swap3A_316], %swap3A_319 {strides = array<i32>} : memref<152x80xf32, #tpu.memory_space<vmem>>, vector<1x16xf32>,
        %add3A_320 = arith.constant 2 : i32
        %add3A_321 = arith.addi %mul3A_57, %add3A_320 : i32
        %get3A_322 = arith.index_cast %add3A_321 : i32 to index
        %get3A_323 = arith.constant 32 : index
        %get3A_324 = tpu.vector_load %arg8[%get3A_322, %get3A_323] {strides = array<i32>} : memref<152x80xf32, #tpu.memory_space<vmem>>, vector<1x16xf32>,
        %get3A_325 = vector.shape_cast %get3A_324 : vector<1x16xf32> to vector<16xf32>
        %mul3A_326 = arith.mulf %get3A_325, %get3A_291 : vector<16xf32>
        %add3A_327 = arith.constant 2 : i32
        %add3A_328 = arith.addi %mul3A_57, %add3A_327 : i32
        %swap3A_329 = arith.index_cast %add3A_328 : i32 to index
        %swap3A_330 = arith.constant 32 : index
        %swap3A_331 = tpu.vector_load %arg8[%swap3A_329, %swap3A_330] {strides = array<i32>} : memref<152x80xf32, #tpu.memory_space<vmem>>, vector<1x16xf32>,
        %swap3A_332 = vector.shape_cast %swap3A_331 : vector<1x16xf32> to vector<16xf32>
        %swap3A_333 = vector.shape_cast %mul3A_326 : vector<16xf32> to vector<1x16xf32>
        tpu.vector_store %arg8[%swap3A_329, %swap3A_330], %swap3A_333 {strides = array<i32>} : memref<152x80xf32, #tpu.memory_space<vmem>>, vector<1x16xf32>,
        %add3A_334 = arith.constant 3 : i32
        %add3A_335 = arith.addi %mul3A_57, %add3A_334 : i32
        %get3A_336 = arith.index_cast %add3A_335 : i32 to index
        %get3A_337 = arith.constant 32 : index
        %get3A_338 = tpu.vector_load %arg8[%get3A_336, %get3A_337] {strides = array<i32>} : memref<152x80xf32, #tpu.memory_space<vmem>>, vector<1x16xf32>,
        %get3A_339 = vector.shape_cast %get3A_338 : vector<1x16xf32> to vector<16xf32>
        %mul3A_340 = arith.mulf %get3A_339, %get3A_291 : vector<16xf32>
        %add3A_341 = arith.constant 3 : i32
        %add3A_342 = arith.addi %mul3A_57, %add3A_341 : i32
        %swap3A_343 = arith.index_cast %add3A_342 : i32 to index
        %swap3A_344 = arith.constant 32 : index
        %swap3A_345 = tpu.vector_load %arg8[%swap3A_343, %swap3A_344] {strides = array<i32>} : memref<152x80xf32, #tpu.memory_space<vmem>>, vector<1x16xf32>,
        %swap3A_346 = vector.shape_cast %swap3A_345 : vector<1x16xf32> to vector<16xf32>
        %swap3A_347 = vector.shape_cast %mul3A_340 : vector<16xf32> to vector<1x16xf32>
        tpu.vector_store %arg8[%swap3A_343, %swap3A_344], %swap3A_347 {strides = array<i32>} : memref<152x80xf32, #tpu.memory_space<vmem>>, vector<1x16xf32>,
        %add3A_348 = arith.constant 4 : i32
        %add3A_349 = arith.addi %mul3A_57, %add3A_348 : i32
        %get3A_350 = arith.index_cast %add3A_349 : i32 to index
        %get3A_351 = arith.constant 32 : index
        %get3A_352 = tpu.vector_load %arg8[%get3A_350, %get3A_351] {strides = array<i32>} : memref<152x80xf32, #tpu.memory_space<vmem>>, vector<1x16xf32>,
        %get3A_353 = vector.shape_cast %get3A_352 : vector<1x16xf32> to vector<16xf32>
        %mul3A_354 = arith.mulf %get3A_353, %get3A_291 : vector<16xf32>
        %add3A_355 = arith.constant 4 : i32
        %add3A_356 = arith.addi %mul3A_57, %add3A_355 : i32
        %swap3A_357 = arith.index_cast %add3A_356 : i32 to index
        %swap3A_358 = arith.constant 32 : index
        %swap3A_359 = tpu.vector_load %arg8[%swap3A_357, %swap3A_358] {strides = array<i32>} : memref<152x80xf32, #tpu.memory_space<vmem>>, vector<1x16xf32>,
        %swap3A_360 = vector.shape_cast %swap3A_359 : vector<1x16xf32> to vector<16xf32>
        %swap3A_361 = vector.shape_cast %mul3A_354 : vector<16xf32> to vector<1x16xf32>
        tpu.vector_store %arg8[%swap3A_357, %swap3A_358], %swap3A_361 {strides = array<i32>} : memref<152x80xf32, #tpu.memory_space<vmem>>, vector<1x16xf32>,
        %add3A_362 = arith.constant 5 : i32
        %add3A_363 = arith.addi %mul3A_57, %add3A_362 : i32
        %get3A_364 = arith.index_cast %add3A_363 : i32 to index
        %get3A_365 = arith.constant 32 : index
        %get3A_366 = tpu.vector_load %arg8[%get3A_364, %get3A_365] {strides = array<i32>} : memref<152x80xf32, #tpu.memory_space<vmem>>, vector<1x16xf32>,
        %get3A_367 = vector.shape_cast %get3A_366 : vector<1x16xf32> to vector<16xf32>
        %mul3A_368 = arith.mulf %get3A_367, %get3A_291 : vector<16xf32>
        %add3A_369 = arith.constant 5 : i32
        %add3A_370 = arith.addi %mul3A_57, %add3A_369 : i32
        %swap3A_371 = arith.index_cast %add3A_370 : i32 to index
        %swap3A_372 = arith.constant 32 : index
        %swap3A_373 = tpu.vector_load %arg8[%swap3A_371, %swap3A_372] {strides = array<i32>} : memref<152x80xf32, #tpu.memory_space<vmem>>, vector<1x16xf32>,
        %swap3A_374 = vector.shape_cast %swap3A_373 : vector<1x16xf32> to vector<16xf32>
        %swap3A_375 = vector.shape_cast %mul3A_368 : vector<16xf32> to vector<1x16xf32>
        tpu.vector_store %arg8[%swap3A_371, %swap3A_372], %swap3A_375 {strides = array<i32>} : memref<152x80xf32, #tpu.memory_space<vmem>>, vector<1x16xf32>,
        %add3A_376 = arith.constant 6 : i32
        %add3A_377 = arith.addi %mul3A_57, %add3A_376 : i32
        %get3A_378 = arith.index_cast %add3A_377 : i32 to index
        %get3A_379 = arith.constant 32 : index
        %get3A_380 = tpu.vector_load %arg8[%get3A_378, %get3A_379] {strides = array<i32>} : memref<152x80xf32, #tpu.memory_space<vmem>>, vector<1x16xf32>,
        %get3A_381 = vector.shape_cast %get3A_380 : vector<1x16xf32> to vector<16xf32>
        %mul3A_382 = arith.mulf %get3A_381, %get3A_291 : vector<16xf32>
        %add3A_383 = arith.constant 6 : i32
        %add3A_384 = arith.addi %mul3A_57, %add3A_383 : i32
        %swap3A_385 = arith.index_cast %add3A_384 : i32 to index
        %swap3A_386 = arith.constant 32 : index
        %swap3A_387 = tpu.vector_load %arg8[%swap3A_385, %swap3A_386] {strides = array<i32>} : memref<152x80xf32, #tpu.memory_space<vmem>>, vector<1x16xf32>,
        %swap3A_388 = vector.shape_cast %swap3A_387 : vector<1x16xf32> to vector<16xf32>
        %swap3A_389 = vector.shape_cast %mul3A_382 : vector<16xf32> to vector<1x16xf32>
        tpu.vector_store %arg8[%swap3A_385, %swap3A_386], %swap3A_389 {strides = array<i32>} : memref<152x80xf32, #tpu.memory_space<vmem>>, vector<1x16xf32>,
        %add3A_390 = arith.constant 7 : i32
        %add3A_391 = arith.addi %mul3A_57, %add3A_390 : i32
        %get3A_392 = arith.index_cast %add3A_391 : i32 to index
        %get3A_393 = arith.constant 32 : index
        %get3A_394 = tpu.vector_load %arg8[%get3A_392, %get3A_393] {strides = array<i32>} : memref<152x80xf32, #tpu.memory_space<vmem>>, vector<1x16xf32>,
        %get3A_395 = vector.shape_cast %get3A_394 : vector<1x16xf32> to vector<16xf32>
        %mul3A_396 = arith.mulf %get3A_395, %get3A_291 : vector<16xf32>
        %add3A_397 = arith.constant 7 : i32
        %add3A_398 = arith.addi %mul3A_57, %add3A_397 : i32
        %swap3A_399 = arith.index_cast %add3A_398 : i32 to index
        %swap3A_400 = arith.constant 32 : index
        %swap3A_401 = tpu.vector_load %arg8[%swap3A_399, %swap3A_400] {strides = array<i32>} : memref<152x80xf32, #tpu.memory_space<vmem>>, vector<1x16xf32>,
        %swap3A_402 = vector.shape_cast %swap3A_401 : vector<1x16xf32> to vector<16xf32>
        %swap3A_403 = vector.shape_cast %mul3A_396 : vector<16xf32> to vector<1x16xf32>
        tpu.vector_store %arg8[%swap3A_399, %swap3A_400], %swap3A_403 {strides = array<i32>} : memref<152x80xf32, #tpu.memory_space<vmem>>, vector<1x16xf32>,
        %get3A_404 = arith.index_cast %add3A_55 : i32 to index
        %get3A_405 = arith.constant 48 : index
        %get3A_406 = tpu.vector_load %arg9[%get3A_404, %get3A_405] {strides = array<i32>} : memref<4x80xf32, #tpu.memory_space<vmem>>, vector<1x16xf32>,
        %get3A_407 = vector.shape_cast %get3A_406 : vector<1x16xf32> to vector<16xf32>
        %add3A_408 = arith.constant 0 : i32
        %add3A_409 = arith.addi %mul3A_57, %add3A_408 : i32
        %get3A_410 = arith.index_cast %add3A_409 : i32 to index
        %get3A_411 = arith.constant 48 : index
        %get3A_412 = tpu.vector_load %arg8[%get3A_410, %get3A_411] {strides = array<i32>} : memref<152x80xf32, #tpu.memory_space<vmem>>, vector<1x16xf32>,
        %get3A_413 = vector.shape_cast %get3A_412 : vector<1x16xf32> to vector<16xf32>
        %mul3A_414 = arith.mulf %get3A_413, %get3A_407 : vector<16xf32>
        %add3A_415 = arith.constant 0 : i32
        %add3A_416 = arith.addi %mul3A_57, %add3A_415 : i32
        %swap3A_417 = arith.index_cast %add3A_416 : i32 to index
        %swap3A_418 = arith.constant 48 : index
        %swap3A_419 = tpu.vector_load %arg8[%swap3A_417, %swap3A_418] {strides = array<i32>} : memref<152x80xf32, #tpu.memory_space<vmem>>, vector<1x16xf32>,
        %swap3A_420 = vector.shape_cast %swap3A_419 : vector<1x16xf32> to vector<16xf32>
        %swap3A_421 = vector.shape_cast %mul3A_414 : vector<16xf32> to vector<1x16xf32>
        tpu.vector_store %arg8[%swap3A_417, %swap3A_418], %swap3A_421 {strides = array<i32>} : memref<152x80xf32, #tpu.memory_space<vmem>>, vector<1x16xf32>,
        %add3A_422 = arith.constant 1 : i32
        %add3A_423 = arith.addi %mul3A_57, %add3A_422 : i32
        %get3A_424 = arith.index_cast %add3A_423 : i32 to index
        %get3A_425 = arith.constant 48 : index
        %get3A_426 = tpu.vector_load %arg8[%get3A_424, %get3A_425] {strides = array<i32>} : memref<152x80xf32, #tpu.memory_space<vmem>>, vector<1x16xf32>,
        %get3A_427 = vector.shape_cast %get3A_426 : vector<1x16xf32> to vector<16xf32>
        %mul3A_428 = arith.mulf %get3A_427, %get3A_407 : vector<16xf32>
        %add3A_429 = arith.constant 1 : i32
        %add3A_430 = arith.addi %mul3A_57, %add3A_429 : i32
        %swap3A_431 = arith.index_cast %add3A_430 : i32 to index
        %swap3A_432 = arith.constant 48 : index
        %swap3A_433 = tpu.vector_load %arg8[%swap3A_431, %swap3A_432] {strides = array<i32>} : memref<152x80xf32, #tpu.memory_space<vmem>>, vector<1x16xf32>,
        %swap3A_434 = vector.shape_cast %swap3A_433 : vector<1x16xf32> to vector<16xf32>
        %swap3A_435 = vector.shape_cast %mul3A_428 : vector<16xf32> to vector<1x16xf32>
        tpu.vector_store %arg8[%swap3A_431, %swap3A_432], %swap3A_435 {strides = array<i32>} : memref<152x80xf32, #tpu.memory_space<vmem>>, vector<1x16xf32>,
        %add3A_436 = arith.constant 2 : i32
        %add3A_437 = arith.addi %mul3A_57, %add3A_436 : i32
        %get3A_438 = arith.index_cast %add3A_437 : i32 to index
        %get3A_439 = arith.constant 48 : index
        %get3A_440 = tpu.vector_load %arg8[%get3A_438, %get3A_439] {strides = array<i32>} : memref<152x80xf32, #tpu.memory_space<vmem>>, vector<1x16xf32>,
        %get3A_441 = vector.shape_cast %get3A_440 : vector<1x16xf32> to vector<16xf32>
        %mul3A_442 = arith.mulf %get3A_441, %get3A_407 : vector<16xf32>
        %add3A_443 = arith.constant 2 : i32
        %add3A_444 = arith.addi %mul3A_57, %add3A_443 : i32
        %swap3A_445 = arith.index_cast %add3A_444 : i32 to index
        %swap3A_446 = arith.constant 48 : index
        %swap3A_447 = tpu.vector_load %arg8[%swap3A_445, %swap3A_446] {strides = array<i32>} : memref<152x80xf32, #tpu.memory_space<vmem>>, vector<1x16xf32>,
        %swap3A_448 = vector.shape_cast %swap3A_447 : vector<1x16xf32> to vector<16xf32>
        %swap3A_449 = vector.shape_cast %mul3A_442 : vector<16xf32> to vector<1x16xf32>
        tpu.vector_store %arg8[%swap3A_445, %swap3A_446], %swap3A_449 {strides = array<i32>} : memref<152x80xf32, #tpu.memory_space<vmem>>, vector<1x16xf32>,
        %add3A_450 = arith.constant 3 : i32
        %add3A_451 = arith.addi %mul3A_57, %add3A_450 : i32
        %get3A_452 = arith.index_cast %add3A_451 : i32 to index
        %get3A_453 = arith.constant 48 : index
        %get3A_454 = tpu.vector_load %arg8[%get3A_452, %get3A_453] {strides = array<i32>} : memref<152x80xf32, #tpu.memory_space<vmem>>, vector<1x16xf32>,
        %get3A_455 = vector.shape_cast %get3A_454 : vector<1x16xf32> to vector<16xf32>
        %mul3A_456 = arith.mulf %get3A_455, %get3A_407 : vector<16xf32>
        %add3A_457 = arith.constant 3 : i32
        %add3A_458 = arith.addi %mul3A_57, %add3A_457 : i32
        %swap3A_459 = arith.index_cast %add3A_458 : i32 to index
        %swap3A_460 = arith.constant 48 : index
        %swap3A_461 = tpu.vector_load %arg8[%swap3A_459, %swap3A_460] {strides = array<i32>} : memref<152x80xf32, #tpu.memory_space<vmem>>, vector<1x16xf32>,
        %swap3A_462 = vector.shape_cast %swap3A_461 : vector<1x16xf32> to vector<16xf32>
        %swap3A_463 = vector.shape_cast %mul3A_456 : vector<16xf32> to vector<1x16xf32>
        tpu.vector_store %arg8[%swap3A_459, %swap3A_460], %swap3A_463 {strides = array<i32>} : memref<152x80xf32, #tpu.memory_space<vmem>>, vector<1x16xf32>,
        %add3A_464 = arith.constant 4 : i32
        %add3A_465 = arith.addi %mul3A_57, %add3A_464 : i32
        %get3A_466 = arith.index_cast %add3A_465 : i32 to index
        %get3A_467 = arith.constant 48 : index
        %get3A_468 = tpu.vector_load %arg8[%get3A_466, %get3A_467] {strides = array<i32>} : memref<152x80xf32, #tpu.memory_space<vmem>>, vector<1x16xf32>,
        %get3A_469 = vector.shape_cast %get3A_468 : vector<1x16xf32> to vector<16xf32>
        %mul3A_470 = arith.mulf %get3A_469, %get3A_407 : vector<16xf32>
        %add3A_471 = arith.constant 4 : i32
        %add3A_472 = arith.addi %mul3A_57, %add3A_471 : i32
        %swap3A_473 = arith.index_cast %add3A_472 : i32 to index
        %swap3A_474 = arith.constant 48 : index
        %swap3A_475 = tpu.vector_load %arg8[%swap3A_473, %swap3A_474] {strides = array<i32>} : memref<152x80xf32, #tpu.memory_space<vmem>>, vector<1x16xf32>,
        %swap3A_476 = vector.shape_cast %swap3A_475 : vector<1x16xf32> to vector<16xf32>
        %swap3A_477 = vector.shape_cast %mul3A_470 : vector<16xf32> to vector<1x16xf32>
        tpu.vector_store %arg8[%swap3A_473, %swap3A_474], %swap3A_477 {strides = array<i32>} : memref<152x80xf32, #tpu.memory_space<vmem>>, vector<1x16xf32>,
        %add3A_478 = arith.constant 5 : i32
        %add3A_479 = arith.addi %mul3A_57, %add3A_478 : i32
        %get3A_480 = arith.index_cast %add3A_479 : i32 to index
        %get3A_481 = arith.constant 48 : index
        %get3A_482 = tpu.vector_load %arg8[%get3A_480, %get3A_481] {strides = array<i32>} : memref<152x80xf32, #tpu.memory_space<vmem>>, vector<1x16xf32>,
        %get3A_483 = vector.shape_cast %get3A_482 : vector<1x16xf32> to vector<16xf32>
        %mul3A_484 = arith.mulf %get3A_483, %get3A_407 : vector<16xf32>
        %add3A_485 = arith.constant 5 : i32
        %add3A_486 = arith.addi %mul3A_57, %add3A_485 : i32
        %swap3A_487 = arith.index_cast %add3A_486 : i32 to index
        %swap3A_488 = arith.constant 48 : index
        %swap3A_489 = tpu.vector_load %arg8[%swap3A_487, %swap3A_488] {strides = array<i32>} : memref<152x80xf32, #tpu.memory_space<vmem>>, vector<1x16xf32>,
        %swap3A_490 = vector.shape_cast %swap3A_489 : vector<1x16xf32> to vector<16xf32>
        %swap3A_491 = vector.shape_cast %mul3A_484 : vector<16xf32> to vector<1x16xf32>
        tpu.vector_store %arg8[%swap3A_487, %swap3A_488], %swap3A_491 {strides = array<i32>} : memref<152x80xf32, #tpu.memory_space<vmem>>, vector<1x16xf32>,
        %add3A_492 = arith.constant 6 : i32
        %add3A_493 = arith.addi %mul3A_57, %add3A_492 : i32
        %get3A_494 = arith.index_cast %add3A_493 : i32 to index
        %get3A_495 = arith.constant 48 : index
        %get3A_496 = tpu.vector_load %arg8[%get3A_494, %get3A_495] {strides = array<i32>} : memref<152x80xf32, #tpu.memory_space<vmem>>, vector<1x16xf32>,
        %get3A_497 = vector.shape_cast %get3A_496 : vector<1x16xf32> to vector<16xf32>
        %mul3A_498 = arith.mulf %get3A_497, %get3A_407 : vector<16xf32>
        %add3A_499 = arith.constant 6 : i32
        %add3A_500 = arith.addi %mul3A_57, %add3A_499 : i32
        %swap3A_501 = arith.index_cast %add3A_500 : i32 to index
        %swap3A_502 = arith.constant 48 : index
        %swap3A_503 = tpu.vector_load %arg8[%swap3A_501, %swap3A_502] {strides = array<i32>} : memref<152x80xf32, #tpu.memory_space<vmem>>, vector<1x16xf32>,
        %swap3A_504 = vector.shape_cast %swap3A_503 : vector<1x16xf32> to vector<16xf32>
        %swap3A_505 = vector.shape_cast %mul3A_498 : vector<16xf32> to vector<1x16xf32>
        tpu.vector_store %arg8[%swap3A_501, %swap3A_502], %swap3A_505 {strides = array<i32>} : memref<152x80xf32, #tpu.memory_space<vmem>>, vector<1x16xf32>,
        %add3A_506 = arith.constant 7 : i32
        %add3A_507 = arith.addi %mul3A_57, %add3A_506 : i32
        %get3A_508 = arith.index_cast %add3A_507 : i32 to index
        %get3A_509 = arith.constant 48 : index
        %get3A_510 = tpu.vector_load %arg8[%get3A_508, %get3A_509] {strides = array<i32>} : memref<152x80xf32, #tpu.memory_space<vmem>>, vector<1x16xf32>,
        %get3A_511 = vector.shape_cast %get3A_510 : vector<1x16xf32> to vector<16xf32>
        %mul3A_512 = arith.mulf %get3A_511, %get3A_407 : vector<16xf32>
        %add3A_513 = arith.constant 7 : i32
        %add3A_514 = arith.addi %mul3A_57, %add3A_513 : i32
        %swap3A_515 = arith.index_cast %add3A_514 : i32 to index
        %swap3A_516 = arith.constant 48 : index
        %swap3A_517 = tpu.vector_load %arg8[%swap3A_515, %swap3A_516] {strides = array<i32>} : memref<152x80xf32, #tpu.memory_space<vmem>>, vector<1x16xf32>,
        %swap3A_518 = vector.shape_cast %swap3A_517 : vector<1x16xf32> to vector<16xf32>
        %swap3A_519 = vector.shape_cast %mul3A_512 : vector<16xf32> to vector<1x16xf32>
        tpu.vector_store %arg8[%swap3A_515, %swap3A_516], %swap3A_519 {strides = array<i32>} : memref<152x80xf32, #tpu.memory_space<vmem>>, vector<1x16xf32>,
        %get3A_520 = arith.index_cast %add3A_55 : i32 to index
        %get3A_521 = arith.constant 64 : index
        %get3A_522 = tpu.vector_load %arg9[%get3A_520, %get3A_521] {strides = array<i32>} : memref<4x80xf32, #tpu.memory_space<vmem>>, vector<1x16xf32>,
        %get3A_523 = vector.shape_cast %get3A_522 : vector<1x16xf32> to vector<16xf32>
        %add3A_524 = arith.constant 0 : i32
        %add3A_525 = arith.addi %mul3A_57, %add3A_524 : i32
        %get3A_526 = arith.index_cast %add3A_525 : i32 to index
        %get3A_527 = arith.constant 64 : index
        %get3A_528 = tpu.vector_load %arg8[%get3A_526, %get3A_527] {strides = array<i32>} : memref<152x80xf32, #tpu.memory_space<vmem>>, vector<1x16xf32>,
        %get3A_529 = vector.shape_cast %get3A_528 : vector<1x16xf32> to vector<16xf32>
        %mul3A_530 = arith.mulf %get3A_529, %get3A_523 : vector<16xf32>
        %add3A_531 = arith.constant 0 : i32
        %add3A_532 = arith.addi %mul3A_57, %add3A_531 : i32
        %swap3A_533 = arith.index_cast %add3A_532 : i32 to index
        %swap3A_534 = arith.constant 64 : index
        %swap3A_535 = tpu.vector_load %arg8[%swap3A_533, %swap3A_534] {strides = array<i32>} : memref<152x80xf32, #tpu.memory_space<vmem>>, vector<1x16xf32>,
        %swap3A_536 = vector.shape_cast %swap3A_535 : vector<1x16xf32> to vector<16xf32>
        %swap3A_537 = vector.shape_cast %mul3A_530 : vector<16xf32> to vector<1x16xf32>
        tpu.vector_store %arg8[%swap3A_533, %swap3A_534], %swap3A_537 {strides = array<i32>} : memref<152x80xf32, #tpu.memory_space<vmem>>, vector<1x16xf32>,
        %add3A_538 = arith.constant 1 : i32
        %add3A_539 = arith.addi %mul3A_57, %add3A_538 : i32
        %get3A_540 = arith.index_cast %add3A_539 : i32 to index
        %get3A_541 = arith.constant 64 : index
        %get3A_542 = tpu.vector_load %arg8[%get3A_540, %get3A_541] {strides = array<i32>} : memref<152x80xf32, #tpu.memory_space<vmem>>, vector<1x16xf32>,
        %get3A_543 = vector.shape_cast %get3A_542 : vector<1x16xf32> to vector<16xf32>
        %mul3A_544 = arith.mulf %get3A_543, %get3A_523 : vector<16xf32>
        %add3A_545 = arith.constant 1 : i32
        %add3A_546 = arith.addi %mul3A_57, %add3A_545 : i32
        %swap3A_547 = arith.index_cast %add3A_546 : i32 to index
        %swap3A_548 = arith.constant 64 : index
        %swap3A_549 = tpu.vector_load %arg8[%swap3A_547, %swap3A_548] {strides = array<i32>} : memref<152x80xf32, #tpu.memory_space<vmem>>, vector<1x16xf32>,
        %swap3A_550 = vector.shape_cast %swap3A_549 : vector<1x16xf32> to vector<16xf32>
        %swap3A_551 = vector.shape_cast %mul3A_544 : vector<16xf32> to vector<1x16xf32>
        tpu.vector_store %arg8[%swap3A_547, %swap3A_548], %swap3A_551 {strides = array<i32>} : memref<152x80xf32, #tpu.memory_space<vmem>>, vector<1x16xf32>,
        %add3A_552 = arith.constant 2 : i32
        %add3A_553 = arith.addi %mul3A_57, %add3A_552 : i32
        %get3A_554 = arith.index_cast %add3A_553 : i32 to index
        %get3A_555 = arith.constant 64 : index
        %get3A_556 = tpu.vector_load %arg8[%get3A_554, %get3A_555] {strides = array<i32>} : memref<152x80xf32, #tpu.memory_space<vmem>>, vector<1x16xf32>,
        %get3A_557 = vector.shape_cast %get3A_556 : vector<1x16xf32> to vector<16xf32>
        %mul3A_558 = arith.mulf %get3A_557, %get3A_523 : vector<16xf32>
        %add3A_559 = arith.constant 2 : i32
        %add3A_560 = arith.addi %mul3A_57, %add3A_559 : i32
        %swap3A_561 = arith.index_cast %add3A_560 : i32 to index
        %swap3A_562 = arith.constant 64 : index
        %swap3A_563 = tpu.vector_load %arg8[%swap3A_561, %swap3A_562] {strides = array<i32>} : memref<152x80xf32, #tpu.memory_space<vmem>>, vector<1x16xf32>,
        %swap3A_564 = vector.shape_cast %swap3A_563 : vector<1x16xf32> to vector<16xf32>
        %swap3A_565 = vector.shape_cast %mul3A_558 : vector<16xf32> to vector<1x16xf32>
        tpu.vector_store %arg8[%swap3A_561, %swap3A_562], %swap3A_565 {strides = array<i32>} : memref<152x80xf32, #tpu.memory_space<vmem>>, vector<1x16xf32>,
        %add3A_566 = arith.constant 3 : i32
        %add3A_567 = arith.addi %mul3A_57, %add3A_566 : i32
        %get3A_568 = arith.index_cast %add3A_567 : i32 to index
        %get3A_569 = arith.constant 64 : index
        %get3A_570 = tpu.vector_load %arg8[%get3A_568, %get3A_569] {strides = array<i32>} : memref<152x80xf32, #tpu.memory_space<vmem>>, vector<1x16xf32>,
        %get3A_571 = vector.shape_cast %get3A_570 : vector<1x16xf32> to vector<16xf32>
        %mul3A_572 = arith.mulf %get3A_571, %get3A_523 : vector<16xf32>
        %add3A_573 = arith.constant 3 : i32
        %add3A_574 = arith.addi %mul3A_57, %add3A_573 : i32
        %swap3A_575 = arith.index_cast %add3A_574 : i32 to index
        %swap3A_576 = arith.constant 64 : index
        %swap3A_577 = tpu.vector_load %arg8[%swap3A_575, %swap3A_576] {strides = array<i32>} : memref<152x80xf32, #tpu.memory_space<vmem>>, vector<1x16xf32>,
        %swap3A_578 = vector.shape_cast %swap3A_577 : vector<1x16xf32> to vector<16xf32>
        %swap3A_579 = vector.shape_cast %mul3A_572 : vector<16xf32> to vector<1x16xf32>
        tpu.vector_store %arg8[%swap3A_575, %swap3A_576], %swap3A_579 {strides = array<i32>} : memref<152x80xf32, #tpu.memory_space<vmem>>, vector<1x16xf32>,
        %add3A_580 = arith.constant 4 : i32
        %add3A_581 = arith.addi %mul3A_57, %add3A_580 : i32
        %get3A_582 = arith.index_cast %add3A_581 : i32 to index
        %get3A_583 = arith.constant 64 : index
        %get3A_584 = tpu.vector_load %arg8[%get3A_582, %get3A_583] {strides = array<i32>} : memref<152x80xf32, #tpu.memory_space<vmem>>, vector<1x16xf32>,
        %get3A_585 = vector.shape_cast %get3A_584 : vector<1x16xf32> to vector<16xf32>
        %mul3A_586 = arith.mulf %get3A_585, %get3A_523 : vector<16xf32>
        %add3A_587 = arith.constant 4 : i32
        %add3A_588 = arith.addi %mul3A_57, %add3A_587 : i32
        %swap3A_589 = arith.index_cast %add3A_588 : i32 to index
        %swap3A_590 = arith.constant 64 : index
        %swap3A_591 = tpu.vector_load %arg8[%swap3A_589, %swap3A_590] {strides = array<i32>} : memref<152x80xf32, #tpu.memory_space<vmem>>, vector<1x16xf32>,
        %swap3A_592 = vector.shape_cast %swap3A_591 : vector<1x16xf32> to vector<16xf32>
        %swap3A_593 = vector.shape_cast %mul3A_586 : vector<16xf32> to vector<1x16xf32>
        tpu.vector_store %arg8[%swap3A_589, %swap3A_590], %swap3A_593 {strides = array<i32>} : memref<152x80xf32, #tpu.memory_space<vmem>>, vector<1x16xf32>,
        %add3A_594 = arith.constant 5 : i32
        %add3A_595 = arith.addi %mul3A_57, %add3A_594 : i32
        %get3A_596 = arith.index_cast %add3A_595 : i32 to index
        %get3A_597 = arith.constant 64 : index
        %get3A_598 = tpu.vector_load %arg8[%get3A_596, %get3A_597] {strides = array<i32>} : memref<152x80xf32, #tpu.memory_space<vmem>>, vector<1x16xf32>,
        %get3A_599 = vector.shape_cast %get3A_598 : vector<1x16xf32> to vector<16xf32>
        %mul3A_600 = arith.mulf %get3A_599, %get3A_523 : vector<16xf32>
        %add3A_601 = arith.constant 5 : i32
        %add3A_602 = arith.addi %mul3A_57, %add3A_601 : i32
        %swap3A_603 = arith.index_cast %add3A_602 : i32 to index
        %swap3A_604 = arith.constant 64 : index
        %swap3A_605 = tpu.vector_load %arg8[%swap3A_603, %swap3A_604] {strides = array<i32>} : memref<152x80xf32, #tpu.memory_space<vmem>>, vector<1x16xf32>,
        %swap3A_606 = vector.shape_cast %swap3A_605 : vector<1x16xf32> to vector<16xf32>
        %swap3A_607 = vector.shape_cast %mul3A_600 : vector<16xf32> to vector<1x16xf32>
        tpu.vector_store %arg8[%swap3A_603, %swap3A_604], %swap3A_607 {strides = array<i32>} : memref<152x80xf32, #tpu.memory_space<vmem>>, vector<1x16xf32>,
        %add3A_608 = arith.constant 6 : i32
        %add3A_609 = arith.addi %mul3A_57, %add3A_608 : i32
        %get3A_610 = arith.index_cast %add3A_609 : i32 to index
        %get3A_611 = arith.constant 64 : index
        %get3A_612 = tpu.vector_load %arg8[%get3A_610, %get3A_611] {strides = array<i32>} : memref<152x80xf32, #tpu.memory_space<vmem>>, vector<1x16xf32>,
        %get3A_613 = vector.shape_cast %get3A_612 : vector<1x16xf32> to vector<16xf32>
        %mul3A_614 = arith.mulf %get3A_613, %get3A_523 : vector<16xf32>
        %add3A_615 = arith.constant 6 : i32
        %add3A_616 = arith.addi %mul3A_57, %add3A_615 : i32
        %swap3A_617 = arith.index_cast %add3A_616 : i32 to index
        %swap3A_618 = arith.constant 64 : index
        %swap3A_619 = tpu.vector_load %arg8[%swap3A_617, %swap3A_618] {strides = array<i32>} : memref<152x80xf32, #tpu.memory_space<vmem>>, vector<1x16xf32>,
        %swap3A_620 = vector.shape_cast %swap3A_619 : vector<1x16xf32> to vector<16xf32>
        %swap3A_621 = vector.shape_cast %mul3A_614 : vector<16xf32> to vector<1x16xf32>
        tpu.vector_store %arg8[%swap3A_617, %swap3A_618], %swap3A_621 {strides = array<i32>} : memref<152x80xf32, #tpu.memory_space<vmem>>, vector<1x16xf32>,
        %add3A_622 = arith.constant 7 : i32
        %add3A_623 = arith.addi %mul3A_57, %add3A_622 : i32
        %get3A_624 = arith.index_cast %add3A_623 : i32 to index
        %get3A_625 = arith.constant 64 : index
        %get3A_626 = tpu.vector_load %arg8[%get3A_624, %get3A_625] {strides = array<i32>} : memref<152x80xf32, #tpu.memory_space<vmem>>, vector<1x16xf32>,
        %get3A_627 = vector.shape_cast %get3A_626 : vector<1x16xf32> to vector<16xf32>
        %mul3A_628 = arith.mulf %get3A_627, %get3A_523 : vector<16xf32>
        %add3A_629 = arith.constant 7 : i32
        %add3A_630 = arith.addi %mul3A_57, %add3A_629 : i32
        %swap3A_631 = arith.index_cast %add3A_630 : i32 to index
        %swap3A_632 = arith.constant 64 : index
        %swap3A_633 = tpu.vector_load %arg8[%swap3A_631, %swap3A_632] {strides = array<i32>} : memref<152x80xf32, #tpu.memory_space<vmem>>, vector<1x16xf32>,
        %swap3A_634 = vector.shape_cast %swap3A_633 : vector<1x16xf32> to vector<16xf32>
        %swap3A_635 = vector.shape_cast %mul3A_628 : vector<16xf32> to vector<1x16xf32>
        tpu.vector_store %arg8[%swap3A_631, %swap3A_632], %swap3A_635 {strides = array<i32>} : memref<152x80xf32, #tpu.memory_space<vmem>>, vector<1x16xf32>,
      }
      %scan3A_38 = arith.constant 19 : i32
      "tpu.region"() ({
        %run_scoped3A = tpu.sem_alloc : memref<!tpu.dma_semaphore, #tpu.memory_space<semaphore_mem>>
        %dma_start3A = arith.constant 0 : i32
        %dma_start3A_39 = arith.constant 0 : i32
        %dma_start3A_40 = tpu.memref_slice %arg8[%dma_start3A, %dma_start3A_39] : memref<152x80xf32, #tpu.memory_space<vmem>> -> memref<152x80xf32, #tpu.memory_space<vmem>>
        %dma_start3A_41 = arith.constant 49920 : i32
        %dma_start3A_42 = tpu.memref_slice %arg4[%add3A_27, %dma_start3A_41] : memref<592x50000xf32, #tpu.memory_space<hbm>> -> memref<152x80xf32, #tpu.memory_space<hbm>>
        %dma_start3A_43 = arith.constant 49920 : i32
        %dma_start3A_44 = tpu.memref_slice %arg4[%add3A_27, %dma_start3A_43] : memref<592x50000xf32, #tpu.memory_space<hbm>> -> memref<152x80xf32, #tpu.memory_space<hbm>>
        %dma_start3A_45 = arith.constant 0 : i32
        %dma_start3A_46 = arith.constant 0 : i32
        %dma_start3A_47 = tpu.memref_slice %arg8[%dma_start3A_45, %dma_start3A_46] : memref<152x80xf32, #tpu.memory_space<vmem>> -> memref<152x80xf32, #tpu.memory_space<vmem>>
        tpu.enqueue_dma source(%dma_start3A_47 : memref<152x80xf32, #tpu.memory_space<vmem>>) target(%dma_start3A_44 : memref<152x80xf32, #tpu.memory_space<hbm>>) target_semaphore(%run_scoped3A : memref<!tpu.dma_semaphore, #tpu.memory_space<semaphore_mem>>)
        %dma_wait3A = arith.constant 0 : i32
        %dma_wait3A_48 = arith.constant 0 : i32
        %dma_wait3A_49 = tpu.memref_slice %arg8[%dma_wait3A, %dma_wait3A_48] : memref<152x80xf32, #tpu.memory_space<vmem>> -> memref<152x80xf32, #tpu.memory_space<vmem>>
        %dma_wait3A_50 = arith.constant 49920 : i32
        %dma_wait3A_51 = tpu.memref_slice %arg4[%add3A_27, %dma_wait3A_50] : memref<592x50000xf32, #tpu.memory_space<hbm>> -> memref<152x80xf32, #tpu.memory_space<hbm>>
        %dma_wait3A_52 = arith.constant 49920 : i32
        %dma_wait3A_53 = tpu.memref_slice %arg4[%add3A_27, %dma_wait3A_52] : memref<592x50000xf32, #tpu.memory_space<hbm>> -> memref<152x80xf32, #tpu.memory_space<hbm>>
        %dma_wait3A_54 = arith.constant 0 : i32
        %dma_wait3A_55 = arith.constant 0 : i32
        %dma_wait3A_56 = tpu.memref_slice %arg8[%dma_wait3A_54, %dma_wait3A_55] : memref<152x80xf32, #tpu.memory_space<vmem>> -> memref<152x80xf32, #tpu.memory_space<vmem>>
        tpu.wait_dma2 semaphore(%run_scoped3A : memref<!tpu.dma_semaphore, #tpu.memory_space<semaphore_mem>>) src(%dma_wait3A_56 : memref<152x80xf32, #tpu.memory_space<vmem>>) dst(%dma_wait3A_53 : memref<152x80xf32, #tpu.memory_space<hbm>>)
        tpu.yield
      }) : () -> ()
    } else {
    }
    return
  }
}

</mosaic_0001>

<sc_bundles>
// kernel: kernel.3.cloned.1.call-start
scs
__scs_entry_jumppad:
0x0: {  	(pc) =	sbr.rel $0x88, $3  }
0x1: {  	(tag) =	ssettag $0x0;
	lr =	simm.s32 $0x1  }
0x2: {  	[smem:$0x3F9F] =	sst lr;
	_ =	strace $0xD0000000  }
0x3: {  	_ = 	snop  }
0x4: {  	_ = 	snop  }
0x5: {  	_ = 	snop  }
0x6: {  	_ = 	snop  }
0x7: {  	_ = 	snop  }
__scs_overlays_trampoline_lowered:
0x8: {  	[smem:$0x3FAE] =	sst s0  }
0x9: {  	[smem:$0x3FAF] =	sst s1  }
0xa: {  	[smem:$0x3FB0] =	sst s2  }
0xb: {  	[smem:$0x3FB1] =	sst s3  }
0xc: {  	[smem:$0x3FB2] =	sst s4  }
0xd: {  	[smem:$0x3FB3] =	sst s5  }
0xe: {  	[smem:$0x3FB4] =	sst s6  }
0xf: {  	[smem:$0x3FB5] =	sst s7  }
0x10: {  	[smem:$0x3FB6] =	sst s8  }
0x11: {  	[smem:$0x3FB7] =	sst s9;
	s0 =	simm.s32 @!p0 $0x0  }
0x12: {  	s1 =	sld [smem:$0x3F9D];
	s0 =	simm.s32 @p0 $0x1  }
0x13: {  	[smem:$0x3FB8] =	sst s0;
	s0 =	simm.s32 @!p1 $0x0  }
0x14: {  	s2 =	sld [smem:$0x3F9C];
	s0 =	simm.s32 @p1 $0x1  }
0x15: {  	[smem:$0x3FB9] =	sst s0;
	s0 =	simm.s32 @!p2 $0x0  }
0x16: {  	s3 =	sld [smem:$0x3FDB];
	s0 =	simm.s32 @p2 $0x1  }
0x17: {  	s4 =	simm.s32 $0x1BF5;
	[smem:$0x3FBB] =	sst s0  }
0x18: {  	s0 =	sld [smem:$0x3F9E];
	_ =	swait.ge [sflag:s4], $0x0  }
0x19: {  	s7 =	sld [smem:$0x3F9F]  }
0x1a: {  	s8 =	sadd.s32 $0xFFFFE003, lr  }
0x1b: {  	s9 =	sadd.s32 $0xFFFFFEF7, lr;
	s5 =	simm.s32 $0xFFFFFFFF;
	p2 =	slt.u32 s8, $0xFFFFF086  }
0x1c: {  	p1 =	slt.u32 s9, $0xF7A;
	s5 =	simm.s32 @!p2 $0x0  }
0x1d: {  	s5 =	simm.s32 @p1 $0x1;
	p0 =	seq.s32 s7, s2  }
0x1e: {  	s7 =	smul.u32 @!p0 $0xF7A, s2;
	p2 =	seq.s32 @!p0 s5, $0x0  }
0x1f: {  	s9 =	smul.u32 $0xF7A, s1;
	s8 =	simm.s32 @!p0 $0x1BF5;
	p2 =	por !p2, p0  }
0x20: {  	[sflag:s8] =	ssyncset.s32 @!p0 $0xFFFFF086;
	s6 =	sadd.s32 @!p0 s3, s7;
	s7 =	simm.s32 @!p0 $0x108  }
0x21: {  	s3 =	sadd.s32 s3, s9;
	s6 =	sadd.s32 @!p0 $0x88, s6;
	s7 =	simm.s32 @p2 $0x1082  }
0x22: {  	[simem:s7], [sflag:s8] =	dma.local @!p0 [hbm:s6], $0xF7A  }
0x23: {  	s9 =	sor.u32 $0xD0000000, s2;
	s6 =	simm.s32 $0x108;
	_ =	swait.ge @!p0 [sflag:s8], $0x0  }
0x24: {  	s3 =	sadd.s32 $0x88, s3;
	s6 =	simm.s32 @!p1 $0x1082;
	[sflag:s4] =	ssyncset.s32 $0xFFFFF086  }
0x25: {  	[simem:s6], [sflag:s4] =	dma.local [hbm:s3], $0xF7A  }
0x26: {  	[smem:$0x3F9F] =	sst s1;
	(tag) =	ssettag s2;
	_ =	strace s9  }
0x27: {  	s1 =	sld [smem:$0x3FAF]  }
0x28: {  	s2 =	sld [smem:$0x3FB0]  }
0x29: {  	s4 =	sld [smem:$0x3FB2]  }
0x2a: {  	p0 =	seq.s32 s5, $0x0;
	s5 =	sld [smem:$0x3FB3]  }
0x2b: {  	s6 =	sld [smem:$0x3FB4]  }
0x2c: {  	s7 =	sld [smem:$0x3FB5]  }
0x2d: {  	s3 =	simm.s32 $0x108;
	s8 =	sld [smem:$0x3FB6]  }
0x2e: {  	s3 =	simm.s32 @!p0 $0x1082;
	s9 =	sld [smem:$0x3FB7]  }
0x2f: {  	lr =	sadd.s32 s0, s3;
	s0 =	sld [smem:$0x3FAE]  }
0x30: {  	s3 =	sld [smem:$0x3FB1]  }
0x31: {  	[smem:$0x3FBA] =	sst s10  }
0x32: {  	s10 =	sld [smem:$0x3FB8];
	_ =	sdelay $0x3  }
0x33: {  	p0 =	seq.s32 s10, $0x1;
	s10 =	sld [smem:$0x3FBA];
	_ =	sdelay $0x3  }
0x34: {  	[smem:$0x3FBA] =	sst s10  }
0x35: {  	s10 =	sld [smem:$0x3FB9];
	_ =	sdelay $0x3  }
0x36: {  	p1 =	seq.s32 s10, $0x1;
	s10 =	sld [smem:$0x3FBA];
	_ =	sdelay $0x3  }
0x37: {  	[smem:$0x3FBA] =	sst s10  }
0x38: {  	s10 =	sld [smem:$0x3FBB]  }
0x39: {  	_ = 	snop;
	(pc) =	sbr.ind lr, $3  }
0x3a: {  	_ = 	snop  }
0x3b: {  	_ = 	snop  }
0x3c: {  	p2 =	seq.s32 s10, $0x1;
	s10 =	sld [smem:$0x3FBA]  }
0x3d: {  	_ =	shalt  }
0x3e: {  	_ =	shalt  }
0x3f: {  	_ =	shalt  }
0x40: {  	_ =	shalt  }
0x41: {  	_ =	shalt  }
0x42: {  	_ =	shalt  }
0x43: {  	_ =	shalt  }
0x44: {  	_ =	shalt  }
0x45: {  	_ =	shalt  }
0x46: {  	_ =	shalt  }
0x47: {  	_ =	shalt  }
0x48: {  	_ =	shalt  }
0x49: {  	_ =	shalt  }
0x4a: {  	_ =	shalt  }
0x4b: {  	_ =	shalt  }
0x4c: {  	_ =	shalt  }
0x4d: {  	_ =	shalt  }
0x4e: {  	_ =	shalt  }
0x4f: {  	_ =	shalt  }
0x50: {  	_ =	shalt  }
0x51: {  	_ =	shalt  }
0x52: {  	_ =	shalt  }
0x53: {  	_ =	shalt  }
0x54: {  	_ =	shalt  }
0x55: {  	_ =	shalt  }
0x56: {  	_ =	shalt  }
0x57: {  	_ =	shalt  }
0x58: {  	_ =	shalt  }
0x59: {  	_ =	shalt  }
0x5a: {  	_ =	shalt  }
0x5b: {  	_ =	shalt  }
0x5c: {  	_ =	shalt  }
0x5d: {  	_ =	shalt  }
0x5e: {  	_ =	shalt  }
0x5f: {  	_ =	shalt  }
0x60: {  	_ =	shalt  }
0x61: {  	_ =	shalt  }
0x62: {  	_ =	shalt  }
0x63: {  	_ =	shalt  }
0x64: {  	_ =	shalt  }
0x65: {  	_ =	shalt  }
0x66: {  	_ =	shalt  }
0x67: {  	_ =	shalt  }
0x68: {  	_ =	shalt  }
0x69: {  	_ =	shalt  }
0x6a: {  	_ =	shalt  }
0x6b: {  	_ =	shalt  }
0x6c: {  	_ =	shalt  }
0x6d: {  	_ =	shalt  }
0x6e: {  	_ =	shalt  }
0x6f: {  	_ =	shalt  }
0x70: {  	_ =	shalt  }
0x71: {  	_ =	shalt  }
0x72: {  	_ =	shalt  }
0x73: {  	_ =	shalt  }
0x74: {  	_ =	shalt  }
0x75: {  	_ =	shalt  }
0x76: {  	_ =	shalt  }
0x77: {  	_ =	shalt  }
0x78: {  	_ =	shalt  }
0x79: {  	_ =	shalt  }
0x7a: {  	_ =	shalt  }
0x7b: {  	_ =	shalt  }
0x7c: {  	_ =	shalt  }
0x7d: {  	_ =	shalt  }
0x7e: {  	_ =	shalt  }
0x7f: {  	_ =	shalt  }
0x80: {  	_ =	shalt  }
0x81: {  	_ =	shalt  }
0x82: {  	_ =	shalt  }
0x83: {  	_ =	shalt  }
0x84: {  	_ =	shalt  }
0x85: {  	_ =	shalt  }
0x86: {  	_ =	shalt  }
0x87: {  	_ =	shalt  }
.Lfunc_end0:
.L_simem_size_0:
called_computation_lowered:
.L_overlay_start_0:
0x88: {  	s2 =	sld [smem:$0x3FD9]  }
0x89: {  	s3 =	sld [smem:$0x3FFE];
	_ =	sdelay $0x1  }
0x8a: {  	s1 =	srdreg.scid  }
0x8b: {  	s0 =	sand.u32 $0x1, s1  }
0x8c: {  	s18 =	sshll.u32 s0, $0xA;
	s2 =	sadd.s32 s3, s2  }
0x8d: {  	s2 =	sadd.s32 s2, s18  }
0x8e: {  	[smem:$0x3FC6] =	sst s2  }
0x8f: {  	_ = 	snop  }
0x90: {  	s2 =	sld [smem:$0x3FC9]  }
0x91: {  	s19 =	sld [smem:$0x3FC8]  }
0x92: {  	s4 =	sld [smem:$0x3FD0];
	(tm) =	ssettm $0x1  }
0x93: {  	s5 =	sld [smem:$0x3FFB];
	_ =	sdelay $0x3  }
0x94: {  	_ =	strace s5  }
0x95: {  	s5 =	sld [smem:$0x3FFC];
	_ =	sdelay $0x3  }
0x96: {  	_ =	strace s5  }
0x97: {  	s5 =	sld [smem:$0x3FFD];
	_ =	sdelay $0x3  }
0x98: {  	_ =	strace s5  }
0x99: {  	_ =	strace $0x8FFFFFFF  }
0x9a: {  	s20 =	sld [smem:$0x3FDB];
	_ =	sdelay $0x1  }
0x9b: {  	s6 =	simm.s32 $_scs_section_size  }
0x9c: {  	s7 =	simm.s32 $_size__tile_overlayer_lowered;
	s8 =	simm.s32 $_tile_overlayer_lowered  }
0x9d: {  	s23 =	simm.s32 $0x1BFF;
	s22 =	sshll.u32 s8, $0x1;
	s5 =	sadd.s32 s6, s20  }
0x9e: {  	s9 =	simm.s32 $0x0;
	s21 =	sshll.u32 s7, $0x1;
	s7 =	sadd.s32 s22, s5  }
0x9f: {  	[timem:s9], [sflag:s23] =	dma.local [hbm:s7], s21  }
0xa0: {  	_ =	swait.ge [sflag:s23], s21  }
0xa1: {  	s6 =	ssub.s32 $0x0, s21;
	[sflag:s23] =	ssyncset.done $0x0  }
0xa2: {  	[sflag:s23] =	ssyncadd.s32 s6;
	_ =	sdelay $0x1  }
0xa3: {  	s24 =	simm.s32 $0x1B8B  }
0xa4: {  	_ =	swait.ge [sflag:s24], $0x1  }
0xa5: {  	[sflag:s24] =	ssyncset.done $0x0  }
0xa6: {  	s25 =	simm.s32 $0x1B8E;
	[sflag:s24] =	ssyncadd.s32 $0xFFFFFFFF  }
0xa7: {  	s26 =	simm.s32 $execute0_lowered;
	[smem:$0x3FD2] =	sst s25  }
0xa8: {  	s6 =	sshll.u32 s26, $0x1;
	_ =	strace $0x80000046;
	[dreg:$0x1] =	wrdreg $0xFFFFFFFF  }
0xa9: {  	s28 =	simm.s32 $_size_execute0_lowered;
	s5 =	sadd.s32 s5, s6;
	[dreg:$0x0] =	wrdreg $0x0  }
0xaa: {  	s6 =	sshll.u32 s28, $0x1;
	[dreg:$0x2] =	wrdreg s5  }
0xab: {  	[dreg:$0x3] =	wrdreg s6  }
0xac: {  	[dreg:$0x4] =	wrdreg $0xC0  }
0xad: {  	_ =	task [dreg:s9], $0x5FFFF  }
0xae: {  	[dreg:$0x1] =	wrdreg $0xFFFFFFFF  }
0xaf: {  	[dreg:$0x0] =	wrdreg $0x60  }
0xb0: {  	[dreg:$0x2] =	wrdreg s2  }
0xb1: {  	[dreg:$0x3] =	wrdreg s19  }
0xb2: {  	[dreg:$0x4] =	wrdreg s4  }
0xb3: {  	[dreg:$0x5] =	wrdreg $0x9  }
0xb4: {  	_ =	task.clear_ibuf [dreg:s9], $0x6FFFF;
	_ =	strace $0x90000046  }
0xb5: {  	s29 =	simm.s32 $0x9;
	_ =	strace $0x80000048  }
0xb6: {  	_ =	swait.ge [sflag:s29], $0x1  }
0xb7: {  	[sflag:s29] =	ssyncadd.s32 $0xFFFFFFFF  }
0xb8: {  	_ =	strace $0x90000048  }
0xb9: {  	_ =	sfence  }
0xba: {  	s30 =	sld [smem:$0x0];
	_ =	sdelay $0x2  }
0xbb: {  	s31 =	sshll.u32 s1, $0xD;
	s1 =	sshrl.u32 s1, $0x2  }
0xbc: {  	s3 =	sand.u32 $0x4000, s31;
	s1 =	sadd.s32 s1, s30  }
0xbd: {  	s0 =	sor.u32 s3, s0;
	s1 =	sshll.u32 s1, $0x11  }
0xbe: {  	s0 =	sor.u32 s1, s0  }
0xbf: {  	s0 =	sadd.s32 $0x8F2B, s0  }
0xc0: {  	[sflag:s0] =	ssyncadd.remote.s32 $0x1  }
0xc1: {  	_ =	sfence.sel $0xFFFF  }
0xc2: {  	[dreg:$0x0] =	wrdreg $0xFFFFFFFF;
	(pc) =	sbr.abs _section_cstart, $3  }
0xc3: {  	[dreg:$0x1] =	wrdreg $0xFFFFFFFF  }
0xc4: {  	_ =	task.clear_ibuf [dreg:s9], $0x2FFFF;
	_ =	strace $0x9FFFFFFF  }
0xc5: {  	(tm) =	ssettm $0x7FFFFFFF  }
tec
execute0_lowered:
.L_overlay_start_1:
0x0: {  	(tag) =	ssettag $0x1  }
0x1: {  	s1 =	rddreg [dreg:$0x0]  }
0x2: {  	s0 =	rddreg [dreg:$0x1];
	s2 =	srdreg.scid  }
0x3: {  	s13 =	stileid.u32;
	s3 =	rddreg [dreg:$0x2]  }
0x4: {  	s28 =	simm.s32 $0x5;
	s30 =	simm.s32 $0x61C00;
	s31 =	simm.s32 $0xEA00  }
0x5: {  	s2 =	sand.u32 $0x1, s2;
	s4 =	sshll.u32 s13, $0x1;
	s24 =	smul.u32 $0x4A, s13  }
0x6: {  	s6 =	sor.u32 s2, s4;
	s7 =	ssub.s32 $0x2, s2;
	s2 =	smul.u32 $0x25, s2  }
0x7: {  	p0 =	seq.s32 s13, $0xF;
	s4 =	simm.s32 $0x0;
	s8 =	smul.u32 $0x340, s6  }
0x8: {  	[smem:$0x7FF] =	sst s4;
	s9 =	sshrl.u32 s7, $0x1;
	s5 =	smul.u32 $0x3400, s6  }
0x9: {  	s6 =	smul.u32 $0x128, s6;
	_ =	strace $0x80000047;
	s9 =	ssub.s32 s7, s9  }
0xa: {  	s29 =	sadd.s32 s2, s24;
	s2 =	simm.s32 $0x1;
	s16 =	sadd.s32 s0, s8  }
0xb: {  	s10 =	sshrl.u32 s5, $0x3;
	s7 =	sadd.s32 $0x61C00, s5;
	s8 =	sadd.s32 $0xC3800, s5  }
0xc: {  	s6 =	sadd.s32 $0xFFFFDD50, s6;
	s0 =	sadd.s32 $0x6180, s0;
	[dreg:$0x4] =	wrdreg s16  }
0xd: {  	s24 =	sadd.s32 $0xFFFFFBAA, s29;
	s12 =	sadd.s32 s1, s10;
	[dreg:$0xd] =	wrdreg s0  }
0xe: {  	s11 =	sshrl.u32 s7, $0x3;
	s14 =	sadd.s32 s3, s10;
	[dreg:$0x5] =	wrdreg s12  }
0xf: {  	s18 =	sshrl.u32 s8, $0x3;
	s17 =	sadd.s32 s1, s11;
	[dreg:$0x8] =	wrdreg s14  }
0x10: {  	s6 =	sshrl.u32 s6, $0x3;
	s12 =	sadd.s32 s1, s18;
	[dreg:$0x6] =	wrdreg s17  }
0x11: {  	s20 =	sadd.s32 $0x36FC00, s14;
	s6 =	smul.u32 $0x61C00, s6;
	[dreg:$0x7] =	wrdreg s12  }
0x12: {  	s21 =	sadd.s32 s3, s11;
	s22 =	sadd.s32 $0x37BF80, s14;
	[dreg:$0xa] =	wrdreg s20  }
0x13: {  	s11 =	simm.s32 $0x4;
	s14 =	simm.s32 $0x0;
	[dreg:$0xb] =	wrdreg s21  }
0x14: {  	s12 =	sadd.s32 $0x125400, s5;
	[dreg:$0xc] =	wrdreg s22;
	s20 =	simm.s32 $0x400  }
0x15: {  	s19 =	sshrl.u32 s12, $0x3;
	s23 =	sshrl.u32 s6, $0x3;
	s6 =	sadd.s32 $0x6DF800, s6  }
0x16: {  	s10 =	sadd.s32 s1, s19;
	s0 =	sadd.s32 $0xC300, s23;
	s6 =	sshrl.u32 s6, $0x3  }
0x17: {  	s23 =	smax.u32 s9, $0x1;
	s9 =	simm.s32 $0x9C00;
	[dreg:$0x9] =	wrdreg s10  }
.Ltmp0:
0x18: {  	s25 =	sadd.s32 s1, s0;
	s0 =	sadd.s32 s3, s0;
	(pc) =	sbr.rel .LBB2_1-.Ltmp0, $4  }
0x19: {  	s26 =	sadd.s32 $0xC300, s6;
	s10 =	simm.s32 $0x3;
	[dreg:$0xe] =	wrdreg s25  }
0x1a: {  	[dreg:$0xf] =	wrdreg s0;
	s6 =	sadd.s32 s1, s26;
	s0 =	sadd.s32 s3, s26  }
0x1b: {  	s25 =	sadd.s32 $0xFFFFFBBC, s29;
	s26 =	simm.s32 $0x3400;
	[dreg:$0x10] =	wrdreg s6  }
0x1c: {  	[dreg:$0x11] =	wrdreg s0;
	s0 =	simm.s32 $0x2;
	s6 =	simm.s32 $0x6800  }
.LBB2_22:
0x1d: {  	s14 =	sadd.s32 $0x1, s14  }
0x1e: {  	p1 =	sne.s32 s14, s23  }
.Ltmp1:
0x1f: {  	_ = 	snop;
	(pc) =	sbr.rel @!p1 .LBB2_23-.Ltmp1, $1  }
0x20: {  	_ =	sdelay $0x3  }
.LBB2_1:
.Ltmp2:
0x21: {  	(pc) =	sbr.rel @!p0 .LBB2_2-.Ltmp2, $2  }
0x22: {  	_ =	sdelay $0x2  }
0x23: {  	s13 =	simm.s32 $0x0  }
0x24: {  	s15 =	rddreg [dreg:$0xd];
	s16 =	simm.s32 $0x13600  }
0x25: {  	[tilespmem:s16], [sflag:$0x5] =	stream.linear.gather [hbm4b:s15+s13], $0x200, $0x38;
	[tilespmem:$0x13800] =	vst v63  }
0x26: {  	s29 =	sadd.s32 $0x0, s24;
	_ =	swait.ge [sflag:s28], $0x200  }
0x27: {  	p1 =	sgt.u32 s29, $0xF;
	[sflag:s28] =	ssyncset.done $0x0  }
0x28: {  	p2 =	sgt.u32 s29, $0x27;
	s22 =	rddreg [dreg:$0xe];
	[sflag:s28] =	ssyncadd.s32 $0xFFFFFE00  }
0x29: {  	[tilespmem:s31], [sflag:$0x5] =	stream.strided.gather [hbm4b:s22+s20], $0x4800, s30, s20, $0x38;
	[tilespmem:$0x13800] =	vst v63  }
0x2a: {  	s13 =	simm.s32 $0x1;
	s16 =	simm.s32 $0x1;
	_ =	swait.ge [sflag:s28], $0x4800  }
0x2b: {  	s13 =	simm.s32 @!p1 $0x0;
	s16 =	simm.s32 @!p2 $0x0;
	[sflag:s28] =	ssyncset.done $0x0  }
0x2c: {  	s15 =	simm.s32 $0xEC00;
	s13 =	sadd.s32 s16, s13;
	[sflag:s28] =	ssyncadd.s32 $0xFFFFB800  }
0x2d: {  	s16 =	sshll.u32 s13, $0x7;
	v0 =	vld [tilespmem:s15+$0x180]  }
0x2e: {  	v1 =	vld [tilespmem:s16+$0x13600]  }
0x2f: {  	v2 =	vld [tilespmem:s15+$0xFFFFFE00]  }
0x30: {  	v3 =	vld [tilespmem:s15+$0xFFFFFF00]  }
0x31: {  	v4 =	vld [tilespmem:s15+$0xFFFFFF80]  }
0x32: {  	v5 =	vld [tilespmem:s15+$0x80]  }
0x33: {  	v6 =	vld [tilespmem:s15+$0x100];
	v0 =	vmul.f32 v0, v1  }
0x34: {  	v7 =	vld [tilespmem:s15+$0xFFFFFE80];
	v2 =	vmul.f32 v2, v1  }
0x35: {  	v8 =	vld [tilespmem:s15+$0x0];
	v3 =	vmul.f32 v3, v1;
	[tilespmem:s15+$0x180] =	vst v0  }
0x36: {  	v0 =	vmul.f32 v4, v1;
	[tilespmem:s15+$0xFFFFFE00] =	vst v2  }
0x37: {  	v2 =	vmul.f32 v5, v1;
	[tilespmem:s15+$0xFFFFFF00] =	vst v3  }
0x38: {  	v3 =	vmul.f32 v6, v1;
	[tilespmem:s15+$0xFFFFFF80] =	vst v0  }
0x39: {  	v0 =	vmul.f32 v7, v1;
	[tilespmem:s15+$0x80] =	vst v2  }
0x3a: {  	v1 =	vmul.f32 v8, v1;
	[tilespmem:s15+$0x100] =	vst v3  }
0x3b: {  	[tilespmem:s15+$0xFFFFFE80] =	vst v0  }
0x3c: {  	[tilespmem:s15+$0x0] =	vst v1;
	v0 =	vld [tilespmem:s15+$0xFFFFFE10]  }
0x3d: {  	v1 =	vld [tilespmem:s16+$0x13610]  }
0x3e: {  	v2 =	vld [tilespmem:s15+$0xFFFFFE90]  }
0x3f: {  	v3 =	vld [tilespmem:s15+$0x10]  }
0x40: {  	v4 =	vld [tilespmem:s15+$0xFFFFFF90]  }
0x41: {  	v5 =	vld [tilespmem:s15+$0x190]  }
0x42: {  	v6 =	vld [tilespmem:s15+$0xFFFFFF10];
	v0 =	vmul.f32 v0, v1  }
0x43: {  	v7 =	vld [tilespmem:s15+$0x110];
	v2 =	vmul.f32 v2, v1  }
0x44: {  	v62 =	vld [tilespmem:s15+$0x90];
	[tilespmem:s15+$0xFFFFFE10] =	vst v0;
	v0 =	vmul.f32 v3, v1  }
0x45: {  	v3 =	vmul.f32 v4, v1;
	[tilespmem:s15+$0xFFFFFE90] =	vst v2  }
0x46: {  	v2 =	vmul.f32 v5, v1;
	[tilespmem:s15+$0x10] =	vst v0  }
0x47: {  	v63 =	vld [tilespmem:s15+$0x1A0];
	v0 =	vmul.f32 v6, v1;
	[tilespmem:s15+$0xFFFFFF90] =	vst v3  }
0x48: {  	v5 =	vld [tilespmem:s15+$0xA0];
	v3 =	vmul.f32 v7, v1;
	[tilespmem:s15+$0x190] =	vst v2  }
0x49: {  	v2 =	vld [tilespmem:s15+$0xFFFFFF20];
	v1 =	vmul.f32 v62, v1;
	[tilespmem:s15+$0xFFFFFF10] =	vst v0  }
0x4a: {  	[tilespmem:s15+$0x110] =	vst v3;
	v3 =	vld [tilespmem:s15+$0xFFFFFE20]  }
0x4b: {  	[tilespmem:s15+$0x90] =	vst v1;
	v1 =	vld [tilespmem:s15+$0xFFFFFEA0]  }
0x4c: {  	v6 =	vld [tilespmem:s16+$0x13620]  }
0x4d: {  	v0 =	vld [tilespmem:s15+$0xFFFFFFA0]  }
0x4e: {  	v7 =	vld [tilespmem:s15+$0x20]  }
0x4f: {  	v4 =	vld [tilespmem:s15+$0x120];
	_ =	sdelay $0x1  }
0x50: {  	v9 =	vmul.f32 v3, v6;
	v1 =	vmul.f32 v1, v6  }
0x51: {  	v10 =	vmul.f32 v2, v6;
	v3 =	vmul.f32 v0, v6  }
0x52: {  	v0 =	vmul.f32 v7, v6;
	v2 =	vmul.f32 v5, v6;
	[tilespmem:s15+$0xFFFFFE20] =	vst v9  }
0x53: {  	s17 =	simm.s32 $0x1;
	s18 =	simm.s32 $0xEC00;
	v5 =	vmul.f32 v4, v6;
	v4 =	vmul.f32 v63, v6;
	[tilespmem:s15+$0xFFFFFF20] =	vst v10  }
.LBB2_18:
0x54: {  	p1 =	sne.s32 s17, $0x11  }
0x55: {  	[tilespmem:s15+$0xFFFFFFA0] =	vst v3;
	s18 =	sadd.s32 $0x400, s18;
	s19 =	smov.u32 s17;
	s17 =	sadd.s32 $0x1, s17  }
0x56: {  	[tilespmem:s15+$0x120] =	vst v5  }
0x57: {  	[tilespmem:s15+$0x1A0] =	vst v4;
	v3 =	vld [tilespmem:s15+$0x1B0]  }
0x58: {  	[tilespmem:s15+$0xFFFFFEA0] =	vst v1;
	v1 =	vld [tilespmem:s15+$0xFFFFFFB0]  }
0x59: {  	v4 =	vld [tilespmem:s15+$0xFFFFFF30]  }
0x5a: {  	[tilespmem:s15+$0xA0] =	vst v2;
	v2 =	vld [tilespmem:s15+$0xFFFFFE30]  }
0x5b: {  	[tilespmem:s15+$0x20] =	vst v0;
	v0 =	vld [tilespmem:s15+$0xFFFFFEB0]  }
0x5c: {  	v5 =	vld [tilespmem:s16+$0x13630]  }
0x5d: {  	v6 =	vld [tilespmem:s15+$0x130]  }
0x5e: {  	v7 =	vld [tilespmem:s15+$0x30]  }
0x5f: {  	v8 =	vld [tilespmem:s15+$0xB0];
	_ =	sdelay $0x1  }
0x60: {  	v2 =	vmul.f32 v2, v5;
	v3 =	vmul.f32 v3, v5  }
0x61: {  	v4 =	vmul.f32 v4, v5;
	v6 =	vmul.f32 v6, v5  }
0x62: {  	v0 =	vmul.f32 v0, v5;
	v1 =	vmul.f32 v1, v5;
	[tilespmem:s15+$0x1B0] =	vst v3  }
0x63: {  	[tilespmem:s15+$0xFFFFFE30] =	vst v2;
	v2 =	vmul.f32 v7, v5;
	v3 =	vmul.f32 v8, v5  }
0x64: {  	[tilespmem:s15+$0xFFFFFF30] =	vst v4  }
0x65: {  	[tilespmem:s15+$0xFFFFFFB0] =	vst v1;
	v1 =	vld [tilespmem:s15+$0xFFFFFE40]  }
0x66: {  	[tilespmem:s15+$0xFFFFFEB0] =	vst v0;
	v0 =	vld [tilespmem:s15+$0xC0]  }
0x67: {  	[tilespmem:s15+$0x130] =	vst v6;
	v4 =	vld [tilespmem:s15+$0xFFFFFF40]  }
0x68: {  	[tilespmem:s15+$0x30] =	vst v2;
	v2 =	vld [tilespmem:s15+$0x1C0]  }
0x69: {  	[tilespmem:s15+$0xB0] =	vst v3;
	v3 =	vld [tilespmem:s15+$0xFFFFFEC0]  }
0x6a: {  	v5 =	vld [tilespmem:s16+$0x13640]  }
0x6b: {  	v6 =	vld [tilespmem:s15+$0xFFFFFFC0]  }
0x6c: {  	v7 =	vld [tilespmem:s15+$0x40]  }
0x6d: {  	v8 =	vld [tilespmem:s15+$0x140];
	_ =	sdelay $0x1  }
0x6e: {  	v1 =	vmul.f32 v1, v5;
	v3 =	vmul.f32 v3, v5  }
0x6f: {  	v4 =	vmul.f32 v4, v5;
	v6 =	vmul.f32 v6, v5  }
0x70: {  	v0 =	vmul.f32 v0, v5;
	[tilespmem:s15+$0xFFFFFE40] =	vst v1;
	v1 =	vmul.f32 v7, v5  }
0x71: {  	v2 =	vmul.f32 v2, v5;
	[tilespmem:s15+$0xFFFFFF40] =	vst v4;
	v4 =	vmul.f32 v8, v5  }
0x72: {  	s13 =	sadd.s32 s19, s24;
	[tilespmem:s15+$0xC0] =	vst v0  }
0x73: {  	p2 =	sgt.u32 s13, $0xF;
	v0 =	vld [tilespmem:s18+$0x80];
	[tilespmem:s15+$0xFFFFFFC0] =	vst v6  }
0x74: {  	p3 =	sgt.u32 s13, $0x27;
	s13 =	simm.s32 $0x1;
	s16 =	simm.s32 $0x1;
	v5 =	vld [tilespmem:s18+$0xFFFFFF80];
	[tilespmem:s15+$0x1C0] =	vst v2  }
0x75: {  	s13 =	simm.s32 @!p2 $0x0;
	s16 =	simm.s32 @!p3 $0x0;
	v2 =	vld [tilespmem:s18+$0x100];
	[tilespmem:s15+$0xFFFFFEC0] =	vst v3  }
0x76: {  	s13 =	sadd.s32 s16, s13;
	v3 =	vld [tilespmem:s18+$0x180];
	[tilespmem:s15+$0x40] =	vst v1  }
0x77: {  	s16 =	sshll.u32 s13, $0x7;
	v1 =	vld [tilespmem:s18+$0xFFFFFE00];
	[tilespmem:s15+$0x140] =	vst v4;
	s15 =	smov.u32 s18  }
0x78: {  	v4 =	vld [tilespmem:s16+$0x13600]  }
0x79: {  	v6 =	vld [tilespmem:s18+$0xFFFFFF00]  }
0x7a: {  	v7 =	vld [tilespmem:s18+$0xFFFFFE80]  }
0x7b: {  	v8 =	vld [tilespmem:s18+$0x0];
	_ =	sdelay $0x1  }
0x7c: {  	v1 =	vmul.f32 v1, v4;
	v3 =	vmul.f32 v3, v4  }
0x7d: {  	v2 =	vmul.f32 v2, v4;
	v6 =	vmul.f32 v6, v4  }
0x7e: {  	v5 =	vmul.f32 v5, v4;
	v7 =	vmul.f32 v7, v4;
	[tilespmem:s18+$0x180] =	vst v3  }
0x7f: {  	v0 =	vmul.f32 v0, v4;
	[tilespmem:s18+$0xFFFFFE00] =	vst v1;
	v1 =	vmul.f32 v8, v4  }
0x80: {  	[tilespmem:s18+$0xFFFFFF00] =	vst v6  }
0x81: {  	[tilespmem:s18+$0xFFFFFF80] =	vst v5;
	v3 =	vld [tilespmem:s18+$0x190]  }
0x82: {  	[tilespmem:s18+$0x80] =	vst v0;
	v0 =	vld [tilespmem:s18+$0x90]  }
0x83: {  	[tilespmem:s18+$0x100] =	vst v2;
	v2 =	vld [tilespmem:s18+$0xFFFFFF90]  }
0x84: {  	[tilespmem:s18+$0xFFFFFE80] =	vst v7;
	v4 =	vld [tilespmem:s18+$0xFFFFFE90]  }
0x85: {  	[tilespmem:s18+$0x0] =	vst v1;
	v1 =	vld [tilespmem:s18+$0xFFFFFE10]  }
0x86: {  	v5 =	vld [tilespmem:s16+$0x13610]  }
0x87: {  	v6 =	vld [tilespmem:s18+$0xFFFFFF10]  }
0x88: {  	v7 =	vld [tilespmem:s18+$0x10]  }
0x89: {  	v8 =	vld [tilespmem:s18+$0x110];
	_ =	sdelay $0x1  }
0x8a: {  	v1 =	vmul.f32 v1, v5;
	v4 =	vmul.f32 v4, v5  }
0x8b: {  	v2 =	vmul.f32 v2, v5;
	v6 =	vmul.f32 v6, v5  }
0x8c: {  	v0 =	vmul.f32 v0, v5;
	[tilespmem:s18+$0xFFFFFE10] =	vst v1;
	v1 =	vmul.f32 v7, v5  }
0x8d: {  	v3 =	vmul.f32 v3, v5;
	[tilespmem:s18+$0xFFFFFE90] =	vst v4;
	v4 =	vmul.f32 v8, v5  }
0x8e: {  	[tilespmem:s18+$0x10] =	vst v1  }
0x8f: {  	[tilespmem:s18+$0xFFFFFF90] =	vst v2;
	v5 =	vld [tilespmem:s18+$0x120]  }
0x90: {  	[tilespmem:s18+$0x190] =	vst v3;
	v2 =	vld [tilespmem:s18+$0xFFFFFF20]  }
0x91: {  	[tilespmem:s18+$0xFFFFFF10] =	vst v6;
	v3 =	vld [tilespmem:s18+$0xFFFFFFA0]  }
0x92: {  	[tilespmem:s18+$0x110] =	vst v4;
	v1 =	vld [tilespmem:s18+$0xFFFFFE20]  }
0x93: {  	[tilespmem:s18+$0x90] =	vst v0;
	v0 =	vld [tilespmem:s18+$0xFFFFFEA0]  }
0x94: {  	v4 =	vld [tilespmem:s16+$0x13620]  }
0x95: {  	v6 =	vld [tilespmem:s18+$0xA0]  }
0x96: {  	v7 =	vld [tilespmem:s18+$0x20]  }
0x97: {  	v8 =	vld [tilespmem:s18+$0x1A0]  }
.Ltmp3:
0x98: {  	(pc) =	sbr.rel @p1 .LBB2_18-.Ltmp3, $4  }
0x99: {  	v9 =	vmul.f32 v1, v4;
	v1 =	vmul.f32 v0, v4  }
0x9a: {  	v10 =	vmul.f32 v2, v4;
	v3 =	vmul.f32 v3, v4  }
0x9b: {  	v2 =	vmul.f32 v6, v4;
	[tilespmem:s18+$0xFFFFFE20] =	vst v9;
	v0 =	vmul.f32 v7, v4  }
0x9c: {  	v5 =	vmul.f32 v5, v4;
	[tilespmem:s18+$0xFFFFFF20] =	vst v10;
	v4 =	vmul.f32 v8, v4  }
0x9d: {  	[tilespmem:s15+$0xFFFFFFA0] =	vst v3  }
0x9e: {  	[tilespmem:s15+$0xFFFFFEA0] =	vst v1  }
0x9f: {  	[tilespmem:s15+$0xA0] =	vst v2  }
0xa0: {  	[tilespmem:s15+$0x20] =	vst v0  }
0xa1: {  	[tilespmem:s15+$0x120] =	vst v5  }
0xa2: {  	v1 =	vld [tilespmem:s15+$0x1B0];
	[tilespmem:s15+$0x1A0] =	vst v4  }
0xa3: {  	v0 =	vld [tilespmem:s16+$0x13630]  }
0xa4: {  	v2 =	vld [tilespmem:s15+$0xFFFFFE30]  }
0xa5: {  	v3 =	vld [tilespmem:s15+$0xFFFFFF30]  }
0xa6: {  	v4 =	vld [tilespmem:s15+$0xFFFFFFB0]  }
0xa7: {  	v5 =	vld [tilespmem:s15+$0xFFFFFEB0]  }
0xa8: {  	v6 =	vld [tilespmem:s15+$0x130];
	v1 =	vmul.f32 v1, v0  }
0xa9: {  	v7 =	vld [tilespmem:s15+$0x30];
	v2 =	vmul.f32 v2, v0  }
0xaa: {  	v8 =	vld [tilespmem:s15+$0xB0];
	v3 =	vmul.f32 v3, v0;
	[tilespmem:s15+$0x1B0] =	vst v1  }
0xab: {  	v1 =	vmul.f32 v4, v0;
	[tilespmem:s15+$0xFFFFFE30] =	vst v2  }
0xac: {  	v2 =	vmul.f32 v5, v0;
	[tilespmem:s15+$0xFFFFFF30] =	vst v3  }
0xad: {  	v3 =	vmul.f32 v6, v0;
	[tilespmem:s15+$0xFFFFFFB0] =	vst v1  }
0xae: {  	v1 =	vmul.f32 v7, v0;
	[tilespmem:s15+$0xFFFFFEB0] =	vst v2  }
0xaf: {  	v0 =	vmul.f32 v8, v0;
	[tilespmem:s15+$0x130] =	vst v3  }
0xb0: {  	[tilespmem:s15+$0x30] =	vst v1  }
0xb1: {  	v1 =	vld [tilespmem:s15+$0xFFFFFE40];
	[tilespmem:s15+$0xB0] =	vst v0  }
0xb2: {  	v0 =	vld [tilespmem:s16+$0x13640]  }
0xb3: {  	v3 =	vld [tilespmem:s15+$0xFFFFFF40]  }
0xb4: {  	v2 =	vld [tilespmem:s15+$0xC0]  }
0xb5: {  	v4 =	vld [tilespmem:s15+$0xFFFFFFC0]  }
0xb6: {  	v5 =	vld [tilespmem:s15+$0x1C0]  }
0xb7: {  	v6 =	vld [tilespmem:s15+$0xFFFFFEC0];
	v1 =	vmul.f32 v1, v0  }
0xb8: {  	v7 =	vld [tilespmem:s15+$0x40];
	v3 =	vmul.f32 v3, v0  }
0xb9: {  	v60 =	vld [tilespmem:s15+$0x140];
	[tilespmem:s15+$0xFFFFFE40] =	vst v1;
	v1 =	vmul.f32 v2, v0  }
0xba: {  	v2 =	vmul.f32 v4, v0;
	[tilespmem:s15+$0xFFFFFF40] =	vst v3  }
0xbb: {  	v3 =	vmul.f32 v5, v0;
	[tilespmem:s15+$0xC0] =	vst v1  }
0xbc: {  	v1 =	vmul.f32 v6, v0;
	[tilespmem:s15+$0xFFFFFFC0] =	vst v2  }
0xbd: {  	v2 =	vmul.f32 v7, v0;
	[tilespmem:s15+$0x1C0] =	vst v3  }
0xbe: {  	v0 =	vmul.f32 v60, v0;
	[tilespmem:s15+$0xFFFFFEC0] =	vst v1  }
0xbf: {  	[tilespmem:s15+$0x40] =	vst v2  }
0xc0: {  	s13 =	rddreg [dreg:$0xf];
	[tilespmem:s15+$0x140] =	vst v0  }
0xc1: {  	[hbm4b:s13+s20] =	stream.strided.scatter [tilespmem:s31], [sflag:$0x5], $0x4800, s30, s20, $0x38;
	[tilespmem:$0x13800] =	vst v63  }
0xc2: {  	s29 =	sadd.s32 $0x0, s25;
	_ =	swait.ge [sflag:s28], $0x4800  }
0xc3: {  	p1 =	sgt.u32 s29, $0x27;
	[sflag:s28] =	ssyncset.done $0x0  }
0xc4: {  	p2 =	sgt.u32 s29, $0x3B;
	s22 =	rddreg [dreg:$0x10];
	[sflag:s28] =	ssyncadd.s32 $0xFFFFB800  }
0xc5: {  	[tilespmem:s31], [sflag:$0x5] =	stream.strided.gather [hbm4b:s22+s20], $0x4C00, s30, s20, $0x38;
	[tilespmem:$0x13800] =	vst v63  }
0xc6: {  	s16 =	simm.s32 $0x1;
	s13 =	simm.s32 $0x2;
	_ =	swait.ge [sflag:s28], $0x4C00  }
0xc7: {  	s16 =	simm.s32 @!p2 $0x0;
	s13 =	simm.s32 @!p1 $0x1;
	[sflag:s28] =	ssyncset.done $0x0  }
0xc8: {  	s15 =	simm.s32 $0xEC00;
	s13 =	sadd.s32 s16, s13;
	[sflag:s28] =	ssyncadd.s32 $0xFFFFB400  }
0xc9: {  	s16 =	sshll.u32 s13, $0x7;
	v0 =	vld [tilespmem:s15+$0x180]  }
0xca: {  	v1 =	vld [tilespmem:s16+$0x13600]  }
0xcb: {  	v2 =	vld [tilespmem:s15+$0xFFFFFE00]  }
0xcc: {  	v3 =	vld [tilespmem:s15+$0xFFFFFF00]  }
0xcd: {  	v4 =	vld [tilespmem:s15+$0xFFFFFF80]  }
0xce: {  	v5 =	vld [tilespmem:s15+$0x80]  }
0xcf: {  	v6 =	vld [tilespmem:s15+$0x100];
	v0 =	vmul.f32 v0, v1  }
0xd0: {  	v7 =	vld [tilespmem:s15+$0xFFFFFE80];
	v2 =	vmul.f32 v2, v1  }
0xd1: {  	v61 =	vld [tilespmem:s15+$0x0];
	v3 =	vmul.f32 v3, v1;
	[tilespmem:s15+$0x180] =	vst v0  }
0xd2: {  	v0 =	vmul.f32 v4, v1;
	[tilespmem:s15+$0xFFFFFE00] =	vst v2  }
0xd3: {  	v2 =	vmul.f32 v5, v1;
	[tilespmem:s15+$0xFFFFFF00] =	vst v3  }
0xd4: {  	v3 =	vmul.f32 v6, v1;
	[tilespmem:s15+$0xFFFFFF80] =	vst v0  }
0xd5: {  	v0 =	vmul.f32 v7, v1;
	[tilespmem:s15+$0x80] =	vst v2  }
0xd6: {  	v1 =	vmul.f32 v61, v1;
	[tilespmem:s15+$0x100] =	vst v3  }
0xd7: {  	[tilespmem:s15+$0xFFFFFE80] =	vst v0  }
0xd8: {  	[tilespmem:s15+$0x0] =	vst v1;
	v0 =	vld [tilespmem:s15+$0xFFFFFE10]  }
0xd9: {  	v1 =	vld [tilespmem:s16+$0x13610]  }
0xda: {  	v2 =	vld [tilespmem:s15+$0xFFFFFE90]  }
0xdb: {  	v3 =	vld [tilespmem:s15+$0x10]  }
0xdc: {  	v4 =	vld [tilespmem:s15+$0xFFFFFF90]  }
0xdd: {  	v5 =	vld [tilespmem:s15+$0x190]  }
0xde: {  	v6 =	vld [tilespmem:s15+$0xFFFFFF10];
	v0 =	vmul.f32 v0, v1  }
0xdf: {  	v7 =	vld [tilespmem:s15+$0x110];
	v2 =	vmul.f32 v2, v1  }
0xe0: {  	v62 =	vld [tilespmem:s15+$0x90];
	[tilespmem:s15+$0xFFFFFE10] =	vst v0;
	v0 =	vmul.f32 v3, v1  }
0xe1: {  	v3 =	vmul.f32 v4, v1;
	[tilespmem:s15+$0xFFFFFE90] =	vst v2  }
0xe2: {  	v2 =	vmul.f32 v5, v1;
	[tilespmem:s15+$0x10] =	vst v0  }
0xe3: {  	v63 =	vld [tilespmem:s15+$0x1A0];
	v0 =	vmul.f32 v6, v1;
	[tilespmem:s15+$0xFFFFFF90] =	vst v3  }
0xe4: {  	v5 =	vld [tilespmem:s15+$0xA0];
	v3 =	vmul.f32 v7, v1;
	[tilespmem:s15+$0x190] =	vst v2  }
0xe5: {  	v2 =	vld [tilespmem:s15+$0xFFFFFF20];
	v1 =	vmul.f32 v62, v1;
	[tilespmem:s15+$0xFFFFFF10] =	vst v0  }
0xe6: {  	[tilespmem:s15+$0x110] =	vst v3;
	v3 =	vld [tilespmem:s15+$0xFFFFFE20]  }
0xe7: {  	[tilespmem:s15+$0x90] =	vst v1;
	v1 =	vld [tilespmem:s15+$0xFFFFFEA0]  }
0xe8: {  	v6 =	vld [tilespmem:s16+$0x13620]  }
0xe9: {  	v0 =	vld [tilespmem:s15+$0xFFFFFFA0]  }
0xea: {  	v7 =	vld [tilespmem:s15+$0x20]  }
0xeb: {  	v4 =	vld [tilespmem:s15+$0x120];
	_ =	sdelay $0x1  }
0xec: {  	v9 =	vmul.f32 v3, v6;
	v1 =	vmul.f32 v1, v6  }
0xed: {  	v10 =	vmul.f32 v2, v6;
	v3 =	vmul.f32 v0, v6  }
0xee: {  	v0 =	vmul.f32 v7, v6;
	v2 =	vmul.f32 v5, v6;
	[tilespmem:s15+$0xFFFFFE20] =	vst v9  }
0xef: {  	s17 =	simm.s32 $0x1;
	s18 =	simm.s32 $0xEC00;
	v5 =	vmul.f32 v4, v6;
	v4 =	vmul.f32 v63, v6;
	[tilespmem:s15+$0xFFFFFF20] =	vst v10  }
.LBB2_20:
0xf0: {  	p1 =	sne.s32 s17, $0x12  }
0xf1: {  	[tilespmem:s15+$0xFFFFFFA0] =	vst v3;
	s18 =	sadd.s32 $0x400, s18;
	s19 =	smov.u32 s17;
	s17 =	sadd.s32 $0x1, s17  }
0xf2: {  	[tilespmem:s15+$0x120] =	vst v5  }
0xf3: {  	[tilespmem:s15+$0x1A0] =	vst v4;
	v3 =	vld [tilespmem:s15+$0x1B0]  }
0xf4: {  	[tilespmem:s15+$0xFFFFFEA0] =	vst v1;
	v1 =	vld [tilespmem:s15+$0xFFFFFFB0]  }
0xf5: {  	v4 =	vld [tilespmem:s15+$0xFFFFFF30]  }
0xf6: {  	[tilespmem:s15+$0xA0] =	vst v2;
	v2 =	vld [tilespmem:s15+$0xFFFFFE30]  }
0xf7: {  	[tilespmem:s15+$0x20] =	vst v0;
	v0 =	vld [tilespmem:s15+$0xFFFFFEB0]  }
0xf8: {  	v5 =	vld [tilespmem:s16+$0x13630]  }
0xf9: {  	v6 =	vld [tilespmem:s15+$0x130]  }
0xfa: {  	v7 =	vld [tilespmem:s15+$0x30]  }
0xfb: {  	v8 =	vld [tilespmem:s15+$0xB0];
	_ =	sdelay $0x1  }
0xfc: {  	v2 =	vmul.f32 v2, v5;
	v3 =	vmul.f32 v3, v5  }
0xfd: {  	v4 =	vmul.f32 v4, v5;
	v6 =	vmul.f32 v6, v5  }
0xfe: {  	v0 =	vmul.f32 v0, v5;
	v1 =	vmul.f32 v1, v5;
	[tilespmem:s15+$0x1B0] =	vst v3  }
0xff: {  	[tilespmem:s15+$0xFFFFFE30] =	vst v2;
	v2 =	vmul.f32 v7, v5;
	v3 =	vmul.f32 v8, v5  }
0x100: {  	[tilespmem:s15+$0xFFFFFF30] =	vst v4  }
0x101: {  	[tilespmem:s15+$0xFFFFFFB0] =	vst v1;
	v1 =	vld [tilespmem:s15+$0xFFFFFE40]  }
0x102: {  	[tilespmem:s15+$0xFFFFFEB0] =	vst v0;
	v0 =	vld [tilespmem:s15+$0xC0]  }
0x103: {  	[tilespmem:s15+$0x130] =	vst v6;
	v4 =	vld [tilespmem:s15+$0xFFFFFF40]  }
0x104: {  	[tilespmem:s15+$0x30] =	vst v2;
	v2 =	vld [tilespmem:s15+$0x1C0]  }
0x105: {  	[tilespmem:s15+$0xB0] =	vst v3;
	v3 =	vld [tilespmem:s15+$0xFFFFFEC0]  }
0x106: {  	v5 =	vld [tilespmem:s16+$0x13640]  }
0x107: {  	v6 =	vld [tilespmem:s15+$0xFFFFFFC0]  }
0x108: {  	v7 =	vld [tilespmem:s15+$0x40]  }
0x109: {  	v8 =	vld [tilespmem:s15+$0x140];
	_ =	sdelay $0x1  }
0x10a: {  	v1 =	vmul.f32 v1, v5;
	v3 =	vmul.f32 v3, v5  }
0x10b: {  	v4 =	vmul.f32 v4, v5;
	v6 =	vmul.f32 v6, v5  }
0x10c: {  	v0 =	vmul.f32 v0, v5;
	[tilespmem:s15+$0xFFFFFE40] =	vst v1;
	v1 =	vmul.f32 v7, v5  }
0x10d: {  	v2 =	vmul.f32 v2, v5;
	[tilespmem:s15+$0xFFFFFF40] =	vst v4;
	v4 =	vmul.f32 v8, v5  }
0x10e: {  	s13 =	sadd.s32 s19, s25;
	[tilespmem:s15+$0xC0] =	vst v0  }
0x10f: {  	p2 =	sgt.u32 s13, $0x27;
	v0 =	vld [tilespmem:s18+$0x80];
	[tilespmem:s15+$0xFFFFFFC0] =	vst v6  }
0x110: {  	p3 =	sgt.u32 s13, $0x3B;
	s13 =	simm.s32 $0x2;
	s16 =	simm.s32 $0x1;
	v5 =	vld [tilespmem:s18+$0xFFFFFF80];
	[tilespmem:s15+$0x1C0] =	vst v2  }
0x111: {  	s13 =	simm.s32 @!p2 $0x1;
	s16 =	simm.s32 @!p3 $0x0;
	v2 =	vld [tilespmem:s18+$0x100];
	[tilespmem:s15+$0xFFFFFEC0] =	vst v3  }
0x112: {  	s13 =	sadd.s32 s16, s13;
	v3 =	vld [tilespmem:s18+$0x180];
	[tilespmem:s15+$0x40] =	vst v1  }
0x113: {  	s16 =	sshll.u32 s13, $0x7;
	v1 =	vld [tilespmem:s18+$0xFFFFFE00];
	[tilespmem:s15+$0x140] =	vst v4;
	s15 =	smov.u32 s18  }
0x114: {  	v4 =	vld [tilespmem:s16+$0x13600]  }
0x115: {  	v6 =	vld [tilespmem:s18+$0xFFFFFF00]  }
0x116: {  	v7 =	vld [tilespmem:s18+$0xFFFFFE80]  }
0x117: {  	v8 =	vld [tilespmem:s18+$0x0];
	_ =	sdelay $0x1  }
0x118: {  	v1 =	vmul.f32 v1, v4;
	v3 =	vmul.f32 v3, v4  }
0x119: {  	v2 =	vmul.f32 v2, v4;
	v6 =	vmul.f32 v6, v4  }
0x11a: {  	v5 =	vmul.f32 v5, v4;
	v7 =	vmul.f32 v7, v4;
	[tilespmem:s18+$0x180] =	vst v3  }
0x11b: {  	v0 =	vmul.f32 v0, v4;
	[tilespmem:s18+$0xFFFFFE00] =	vst v1;
	v1 =	vmul.f32 v8, v4  }
0x11c: {  	[tilespmem:s18+$0xFFFFFF00] =	vst v6  }
0x11d: {  	[tilespmem:s18+$0xFFFFFF80] =	vst v5;
	v3 =	vld [tilespmem:s18+$0x190]  }
0x11e: {  	[tilespmem:s18+$0x80] =	vst v0;
	v0 =	vld [tilespmem:s18+$0x90]  }
0x11f: {  	[tilespmem:s18+$0x100] =	vst v2;
	v2 =	vld [tilespmem:s18+$0xFFFFFF90]  }
0x120: {  	[tilespmem:s18+$0xFFFFFE80] =	vst v7;
	v4 =	vld [tilespmem:s18+$0xFFFFFE90]  }
0x121: {  	[tilespmem:s18+$0x0] =	vst v1;
	v1 =	vld [tilespmem:s18+$0xFFFFFE10]  }
0x122: {  	v5 =	vld [tilespmem:s16+$0x13610]  }
0x123: {  	v6 =	vld [tilespmem:s18+$0xFFFFFF10]  }
0x124: {  	v7 =	vld [tilespmem:s18+$0x10]  }
0x125: {  	v8 =	vld [tilespmem:s18+$0x110];
	_ =	sdelay $0x1  }
0x126: {  	v1 =	vmul.f32 v1, v5;
	v4 =	vmul.f32 v4, v5  }
0x127: {  	v2 =	vmul.f32 v2, v5;
	v6 =	vmul.f32 v6, v5  }
0x128: {  	v0 =	vmul.f32 v0, v5;
	[tilespmem:s18+$0xFFFFFE10] =	vst v1;
	v1 =	vmul.f32 v7, v5  }
0x129: {  	v3 =	vmul.f32 v3, v5;
	[tilespmem:s18+$0xFFFFFE90] =	vst v4;
	v4 =	vmul.f32 v8, v5  }
0x12a: {  	[tilespmem:s18+$0x10] =	vst v1  }
0x12b: {  	[tilespmem:s18+$0xFFFFFF90] =	vst v2;
	v5 =	vld [tilespmem:s18+$0x120]  }
0x12c: {  	[tilespmem:s18+$0x190] =	vst v3;
	v2 =	vld [tilespmem:s18+$0xFFFFFF20]  }
0x12d: {  	[tilespmem:s18+$0xFFFFFF10] =	vst v6;
	v3 =	vld [tilespmem:s18+$0xFFFFFFA0]  }
0x12e: {  	[tilespmem:s18+$0x110] =	vst v4;
	v1 =	vld [tilespmem:s18+$0xFFFFFE20]  }
0x12f: {  	[tilespmem:s18+$0x90] =	vst v0;
	v0 =	vld [tilespmem:s18+$0xFFFFFEA0]  }
0x130: {  	v4 =	vld [tilespmem:s16+$0x13620]  }
0x131: {  	v6 =	vld [tilespmem:s18+$0xA0]  }
0x132: {  	v7 =	vld [tilespmem:s18+$0x20]  }
0x133: {  	v8 =	vld [tilespmem:s18+$0x1A0]  }
.Ltmp4:
0x134: {  	(pc) =	sbr.rel @p1 .LBB2_20-.Ltmp4, $4  }
0x135: {  	v9 =	vmul.f32 v1, v4;
	v1 =	vmul.f32 v0, v4  }
0x136: {  	v10 =	vmul.f32 v2, v4;
	v3 =	vmul.f32 v3, v4  }
0x137: {  	v2 =	vmul.f32 v6, v4;
	[tilespmem:s18+$0xFFFFFE20] =	vst v9;
	v0 =	vmul.f32 v7, v4  }
0x138: {  	v5 =	vmul.f32 v5, v4;
	[tilespmem:s18+$0xFFFFFF20] =	vst v10;
	v4 =	vmul.f32 v8, v4  }
0x139: {  	[tilespmem:s15+$0xFFFFFFA0] =	vst v3  }
0x13a: {  	[tilespmem:s15+$0xFFFFFEA0] =	vst v1  }
0x13b: {  	[tilespmem:s15+$0xA0] =	vst v2  }
0x13c: {  	[tilespmem:s15+$0x20] =	vst v0  }
0x13d: {  	[tilespmem:s15+$0x120] =	vst v5  }
0x13e: {  	v42 =	vld [tilespmem:s15+$0x1B0];
	[tilespmem:s15+$0x1A0] =	vst v4  }
0x13f: {  	v0 =	vld [tilespmem:s16+$0x13630]  }
0x140: {  	v43 =	vld [tilespmem:s15+$0xFFFFFE30]  }
0x141: {  	v44 =	vld [tilespmem:s15+$0xFFFFFF30]  }
0x142: {  	v45 =	vld [tilespmem:s15+$0xFFFFFFB0]  }
0x143: {  	v46 =	vld [tilespmem:s15+$0xFFFFFEB0]  }
0x144: {  	v6 =	vld [tilespmem:s15+$0x130];
	v1 =	vmul.f32 v42, v0  }
0x145: {  	v7 =	vld [tilespmem:s15+$0x30];
	v2 =	vmul.f32 v43, v0  }
0x146: {  	v8 =	vld [tilespmem:s15+$0xB0];
	v3 =	vmul.f32 v44, v0;
	[tilespmem:s15+$0x1B0] =	vst v1  }
0x147: {  	v47 =	vmul.f32 v45, v0;
	[tilespmem:s15+$0xFFFFFE30] =	vst v2  }
0x148: {  	v48 =	vmul.f32 v46, v0;
	[tilespmem:s15+$0xFFFFFF30] =	vst v3  }
0x149: {  	v49 =	vmul.f32 v6, v0;
	[tilespmem:s15+$0xFFFFFFB0] =	vst v47  }
0x14a: {  	v50 =	vmul.f32 v7, v0;
	[tilespmem:s15+$0xFFFFFEB0] =	vst v48  }
0x14b: {  	v0 =	vmul.f32 v8, v0;
	[tilespmem:s15+$0x130] =	vst v49  }
0x14c: {  	[tilespmem:s15+$0x30] =	vst v50  }
0x14d: {  	v52 =	vld [tilespmem:s15+$0xFFFFFE40];
	[tilespmem:s15+$0xB0] =	vst v0  }
0x14e: {  	v0 =	vld [tilespmem:s16+$0x13640]  }
0x14f: {  	v53 =	vld [tilespmem:s15+$0xFFFFFF40]  }
0x150: {  	v51 =	vld [tilespmem:s15+$0xC0]  }
0x151: {  	v54 =	vld [tilespmem:s15+$0xFFFFFFC0]  }
0x152: {  	v55 =	vld [tilespmem:s15+$0x1C0]  }
0x153: {  	v56 =	vld [tilespmem:s15+$0xFFFFFEC0];
	v1 =	vmul.f32 v52, v0  }
0x154: {  	v57 =	vld [tilespmem:s15+$0x40];
	v3 =	vmul.f32 v53, v0  }
0x155: {  	v58 =	vld [tilespmem:s15+$0x140];
	v59 =	vmul.f32 v51, v0;
	[tilespmem:s15+$0xFFFFFE40] =	vst v1  }
0x156: {  	v60 =	vmul.f32 v54, v0;
	[tilespmem:s15+$0xFFFFFF40] =	vst v3  }
0x157: {  	v61 =	vmul.f32 v55, v0;
	[tilespmem:s15+$0xC0] =	vst v59  }
0x158: {  	v62 =	vmul.f32 v56, v0;
	[tilespmem:s15+$0xFFFFFFC0] =	vst v60  }
0x159: {  	v63 =	vmul.f32 v57, v0;
	[tilespmem:s15+$0x1C0] =	vst v61  }
0x15a: {  	v0 =	vmul.f32 v58, v0;
	[tilespmem:s15+$0xFFFFFEC0] =	vst v62  }
0x15b: {  	[tilespmem:s15+$0x40] =	vst v63  }
.Ltmp5:
0x15c: {  	s13 =	rddreg [dreg:$0x11];
	[tilespmem:s15+$0x140] =	vst v0;
	(pc) =	sbr.rel .LBB2_22-.Ltmp5, $4  }
0x15d: {  	[hbm4b:s13+s20] =	stream.strided.scatter [tilespmem:s31], [sflag:$0x5], $0x4C00, s30, s20, $0x38;
	[tilespmem:$0x13800] =	vst v63  }
0x15e: {  	_ =	swait.ge [sflag:s28], $0x4C00  }
0x15f: {  	[sflag:s28] =	ssyncset.done $0x0  }
0x160: {  	[sflag:s28] =	ssyncadd.s32 $0xFFFFB400  }
.LBB2_2:
0x161: {  	s15 =	rddreg [dreg:$0x4];
	s16 =	simm.s32 $0xD000  }
0x162: {  	[tilespmem:s16], [sflag:$0x5] =	stream.linear.gather [hbm4b:s15+s13], $0x1A00, $0x38;
	[tilespmem:$0x13800] =	vst v63  }
0x163: {  	_ =	swait.ge [sflag:s28], $0x1A00  }
0x164: {  	[sflag:s28] =	ssyncset.done $0x0  }
0x165: {  	s19 =	rddreg [dreg:$0x5];
	[sflag:s28] =	ssyncadd.s32 $0xFFFFE600  }
0x166: {  	[tilespmem:s13], [sflag:$0x1] =	stream.linear.gather [hbm4b:s19+s13], $0x3400, $0x38;
	[tilespmem:$0x13800] =	vst v63  }
0x167: {  	s20 =	rddreg [dreg:$0x6]  }
0x168: {  	[tilespmem:s26], [sflag:$0x2] =	stream.linear.gather [hbm4b:s20+s13], $0x3400, $0x38;
	[tilespmem:$0x13800] =	vst v63  }
0x169: {  	s21 =	simm.s32 $0x0;
	s22 =	sand.u32 $0x70, s13;
	_ =	swait.ge [sflag:s2], $0x3400  }
0x16a: {  	s29 =	simm.s32 $0x0;
	s15 =	sand.u32 $0xFFFFFC00, s21;
	[sflag:s2] =	ssyncset.done $0x0  }
0x16b: {  	s16 =	sand.u32 $0x3FFFFE00, s29;
	s15 =	sor.u32 s22, s15;
	[sflag:s2] =	ssyncadd.s32 $0xFFFFCC00  }
0x16c: {  	s13 =	sor.u32 s22, s16;
	v0 =	vld [tilespmem:s15+$0x0]  }
0x16d: {  	v3 =	vld [tilespmem:s13+$0xD000]  }
0x16e: {  	v1 =	vld [tilespmem:s15+$0x80]  }
0x16f: {  	v2 =	vld [tilespmem:s15+$0x100]  }
0x170: {  	v4 =	vld [tilespmem:s15+$0x180]  }
0x171: {  	v5 =	vld [tilespmem:s15+$0x200]  }
0x172: {  	v6 =	vld [tilespmem:s15+$0x280];
	v0 =	vmul.f32 v0, v3  }
0x173: {  	v7 =	vld [tilespmem:s15+$0x300];
	v1 =	vmul.f32 v1, v3  }
0x174: {  	s17 =	simm.s32 $0x80;
	s16 =	simm.s32 $0x10;
	v8 =	vld [tilespmem:s15+$0x380];
	v2 =	vmul.f32 v2, v3;
	[tilespmem:s15+$0x6800] =	vst v0  }
0x175: {  	s17 =	sand.u32 $0xFFFFFC00, s17;
	s13 =	sand.u32 $0x70, s16;
	[tilespmem:s15+$0x6880] =	vst v1;
	v1 =	vmul.f32 v4, v3  }
0x176: {  	s17 =	sor.u32 s13, s17;
	[tilespmem:s15+$0x6900] =	vst v2;
	v2 =	vmul.f32 v5, v3  }
0x177: {  	v5 =	vmul.f32 v6, v3;
	v0 =	vld [tilespmem:s17+$0x0];
	[tilespmem:s15+$0x6980] =	vst v1  }
0x178: {  	v4 =	vmul.f32 v7, v3;
	v1 =	vld [tilespmem:s17+$0x80];
	[tilespmem:s15+$0x6A00] =	vst v2  }
0x179: {  	s18 =	simm.s32 $0x2;
	s19 =	simm.s32 $0x40;
	v3 =	vmul.f32 v8, v3;
	v2 =	vld [tilespmem:s17+$0x100];
	[tilespmem:s15+$0x6A80] =	vst v5  }
.LBB2_3:
0x17a: {  	p1 =	sne.s32 s18, $0x67;
	s19 =	sand.u32 $0x3FFFFE00, s19;
	v5 =	vld [tilespmem:s17+$0x180];
	[tilespmem:s15+$0x6B00] =	vst v4  }
0x17b: {  	s13 =	sor.u32 s13, s19;
	v4 =	vld [tilespmem:s17+$0x200];
	[tilespmem:s15+$0x6B80] =	vst v3;
	s15 =	smov.u32 s17  }
0x17c: {  	v3 =	vld [tilespmem:s13+$0xD000]  }
0x17d: {  	v6 =	vld [tilespmem:s15+$0x280]  }
0x17e: {  	v7 =	vld [tilespmem:s15+$0x300]  }
0x17f: {  	v8 =	vld [tilespmem:s15+$0x380];
	_ =	sdelay $0x1  }
0x180: {  	v0 =	vmul.f32 v0, v3;
	v1 =	vmul.f32 v1, v3  }
0x181: {  	v2 =	vmul.f32 v2, v3;
	v5 =	vmul.f32 v5, v3  }
0x182: {  	s16 =	sadd.s32 $0x10, s16;
	s17 =	sshll.u32 s18, $0x7;
	v9 =	vmul.f32 v4, v3;
	v6 =	vmul.f32 v6, v3;
	[tilespmem:s15+$0x6800] =	vst v0  }
.Ltmp6:
0x183: {  	s13 =	sand.u32 $0x70, s16;
	s17 =	sand.u32 $0xFFFFFC00, s17;
	v4 =	vmul.f32 v7, v3;
	[tilespmem:s15+$0x6880] =	vst v1;
	v3 =	vmul.f32 v8, v3;
	(pc) =	sbr.rel @p1 .LBB2_3-.Ltmp6, $4  }
0x184: {  	s17 =	sor.u32 s13, s17;
	[tilespmem:s15+$0x6900] =	vst v2  }
0x185: {  	v0 =	vld [tilespmem:s17+$0x0];
	[tilespmem:s15+$0x6980] =	vst v5  }
0x186: {  	v1 =	vld [tilespmem:s17+$0x80];
	[tilespmem:s15+$0x6A00] =	vst v9  }
0x187: {  	s19 =	sshll.u32 s18, $0x6;
	s18 =	sadd.s32 $0x1, s18;
	v2 =	vld [tilespmem:s17+$0x100];
	[tilespmem:s15+$0x6A80] =	vst v6  }
0x188: {  	v5 =	vld [tilespmem:s17+$0x180];
	[tilespmem:s15+$0x6B00] =	vst v4;
	s16 =	sand.u32 $0x3FFFFE00, s19  }
0x189: {  	v4 =	vld [tilespmem:s17+$0x200];
	s13 =	sor.u32 s13, s16;
	[tilespmem:s15+$0x6B80] =	vst v3  }
0x18a: {  	v3 =	vld [tilespmem:s13+$0xD000];
	_ =	sdelay $0x4  }
0x18b: {  	v6 =	vld [tilespmem:s17+$0x280];
	v0 =	vmul.f32 v0, v3  }
0x18c: {  	v7 =	vld [tilespmem:s17+$0x300];
	v1 =	vmul.f32 v1, v3  }
0x18d: {  	v8 =	vld [tilespmem:s17+$0x380];
	v2 =	vmul.f32 v2, v3;
	[tilespmem:s17+$0x6800] =	vst v0  }
0x18e: {  	v0 =	vmul.f32 v5, v3;
	[tilespmem:s17+$0x6880] =	vst v1  }
0x18f: {  	v1 =	vmul.f32 v4, v3;
	[tilespmem:s17+$0x6900] =	vst v2  }
0x190: {  	v2 =	vmul.f32 v6, v3;
	[tilespmem:s17+$0x6980] =	vst v0  }
0x191: {  	v0 =	vmul.f32 v7, v3;
	[tilespmem:s17+$0x6A00] =	vst v1  }
0x192: {  	v1 =	vmul.f32 v8, v3;
	[tilespmem:s17+$0x6A80] =	vst v2  }
0x193: {  	[tilespmem:s17+$0x6B00] =	vst v0  }
0x194: {  	s18 =	simm.s32 $0x0;
	s19 =	rddreg [dreg:$0x7];
	[tilespmem:s17+$0x6B80] =	vst v1  }
0x195: {  	[tilespmem:s18], [sflag:$0x1] =	stream.linear.gather [hbm4b:s19+s18], $0x3400, $0x38;
	[tilespmem:$0x13800] =	vst v63  }
0x196: {  	s20 =	rddreg [dreg:$0x8]  }
0x197: {  	[hbm4b:s20+s18] =	stream.linear.scatter [tilespmem:s6], [sflag:$0x3], $0x3400, $0x38;
	[tilespmem:$0x13800] =	vst v63  }
0x198: {  	s21 =	simm.s32 $0x0;
	s22 =	simm.s32 $0x0;
	_ =	swait.ge [sflag:s0], $0x3400  }
0x199: {  	s15 =	sand.u32 $0xFFFFFC00, s21;
	s13 =	sand.u32 $0x70, s18;
	[sflag:s0] =	ssyncset.done $0x0  }
0x19a: {  	s16 =	sand.u32 $0x3FFFFE00, s22;
	s15 =	sor.u32 s13, s15;
	[sflag:s0] =	ssyncadd.s32 $0xFFFFCC00  }
0x19b: {  	s13 =	sor.u32 s13, s16;
	v0 =	vld [tilespmem:s15+$0x3400]  }
0x19c: {  	v3 =	vld [tilespmem:s13+$0xD000]  }
0x19d: {  	v1 =	vld [tilespmem:s15+$0x3480]  }
0x19e: {  	v2 =	vld [tilespmem:s15+$0x3500]  }
0x19f: {  	v4 =	vld [tilespmem:s15+$0x3580]  }
0x1a0: {  	v5 =	vld [tilespmem:s15+$0x3600]  }
0x1a1: {  	v6 =	vld [tilespmem:s15+$0x3680];
	v0 =	vmul.f32 v0, v3  }
0x1a2: {  	v7 =	vld [tilespmem:s15+$0x3700];
	v1 =	vmul.f32 v1, v3  }
0x1a3: {  	s29 =	simm.s32 $0x80;
	s16 =	simm.s32 $0x10;
	v63 =	vld [tilespmem:s15+$0x3780];
	v2 =	vmul.f32 v2, v3;
	[tilespmem:s15+$0x9C00] =	vst v0  }
0x1a4: {  	s17 =	sand.u32 $0xFFFFFC00, s29;
	s13 =	sand.u32 $0x70, s16;
	[tilespmem:s15+$0x9C80] =	vst v1;
	v1 =	vmul.f32 v4, v3  }
0x1a5: {  	s17 =	sor.u32 s13, s17;
	[tilespmem:s15+$0x9D00] =	vst v2;
	v2 =	vmul.f32 v5, v3  }
0x1a6: {  	v5 =	vmul.f32 v6, v3;
	v0 =	vld [tilespmem:s17+$0x3400];
	[tilespmem:s15+$0x9D80] =	vst v1  }
0x1a7: {  	v4 =	vmul.f32 v7, v3;
	v1 =	vld [tilespmem:s17+$0x3480];
	[tilespmem:s15+$0x9E00] =	vst v2  }
0x1a8: {  	s19 =	simm.s32 $0x40;
	s18 =	simm.s32 $0x2;
	v3 =	vmul.f32 v63, v3;
	v2 =	vld [tilespmem:s17+$0x3500];
	[tilespmem:s15+$0x9E80] =	vst v5  }
.LBB2_5:
0x1a9: {  	p1 =	sne.s32 s18, $0x67;
	s19 =	sand.u32 $0x3FFFFE00, s19;
	v5 =	vld [tilespmem:s17+$0x3580];
	[tilespmem:s15+$0x9F00] =	vst v4  }
0x1aa: {  	s13 =	sor.u32 s13, s19;
	v4 =	vld [tilespmem:s17+$0x3600];
	[tilespmem:s15+$0x9F80] =	vst v3;
	s15 =	smov.u32 s17  }
0x1ab: {  	v3 =	vld [tilespmem:s13+$0xD000]  }
0x1ac: {  	v6 =	vld [tilespmem:s15+$0x3680]  }
0x1ad: {  	v7 =	vld [tilespmem:s15+$0x3700]  }
0x1ae: {  	v8 =	vld [tilespmem:s15+$0x3780];
	_ =	sdelay $0x1  }
0x1af: {  	v0 =	vmul.f32 v0, v3;
	v1 =	vmul.f32 v1, v3  }
0x1b0: {  	v2 =	vmul.f32 v2, v3;
	v5 =	vmul.f32 v5, v3  }
0x1b1: {  	s16 =	sadd.s32 $0x10, s16;
	s17 =	sshll.u32 s18, $0x7;
	v9 =	vmul.f32 v4, v3;
	v6 =	vmul.f32 v6, v3;
	[tilespmem:s15+$0x9C00] =	vst v0  }
.Ltmp7:
0x1b2: {  	s13 =	sand.u32 $0x70, s16;
	s17 =	sand.u32 $0xFFFFFC00, s17;
	v4 =	vmul.f32 v7, v3;
	[tilespmem:s15+$0x9C80] =	vst v1;
	v3 =	vmul.f32 v8, v3;
	(pc) =	sbr.rel @p1 .LBB2_5-.Ltmp7, $4  }
0x1b3: {  	s17 =	sor.u32 s13, s17;
	[tilespmem:s15+$0x9D00] =	vst v2  }
0x1b4: {  	v0 =	vld [tilespmem:s17+$0x3400];
	[tilespmem:s15+$0x9D80] =	vst v5  }
0x1b5: {  	v1 =	vld [tilespmem:s17+$0x3480];
	[tilespmem:s15+$0x9E00] =	vst v9  }
0x1b6: {  	s19 =	sshll.u32 s18, $0x6;
	s18 =	sadd.s32 $0x1, s18;
	v2 =	vld [tilespmem:s17+$0x3500];
	[tilespmem:s15+$0x9E80] =	vst v6  }
0x1b7: {  	v5 =	vld [tilespmem:s17+$0x3580];
	[tilespmem:s15+$0x9F00] =	vst v4;
	s16 =	sand.u32 $0x3FFFFE00, s19  }
0x1b8: {  	v4 =	vld [tilespmem:s17+$0x3600];
	s13 =	sor.u32 s13, s16;
	[tilespmem:s15+$0x9F80] =	vst v3  }
0x1b9: {  	v3 =	vld [tilespmem:s13+$0xD000];
	_ =	sdelay $0x4  }
0x1ba: {  	v6 =	vld [tilespmem:s17+$0x3680];
	v0 =	vmul.f32 v0, v3  }
0x1bb: {  	v7 =	vld [tilespmem:s17+$0x3700];
	v1 =	vmul.f32 v1, v3  }
0x1bc: {  	v8 =	vld [tilespmem:s17+$0x3780];
	v2 =	vmul.f32 v2, v3;
	[tilespmem:s17+$0x9C00] =	vst v0  }
0x1bd: {  	v59 =	vmul.f32 v5, v3;
	[tilespmem:s17+$0x9C80] =	vst v1  }
0x1be: {  	v60 =	vmul.f32 v4, v3;
	[tilespmem:s17+$0x9D00] =	vst v2  }
0x1bf: {  	v61 =	vmul.f32 v6, v3;
	[tilespmem:s17+$0x9D80] =	vst v59  }
0x1c0: {  	v62 =	vmul.f32 v7, v3;
	[tilespmem:s17+$0x9E00] =	vst v60  }
0x1c1: {  	v63 =	vmul.f32 v8, v3;
	[tilespmem:s17+$0x9E80] =	vst v61  }
0x1c2: {  	[tilespmem:s17+$0x9F00] =	vst v62  }
0x1c3: {  	s22 =	rddreg [dreg:$0x9];
	s15 =	simm.s32 $0x0;
	[tilespmem:s17+$0x9F80] =	vst v63  }
0x1c4: {  	[tilespmem:s26], [sflag:$0x2] =	stream.linear.gather [hbm4b:s22+s15], $0x3400, $0x38;
	[tilespmem:$0x13800] =	vst v63  }
0x1c5: {  	s29 =	rddreg [dreg:$0xb];
	s16 =	simm.s32 $0x0  }
0x1c6: {  	[hbm4b:s29+s15] =	stream.linear.scatter [tilespmem:s9], [sflag:$0x4], $0x3400, $0x38;
	[tilespmem:$0x13800] =	vst v63  }
.LBB2_7:
0x1c7: {  	_ =	swait.ge [sflag:s2], $0x3400;
	p1 =	sgt.u32 s16, $0x6  }
0x1c8: {  	s13 =	simm.s32 $0x1;
	s17 =	simm.s32 $0x1;
	s18 =	simm.s32 $0x1  }
0x1c9: {  	s20 =	simm.s32 $0x0;
	s13 =	simm.s32 @!p1 $0x0;
	p1 =	sgt.u32 s16, $0x12  }
0x1ca: {  	s19 =	sand.u32 $0x70, s15;
	s17 =	simm.s32 @!p1 $0x0;
	p1 =	sgt.u32 s16, $0x1C  }
0x1cb: {  	[sflag:s2] =	ssyncset.done $0x0;
	s13 =	sadd.s32 s17, s13;
	s18 =	simm.s32 @!p1 $0x0  }
0x1cc: {  	s21 =	sand.u32 $0xFFFFFC00, s20;
	[sflag:s2] =	ssyncadd.s32 $0xFFFFCC00;
	s13 =	sadd.s32 s18, s13  }
0x1cd: {  	s20 =	simm.s32 $0x0;
	_ =	swait.ge [sflag:s10], $0x3400;
	s13 =	sshll.u32 s13, $0x7  }
0x1ce: {  	s22 =	sand.u32 $0x3FFFFE00, s20;
	[sflag:s10] =	ssyncset.done $0x0;
	s13 =	sand.u32 $0x180, s13  }
0x1cf: {  	s18 =	sor.u32 s19, s21;
	[sflag:s10] =	ssyncadd.s32 $0xFFFFCC00;
	s17 =	sor.u32 $0xD000, s13  }
0x1d0: {  	v0 =	vld [tilespmem:s18+$0x0];
	s13 =	sadd.s32 s22, s17  }
0x1d1: {  	v1 =	vld [tilespmem:s18+$0x80];
	s13 =	sadd.s32 s19, s13  }
0x1d2: {  	v2 =	vld [tilespmem:s13+$0x0]  }
0x1d3: {  	v3 =	vld [tilespmem:s18+$0x100]  }
0x1d4: {  	v4 =	vld [tilespmem:s18+$0x180]  }
0x1d5: {  	v5 =	vld [tilespmem:s18+$0x200]  }
0x1d6: {  	v6 =	vld [tilespmem:s18+$0x280]  }
0x1d7: {  	v7 =	vld [tilespmem:s18+$0x300];
	v0 =	vmul.f32 v0, v2  }
0x1d8: {  	v8 =	vld [tilespmem:s18+$0x380];
	v1 =	vmul.f32 v1, v2  }
0x1d9: {  	s29 =	simm.s32 $0x80;
	s19 =	simm.s32 $0x10;
	v3 =	vmul.f32 v3, v2;
	[tilespmem:s18+$0x6800] =	vst v0  }
0x1da: {  	s22 =	sand.u32 $0x70, s19;
	s13 =	sand.u32 $0xFFFFFC00, s29;
	[tilespmem:s18+$0x6880] =	vst v1;
	v1 =	vmul.f32 v4, v2  }
0x1db: {  	s20 =	sor.u32 s22, s13;
	v5 =	vmul.f32 v5, v2;
	[tilespmem:s18+$0x6900] =	vst v3  }
0x1dc: {  	v3 =	vmul.f32 v6, v2;
	v0 =	vld [tilespmem:s20+$0x0];
	[tilespmem:s18+$0x6980] =	vst v1  }
0x1dd: {  	s21 =	simm.s32 $0x2;
	s13 =	simm.s32 $0x40;
	v4 =	vmul.f32 v7, v2;
	v2 =	vmul.f32 v8, v2;
	v1 =	vld [tilespmem:s20+$0x80];
	[tilespmem:s18+$0x6A00] =	vst v5  }
.LBB2_8:
0x1de: {  	p1 =	sne.s32 s21, $0x67;
	s13 =	sand.u32 $0x3FFFFE00, s13;
	v5 =	vld [tilespmem:s20+$0x100];
	[tilespmem:s18+$0x6A80] =	vst v3  }
0x1df: {  	s13 =	sadd.s32 s13, s17;
	v3 =	vld [tilespmem:s20+$0x180];
	[tilespmem:s18+$0x6B00] =	vst v4  }
0x1e0: {  	s13 =	sadd.s32 s22, s13;
	v4 =	vld [tilespmem:s20+$0x200];
	[tilespmem:s18+$0x6B80] =	vst v2;
	s18 =	smov.u32 s20  }
0x1e1: {  	v2 =	vld [tilespmem:s13+$0x0]  }
0x1e2: {  	v6 =	vld [tilespmem:s18+$0x280]  }
0x1e3: {  	v7 =	vld [tilespmem:s18+$0x300]  }
0x1e4: {  	v8 =	vld [tilespmem:s18+$0x380];
	_ =	sdelay $0x1  }
0x1e5: {  	v0 =	vmul.f32 v0, v2;
	v1 =	vmul.f32 v1, v2  }
0x1e6: {  	v5 =	vmul.f32 v5, v2;
	v9 =	vmul.f32 v3, v2  }
.Ltmp8:
0x1e7: {  	s19 =	sadd.s32 $0x10, s19;
	s13 =	sshll.u32 s21, $0x7;
	v10 =	vmul.f32 v4, v2;
	v3 =	vmul.f32 v6, v2;
	[tilespmem:s18+$0x6800] =	vst v0;
	(pc) =	sbr.rel @p1 .LBB2_8-.Ltmp8, $4  }
0x1e8: {  	s22 =	sand.u32 $0x70, s19;
	s13 =	sand.u32 $0xFFFFFC00, s13;
	v4 =	vmul.f32 v7, v2;
	[tilespmem:s18+$0x6880] =	vst v1;
	v2 =	vmul.f32 v8, v2  }
0x1e9: {  	s20 =	sor.u32 s22, s13;
	[tilespmem:s18+$0x6900] =	vst v5  }
0x1ea: {  	v0 =	vld [tilespmem:s20+$0x0];
	[tilespmem:s18+$0x6980] =	vst v9  }
0x1eb: {  	s13 =	sshll.u32 s21, $0x6;
	s21 =	sadd.s32 $0x1, s21;
	v1 =	vld [tilespmem:s20+$0x80];
	[tilespmem:s18+$0x6A00] =	vst v10  }
0x1ec: {  	v5 =	vld [tilespmem:s20+$0x100];
	[tilespmem:s18+$0x6A80] =	vst v3;
	s13 =	sand.u32 $0x3FFFFE00, s13  }
0x1ed: {  	v3 =	vld [tilespmem:s20+$0x180];
	[tilespmem:s18+$0x6B00] =	vst v4;
	s13 =	sadd.s32 s13, s17  }
0x1ee: {  	v4 =	vld [tilespmem:s20+$0x200];
	s13 =	sadd.s32 s22, s13;
	[tilespmem:s18+$0x6B80] =	vst v2  }
0x1ef: {  	v2 =	vld [tilespmem:s13+$0x0];
	_ =	sdelay $0x4  }
0x1f0: {  	v6 =	vld [tilespmem:s20+$0x280];
	v0 =	vmul.f32 v0, v2  }
0x1f1: {  	v7 =	vld [tilespmem:s20+$0x300];
	v1 =	vmul.f32 v1, v2  }
0x1f2: {  	v8 =	vld [tilespmem:s20+$0x380];
	v5 =	vmul.f32 v5, v2;
	[tilespmem:s20+$0x6800] =	vst v0  }
0x1f3: {  	v0 =	vmul.f32 v3, v2;
	[tilespmem:s20+$0x6880] =	vst v1  }
0x1f4: {  	s16 =	sadd.s32 $0x1, s16;
	v1 =	vmul.f32 v4, v2;
	[tilespmem:s20+$0x6900] =	vst v5  }
0x1f5: {  	s18 =	smul.u32 $0xC3800, s16;
	v3 =	vmul.f32 v6, v2;
	[tilespmem:s20+$0x6980] =	vst v0  }
0x1f6: {  	v0 =	vmul.f32 v7, v2;
	[tilespmem:s20+$0x6A00] =	vst v1  }
0x1f7: {  	s19 =	sadd.s32 s18, s8;
	v1 =	vmul.f32 v8, v2;
	[tilespmem:s20+$0x6A80] =	vst v3  }
0x1f8: {  	s13 =	sshrl.u32 s19, $0x3;
	[tilespmem:s20+$0x6B00] =	vst v0  }
0x1f9: {  	s19 =	simm.s32 $0x0;
	s13 =	sadd.s32 s1, s13;
	[tilespmem:s20+$0x6B80] =	vst v1;
	s20 =	sadd.s32 s5, s18  }
0x1fa: {  	[tilespmem:s19], [sflag:$0x1] =	stream.linear.gather [hbm4b:s13+s19], $0x3400, $0x38;
	[tilespmem:$0x13800] =	vst v63  }
0x1fb: {  	s13 =	sshrl.u32 s20, $0x3  }
0x1fc: {  	s13 =	sadd.s32 s3, s13  }
0x1fd: {  	[hbm4b:s13+s19] =	stream.linear.scatter [tilespmem:s6], [sflag:$0x3], $0x3400, $0x38;
	[tilespmem:$0x13800] =	vst v63  }
0x1fe: {  	_ =	swait.ge [sflag:s0], $0x3400  }
0x1ff: {  	[sflag:s0] =	ssyncset.done $0x0  }
0x200: {  	[sflag:s0] =	ssyncadd.s32 $0xFFFFCC00  }
0x201: {  	s21 =	simm.s32 $0x0;
	s22 =	sand.u32 $0x70, s19;
	_ =	swait.ge [sflag:s11], $0x3400  }
0x202: {  	s13 =	sand.u32 $0xFFFFFC00, s21;
	s21 =	simm.s32 $0x0;
	[sflag:s11] =	ssyncset.done $0x0  }
0x203: {  	s19 =	sor.u32 s22, s13;
	s21 =	sand.u32 $0x3FFFFE00, s21;
	[sflag:s11] =	ssyncadd.s32 $0xFFFFCC00  }
0x204: {  	s13 =	sadd.s32 s21, s17;
	v0 =	vld [tilespmem:s19+$0x3400]  }
0x205: {  	s13 =	sadd.s32 s22, s13;
	v1 =	vld [tilespmem:s19+$0x3480]  }
0x206: {  	v2 =	vld [tilespmem:s13+$0x0]  }
0x207: {  	v3 =	vld [tilespmem:s19+$0x3500]  }
0x208: {  	v4 =	vld [tilespmem:s19+$0x3580]  }
0x209: {  	v5 =	vld [tilespmem:s19+$0x3600]  }
0x20a: {  	v6 =	vld [tilespmem:s19+$0x3680]  }
0x20b: {  	v7 =	vld [tilespmem:s19+$0x3700];
	v0 =	vmul.f32 v0, v2  }
0x20c: {  	v63 =	vld [tilespmem:s19+$0x3780];
	v1 =	vmul.f32 v1, v2  }
0x20d: {  	s20 =	simm.s32 $0x10;
	s22 =	simm.s32 $0x80;
	v3 =	vmul.f32 v3, v2;
	[tilespmem:s19+$0x9C00] =	vst v0  }
0x20e: {  	s21 =	sand.u32 $0xFFFFFC00, s22;
	s13 =	sand.u32 $0x70, s20;
	[tilespmem:s19+$0x9C80] =	vst v1;
	v1 =	vmul.f32 v4, v2  }
0x20f: {  	s21 =	sor.u32 s13, s21;
	v5 =	vmul.f32 v5, v2;
	[tilespmem:s19+$0x9D00] =	vst v3  }
0x210: {  	v3 =	vmul.f32 v6, v2;
	v0 =	vld [tilespmem:s21+$0x3400];
	[tilespmem:s19+$0x9D80] =	vst v1  }
0x211: {  	s29 =	simm.s32 $0x40;
	s22 =	simm.s32 $0x2;
	v4 =	vmul.f32 v7, v2;
	v2 =	vmul.f32 v63, v2;
	v1 =	vld [tilespmem:s21+$0x3480];
	[tilespmem:s19+$0x9E00] =	vst v5  }
.LBB2_10:
0x212: {  	p1 =	sne.s32 s22, $0x67;
	s29 =	sand.u32 $0x3FFFFE00, s29;
	v5 =	vld [tilespmem:s21+$0x3500];
	[tilespmem:s19+$0x9E80] =	vst v3  }
0x213: {  	s29 =	sadd.s32 s29, s17;
	v3 =	vld [tilespmem:s21+$0x3580];
	[tilespmem:s19+$0x9F00] =	vst v4  }
0x214: {  	s13 =	sadd.s32 s13, s29;
	v4 =	vld [tilespmem:s21+$0x3600];
	[tilespmem:s19+$0x9F80] =	vst v2;
	s19 =	smov.u32 s21  }
0x215: {  	v2 =	vld [tilespmem:s13+$0x0]  }
0x216: {  	v6 =	vld [tilespmem:s19+$0x3680]  }
0x217: {  	v7 =	vld [tilespmem:s19+$0x3700]  }
0x218: {  	v8 =	vld [tilespmem:s19+$0x3780];
	_ =	sdelay $0x1  }
0x219: {  	v0 =	vmul.f32 v0, v2;
	v1 =	vmul.f32 v1, v2  }
0x21a: {  	v5 =	vmul.f32 v5, v2;
	v9 =	vmul.f32 v3, v2  }
.Ltmp9:
0x21b: {  	s20 =	sadd.s32 $0x10, s20;
	s21 =	sshll.u32 s22, $0x7;
	v10 =	vmul.f32 v4, v2;
	v3 =	vmul.f32 v6, v2;
	[tilespmem:s19+$0x9C00] =	vst v0;
	(pc) =	sbr.rel @p1 .LBB2_10-.Ltmp9, $4  }
0x21c: {  	s13 =	sand.u32 $0x70, s20;
	s21 =	sand.u32 $0xFFFFFC00, s21;
	v4 =	vmul.f32 v7, v2;
	[tilespmem:s19+$0x9C80] =	vst v1;
	v2 =	vmul.f32 v8, v2  }
0x21d: {  	s21 =	sor.u32 s13, s21;
	[tilespmem:s19+$0x9D00] =	vst v5  }
0x21e: {  	v0 =	vld [tilespmem:s21+$0x3400];
	[tilespmem:s19+$0x9D80] =	vst v9  }
0x21f: {  	s29 =	sshll.u32 s22, $0x6;
	s22 =	sadd.s32 $0x1, s22;
	v1 =	vld [tilespmem:s21+$0x3480];
	[tilespmem:s19+$0x9E00] =	vst v10  }
0x220: {  	v5 =	vld [tilespmem:s21+$0x3500];
	[tilespmem:s19+$0x9E80] =	vst v3;
	s20 =	sand.u32 $0x3FFFFE00, s29  }
0x221: {  	v3 =	vld [tilespmem:s21+$0x3580];
	[tilespmem:s19+$0x9F00] =	vst v4;
	s17 =	sadd.s32 s20, s17  }
0x222: {  	v4 =	vld [tilespmem:s21+$0x3600];
	s13 =	sadd.s32 s13, s17;
	[tilespmem:s19+$0x9F80] =	vst v2  }
0x223: {  	v2 =	vld [tilespmem:s13+$0x0];
	_ =	sdelay $0x4  }
0x224: {  	v6 =	vld [tilespmem:s21+$0x3680];
	v0 =	vmul.f32 v0, v2  }
0x225: {  	v7 =	vld [tilespmem:s21+$0x3700];
	v1 =	vmul.f32 v1, v2  }
0x226: {  	v8 =	vld [tilespmem:s21+$0x3780];
	v5 =	vmul.f32 v5, v2;
	[tilespmem:s21+$0x9C00] =	vst v0  }
0x227: {  	v59 =	vmul.f32 v3, v2;
	[tilespmem:s21+$0x9C80] =	vst v1  }
0x228: {  	v60 =	vmul.f32 v4, v2;
	[tilespmem:s21+$0x9D00] =	vst v5  }
0x229: {  	v61 =	vmul.f32 v6, v2;
	[tilespmem:s21+$0x9D80] =	vst v59  }
0x22a: {  	v62 =	vmul.f32 v7, v2;
	[tilespmem:s21+$0x9E00] =	vst v60  }
0x22b: {  	s22 =	sadd.s32 s18, s12;
	v63 =	vmul.f32 v8, v2;
	[tilespmem:s21+$0x9E80] =	vst v61  }
0x22c: {  	p1 =	sne.s32 s16, $0x23;
	s13 =	sshrl.u32 s22, $0x3;
	[tilespmem:s21+$0x9F00] =	vst v62  }
.Ltmp10:
0x22d: {  	s29 =	sadd.s32 s18, s7;
	s13 =	sadd.s32 s1, s13;
	[tilespmem:s21+$0x9F80] =	vst v63;
	(pc) =	sbr.rel @p1 .LBB2_7-.Ltmp10, $4  }
0x22e: {  	[tilespmem:s26], [sflag:$0x2] =	stream.linear.gather [hbm4b:s13+s4], $0x3400, $0x38;
	[tilespmem:$0x13800] =	vst v63  }
0x22f: {  	s13 =	sshrl.u32 s29, $0x3  }
0x230: {  	s13 =	sadd.s32 s3, s13  }
0x231: {  	[hbm4b:s13+s4] =	stream.linear.scatter [tilespmem:s9], [sflag:$0x4], $0x3400, $0x38;
	[tilespmem:$0x13800] =	vst v63  }
0x232: {  	_ =	swait.ge [sflag:s2], $0x3400  }
0x233: {  	[sflag:s2] =	ssyncset.done $0x0  }
0x234: {  	s13 =	simm.s32 $0x0;
	[sflag:s2] =	ssyncadd.s32 $0xFFFFCC00  }
0x235: {  	s15 =	simm.s32 $0x0;
	s16 =	simm.s32 $0x0;
	_ =	swait.ge [sflag:s10], $0x3400  }
0x236: {  	s13 =	sand.u32 $0x70, s13;
	s15 =	sand.u32 $0xFFFFFC00, s15;
	[sflag:s10] =	ssyncset.done $0x0  }
0x237: {  	s16 =	sand.u32 $0x3FFFFE00, s16;
	s15 =	sor.u32 s13, s15;
	[sflag:s10] =	ssyncadd.s32 $0xFFFFCC00  }
0x238: {  	s13 =	sor.u32 s13, s16;
	v0 =	vld [tilespmem:s15+$0x0]  }
0x239: {  	v3 =	vld [tilespmem:s13+$0xD180]  }
0x23a: {  	v1 =	vld [tilespmem:s15+$0x80]  }
0x23b: {  	v2 =	vld [tilespmem:s15+$0x100]  }
0x23c: {  	v4 =	vld [tilespmem:s15+$0x180]  }
0x23d: {  	v5 =	vld [tilespmem:s15+$0x200]  }
0x23e: {  	v6 =	vld [tilespmem:s15+$0x280];
	v0 =	vmul.f32 v0, v3  }
0x23f: {  	v7 =	vld [tilespmem:s15+$0x300];
	v1 =	vmul.f32 v1, v3  }
0x240: {  	s17 =	simm.s32 $0x80;
	s16 =	simm.s32 $0x10;
	v8 =	vld [tilespmem:s15+$0x380];
	v2 =	vmul.f32 v2, v3;
	[tilespmem:s15+$0x6800] =	vst v0  }
0x241: {  	s17 =	sand.u32 $0xFFFFFC00, s17;
	s13 =	sand.u32 $0x70, s16;
	[tilespmem:s15+$0x6880] =	vst v1;
	v1 =	vmul.f32 v4, v3  }
0x242: {  	s17 =	sor.u32 s13, s17;
	[tilespmem:s15+$0x6900] =	vst v2;
	v2 =	vmul.f32 v5, v3  }
0x243: {  	v5 =	vmul.f32 v6, v3;
	v0 =	vld [tilespmem:s17+$0x0];
	[tilespmem:s15+$0x6980] =	vst v1  }
0x244: {  	v4 =	vmul.f32 v7, v3;
	v1 =	vld [tilespmem:s17+$0x80];
	[tilespmem:s15+$0x6A00] =	vst v2  }
0x245: {  	s19 =	simm.s32 $0x40;
	s18 =	simm.s32 $0x2;
	v3 =	vmul.f32 v8, v3;
	v2 =	vld [tilespmem:s17+$0x100];
	[tilespmem:s15+$0x6A80] =	vst v5  }
.LBB2_13:
0x246: {  	p1 =	sne.s32 s18, $0x67;
	s19 =	sand.u32 $0x3FFFFE00, s19;
	v5 =	vld [tilespmem:s17+$0x180];
	[tilespmem:s15+$0x6B00] =	vst v4  }
0x247: {  	s13 =	sor.u32 s13, s19;
	v4 =	vld [tilespmem:s17+$0x200];
	[tilespmem:s15+$0x6B80] =	vst v3;
	s15 =	smov.u32 s17  }
0x248: {  	v3 =	vld [tilespmem:s13+$0xD180]  }
0x249: {  	v6 =	vld [tilespmem:s15+$0x280]  }
0x24a: {  	v7 =	vld [tilespmem:s15+$0x300]  }
0x24b: {  	v8 =	vld [tilespmem:s15+$0x380];
	_ =	sdelay $0x1  }
0x24c: {  	v0 =	vmul.f32 v0, v3;
	v1 =	vmul.f32 v1, v3  }
0x24d: {  	v2 =	vmul.f32 v2, v3;
	v5 =	vmul.f32 v5, v3  }
0x24e: {  	s16 =	sadd.s32 $0x10, s16;
	s17 =	sshll.u32 s18, $0x7;
	v9 =	vmul.f32 v4, v3;
	v6 =	vmul.f32 v6, v3;
	[tilespmem:s15+$0x6800] =	vst v0  }
.Ltmp11:
0x24f: {  	s13 =	sand.u32 $0x70, s16;
	s17 =	sand.u32 $0xFFFFFC00, s17;
	v4 =	vmul.f32 v7, v3;
	[tilespmem:s15+$0x6880] =	vst v1;
	v3 =	vmul.f32 v8, v3;
	(pc) =	sbr.rel @p1 .LBB2_13-.Ltmp11, $4  }
0x250: {  	s17 =	sor.u32 s13, s17;
	[tilespmem:s15+$0x6900] =	vst v2  }
0x251: {  	v0 =	vld [tilespmem:s17+$0x0];
	[tilespmem:s15+$0x6980] =	vst v5  }
0x252: {  	v1 =	vld [tilespmem:s17+$0x80];
	[tilespmem:s15+$0x6A00] =	vst v9  }
0x253: {  	s19 =	sshll.u32 s18, $0x6;
	s18 =	sadd.s32 $0x1, s18;
	v2 =	vld [tilespmem:s17+$0x100];
	[tilespmem:s15+$0x6A80] =	vst v6  }
0x254: {  	v5 =	vld [tilespmem:s17+$0x180];
	[tilespmem:s15+$0x6B00] =	vst v4;
	s16 =	sand.u32 $0x3FFFFE00, s19  }
0x255: {  	v4 =	vld [tilespmem:s17+$0x200];
	s13 =	sor.u32 s13, s16;
	[tilespmem:s15+$0x6B80] =	vst v3  }
0x256: {  	v3 =	vld [tilespmem:s13+$0xD180];
	_ =	sdelay $0x4  }
0x257: {  	v6 =	vld [tilespmem:s17+$0x280];
	v0 =	vmul.f32 v0, v3  }
0x258: {  	v7 =	vld [tilespmem:s17+$0x300];
	v1 =	vmul.f32 v1, v3  }
0x259: {  	v8 =	vld [tilespmem:s17+$0x380];
	v2 =	vmul.f32 v2, v3;
	[tilespmem:s17+$0x6800] =	vst v0  }
0x25a: {  	v0 =	vmul.f32 v5, v3;
	[tilespmem:s17+$0x6880] =	vst v1  }
0x25b: {  	v1 =	vmul.f32 v4, v3;
	[tilespmem:s17+$0x6900] =	vst v2  }
0x25c: {  	v2 =	vmul.f32 v6, v3;
	[tilespmem:s17+$0x6980] =	vst v0  }
0x25d: {  	v0 =	vmul.f32 v7, v3;
	[tilespmem:s17+$0x6A00] =	vst v1  }
0x25e: {  	v1 =	vmul.f32 v8, v3;
	[tilespmem:s17+$0x6A80] =	vst v2  }
0x25f: {  	[tilespmem:s17+$0x6B00] =	vst v0  }
0x260: {  	s19 =	simm.s32 $0x0;
	s20 =	rddreg [dreg:$0xa];
	[tilespmem:s17+$0x6B80] =	vst v1  }
0x261: {  	[hbm4b:s20+s19] =	stream.linear.scatter [tilespmem:s6], [sflag:$0x3], $0x3400, $0x38;
	[tilespmem:$0x13800] =	vst v63  }
0x262: {  	_ =	swait.ge [sflag:s0], $0x3400  }
0x263: {  	[sflag:s0] =	ssyncset.done $0x0  }
0x264: {  	[sflag:s0] =	ssyncadd.s32 $0xFFFFCC00  }
0x265: {  	s21 =	simm.s32 $0x0;
	s22 =	simm.s32 $0x0;
	_ =	swait.ge [sflag:s11], $0x3400  }
0x266: {  	s15 =	sand.u32 $0xFFFFFC00, s21;
	s13 =	sand.u32 $0x70, s19;
	[sflag:s11] =	ssyncset.done $0x0  }
0x267: {  	s16 =	sand.u32 $0x3FFFFE00, s22;
	s15 =	sor.u32 s13, s15;
	[sflag:s11] =	ssyncadd.s32 $0xFFFFCC00  }
0x268: {  	s13 =	sor.u32 s13, s16;
	v0 =	vld [tilespmem:s15+$0x3400]  }
0x269: {  	v3 =	vld [tilespmem:s13+$0xD180]  }
0x26a: {  	v1 =	vld [tilespmem:s15+$0x3480]  }
0x26b: {  	v2 =	vld [tilespmem:s15+$0x3500]  }
0x26c: {  	v4 =	vld [tilespmem:s15+$0x3580]  }
0x26d: {  	v5 =	vld [tilespmem:s15+$0x3600]  }
0x26e: {  	v6 =	vld [tilespmem:s15+$0x3680];
	v0 =	vmul.f32 v0, v3  }
0x26f: {  	v7 =	vld [tilespmem:s15+$0x3700];
	v1 =	vmul.f32 v1, v3  }
0x270: {  	s29 =	simm.s32 $0x80;
	s16 =	simm.s32 $0x10;
	v63 =	vld [tilespmem:s15+$0x3780];
	v2 =	vmul.f32 v2, v3;
	[tilespmem:s15+$0x9C00] =	vst v0  }
0x271: {  	s17 =	sand.u32 $0xFFFFFC00, s29;
	s13 =	sand.u32 $0x70, s16;
	[tilespmem:s15+$0x9C80] =	vst v1;
	v1 =	vmul.f32 v4, v3  }
0x272: {  	s17 =	sor.u32 s13, s17;
	[tilespmem:s15+$0x9D00] =	vst v2;
	v2 =	vmul.f32 v5, v3  }
0x273: {  	v5 =	vmul.f32 v6, v3;
	v0 =	vld [tilespmem:s17+$0x3400];
	[tilespmem:s15+$0x9D80] =	vst v1  }
0x274: {  	v4 =	vmul.f32 v7, v3;
	v1 =	vld [tilespmem:s17+$0x3480];
	[tilespmem:s15+$0x9E00] =	vst v2  }
0x275: {  	s18 =	simm.s32 $0x2;
	s19 =	simm.s32 $0x40;
	s20 =	simm.s32 $0x400;
	v3 =	vmul.f32 v63, v3;
	v2 =	vld [tilespmem:s17+$0x3500];
	[tilespmem:s15+$0x9E80] =	vst v5  }
.LBB2_15:
0x276: {  	p1 =	sne.s32 s18, $0x67;
	s19 =	sand.u32 $0x3FFFFE00, s19;
	v5 =	vld [tilespmem:s17+$0x3580];
	[tilespmem:s15+$0x9F00] =	vst v4  }
0x277: {  	s13 =	sor.u32 s13, s19;
	v4 =	vld [tilespmem:s17+$0x3600];
	[tilespmem:s15+$0x9F80] =	vst v3;
	s15 =	smov.u32 s17  }
0x278: {  	v3 =	vld [tilespmem:s13+$0xD180]  }
0x279: {  	v6 =	vld [tilespmem:s15+$0x3680]  }
0x27a: {  	v7 =	vld [tilespmem:s15+$0x3700]  }
0x27b: {  	v8 =	vld [tilespmem:s15+$0x3780];
	_ =	sdelay $0x1  }
0x27c: {  	v0 =	vmul.f32 v0, v3;
	v1 =	vmul.f32 v1, v3  }
0x27d: {  	v2 =	vmul.f32 v2, v3;
	v5 =	vmul.f32 v5, v3  }
0x27e: {  	s16 =	sadd.s32 $0x10, s16;
	s17 =	sshll.u32 s18, $0x7;
	v9 =	vmul.f32 v4, v3;
	v6 =	vmul.f32 v6, v3;
	[tilespmem:s15+$0x9C00] =	vst v0  }
.Ltmp12:
0x27f: {  	s13 =	sand.u32 $0x70, s16;
	s17 =	sand.u32 $0xFFFFFC00, s17;
	v4 =	vmul.f32 v7, v3;
	[tilespmem:s15+$0x9C80] =	vst v1;
	v3 =	vmul.f32 v8, v3;
	(pc) =	sbr.rel @p1 .LBB2_15-.Ltmp12, $4  }
0x280: {  	s17 =	sor.u32 s13, s17;
	[tilespmem:s15+$0x9D00] =	vst v2  }
0x281: {  	v0 =	vld [tilespmem:s17+$0x3400];
	[tilespmem:s15+$0x9D80] =	vst v5  }
0x282: {  	v1 =	vld [tilespmem:s17+$0x3480];
	[tilespmem:s15+$0x9E00] =	vst v9  }
0x283: {  	s19 =	sshll.u32 s18, $0x6;
	s18 =	sadd.s32 $0x1, s18;
	v2 =	vld [tilespmem:s17+$0x3500];
	[tilespmem:s15+$0x9E80] =	vst v6  }
0x284: {  	v5 =	vld [tilespmem:s17+$0x3580];
	[tilespmem:s15+$0x9F00] =	vst v4;
	s16 =	sand.u32 $0x3FFFFE00, s19  }
0x285: {  	v4 =	vld [tilespmem:s17+$0x3600];
	s13 =	sor.u32 s13, s16;
	[tilespmem:s15+$0x9F80] =	vst v3  }
0x286: {  	v3 =	vld [tilespmem:s13+$0xD180];
	_ =	sdelay $0x4  }
0x287: {  	v6 =	vld [tilespmem:s17+$0x3680];
	v0 =	vmul.f32 v0, v3  }
0x288: {  	v7 =	vld [tilespmem:s17+$0x3700];
	v1 =	vmul.f32 v1, v3  }
0x289: {  	v8 =	vld [tilespmem:s17+$0x3780];
	v2 =	vmul.f32 v2, v3;
	[tilespmem:s17+$0x9C00] =	vst v0  }
0x28a: {  	v59 =	vmul.f32 v5, v3;
	[tilespmem:s17+$0x9C80] =	vst v1  }
0x28b: {  	v60 =	vmul.f32 v4, v3;
	[tilespmem:s17+$0x9D00] =	vst v2  }
0x28c: {  	v61 =	vmul.f32 v6, v3;
	[tilespmem:s17+$0x9D80] =	vst v59  }
0x28d: {  	v62 =	vmul.f32 v7, v3;
	[tilespmem:s17+$0x9E00] =	vst v60  }
0x28e: {  	v63 =	vmul.f32 v8, v3;
	[tilespmem:s17+$0x9E80] =	vst v61  }
0x28f: {  	[tilespmem:s17+$0x9F00] =	vst v62  }
0x290: {  	s29 =	rddreg [dreg:$0xc];
	[tilespmem:s17+$0x9F80] =	vst v63  }
0x291: {  	[hbm4b:s29+s4] =	stream.linear.scatter [tilespmem:s9], [sflag:$0x4], $0x3400, $0x38;
	[tilespmem:$0x13800] =	vst v63  }
0x292: {  	_ =	swait.ge [sflag:s10], $0x3400  }
.Ltmp13:
0x293: {  	[sflag:s10] =	ssyncset.done $0x0;
	(pc) =	sbr.rel .LBB2_22-.Ltmp13, $4  }
0x294: {  	[sflag:s10] =	ssyncadd.s32 $0xFFFFCC00  }
0x295: {  	_ =	swait.ge [sflag:s11], $0x3400  }
0x296: {  	[sflag:s11] =	ssyncset.done $0x0  }
0x297: {  	[sflag:s11] =	ssyncadd.s32 $0xFFFFCC00  }
.LBB2_23:
0x298: {  	_ =	sfence.sel $0x180000  }
0x299: {  	[bflag:$0x0] =	sbarrier.arrive $0xFFFF  }
0x29a: {  	_ =	strace $0x90000047  }
0x29b: {  	s0 =	stileid.u32;
	[bflag:$0x2] =	sbarrier.arrive $0xFFFF  }
0x29c: {  	p0 =	sne.s32 s0, $0x0;
	s0 =	rddreg [dreg:$0x3]  }
0x29d: {  	s0 =	sadd.s32 @!p0 $0x100000, s0  }
0x29e: {  	[sflag:s0] =	ssyncadd.tile.s32 @!p0 $0x1;
	_ =	shalt  }
.Lfunc_end2:
_tile_overlayer_lowered:
.L_overlay_start_2:
0x29f: {  	(tag) =	ssettag $0x2  }
0x2a0: {  	s0 =	rddreg [dreg:$0x0];
	s2 =	stileid.u32  }
0x2a1: {  	s1 =	rddreg [dreg:$0x1];
	p0 =	sne.s32 s2, $0x0  }
0x2a2: {  	s3 =	rddreg [dreg:$0x2];
	[bflag:$0x3] =	sbarrier.arrive $0xFFFF;
	s2 =	simm.s32 @!p0 $0x1C05  }
0x2a3: {  	[timem:s3], [sflag:s2] =	dma.local @!p0 [hbm:s0], s1  }
0x2a4: {  	s0 =	simm.s32 @!p0 $0x5  }
0x2a5: {  	_ =	swait.ge @!p0 [sflag:s0], s1  }
0x2a6: {  	s1 =	ssub.s32 @!p0 $0x0, s1;
	[sflag:s0] =	ssyncset.done @!p0 $0x0  }
0x2a7: {  	[sflag:s0] =	ssyncadd.s32 @!p0 s1  }
0x2a8: {  	[bflag:$0x3] =	sbarrier.arrive $0xFFFF  }
0x2a9: {  	_ =	shalt  }

</sc_bundles>
